<compile_context>
chip_gen: v7x
topology: tpu7x:2x2x1
jax: 0.10.2.dev20260603
libtpu: 0.0.44.dev20260713+nightly
codegen_flags: <defaults>
</compile_context>

<pallas_src>
import jax
import jax.numpy as jnp
from jax import lax
from jax.experimental import pallas as pl
from jax.experimental.pallas import tpu as pltpu
from jax.experimental.pallas import tpu_sc as plsc

N = 10000
D = 256
E = 160000
I1 = 128
O2 = 64
A0 = 1999
A1 = 7996

NP = 10240
RB = 256
NB = NP // RB

F32 = jnp.float32


def _dot(a, b):
    return jnp.dot(a, b, preferred_element_type=F32)


def _dot_t(a, b):
    return jax.lax.dot_general(a, b, (((1,), (1,)), ((), ())),
                               preferred_element_type=F32)


def _proj1_body(x_ref, w_ref, b_ref, degs_ref, q_ref, k_ref, v_ref, hp_ref,
                dinv_ref):
    x = x_ref[...]
    y = _dot(x, w_ref[...]) + b_ref[...]
    deg = degs_ref[...] + 1.0
    dinv = jax.lax.rsqrt(deg)
    q_ref[...] = y[:, 0:I1]
    k_ref[...] = y[:, I1:2 * I1]
    v_ref[...] = y[:, 2 * I1:3 * I1]
    hp_ref[...] = dinv * y[:, 3 * I1:4 * I1]
    dinv_ref[...] = dinv


def _proj1(xp, wcat, bcat, degs):
    return pl.pallas_call(
        _proj1_body,
        grid=(NB,),
        in_specs=[
            pl.BlockSpec((RB, D), lambda i: (i, 0)),
            pl.BlockSpec((D, 4 * I1), lambda i: (0, 0)),
            pl.BlockSpec((1, 4 * I1), lambda i: (0, 0)),
            pl.BlockSpec((RB, 1), lambda i: (i, 0)),
        ],
        out_specs=[
            pl.BlockSpec((RB, I1), lambda i: (i, 0)),
            pl.BlockSpec((RB, I1), lambda i: (i, 0)),
            pl.BlockSpec((RB, I1), lambda i: (i, 0)),
            pl.BlockSpec((RB, I1), lambda i: (i, 0)),
            pl.BlockSpec((RB, 1), lambda i: (i, 0)),
        ],
        out_shape=[
            jax.ShapeDtypeStruct((NP, I1), F32),
            jax.ShapeDtypeStruct((NP, I1), F32),
            jax.ShapeDtypeStruct((NP, I1), F32),
            jax.ShapeDtypeStruct((NP, I1), F32),
            jax.ShapeDtypeStruct((NP, 1), F32),
        ],
    )(xp, wcat, bcat, degs)


def _attn_body(q_ref, k_ref, v_ref, o_ref):
    q = q_ref[...]
    s = _dot_t(q, k_ref[...])
    col = jax.lax.broadcasted_iota(jnp.int32, s.shape, 1)
    s = jnp.where(col < N, s, -3e38)
    m = jnp.max(s, axis=1, keepdims=True)
    p = jnp.exp(s - m)
    denom = jnp.sum(p, axis=1, keepdims=True)
    o = _dot(p.astype(jnp.bfloat16), v_ref[...].astype(jnp.bfloat16))
    o_ref[...] = o / denom


def _attn(q, k, v, dh):
    return pl.pallas_call(
        _attn_body,
        grid=(NB,),
        in_specs=[
            pl.BlockSpec((RB, dh), lambda i: (i, 0)),
            pl.BlockSpec((NP, dh), lambda i: (0, 0)),
            pl.BlockSpec((NP, dh), lambda i: (0, 0)),
        ],
        out_specs=pl.BlockSpec((RB, dh), lambda i: (i, 0)),
        out_shape=jax.ShapeDtypeStruct((NP, dh), F32),
    )(q, k, v)


def _sq1_body(s0_ref, s1_ref, hp_ref, dinv_ref, gb_ref, rel_ref, w1_ref,
              b1_ref, w2_ref, b2_ref, q_ref, k_ref, v_ref, hp2_ref):
    dinv = dinv_ref[...]
    xg = dinv * (s0_ref[...] + s1_ref[...] + hp_ref[...]) + gb_ref[...]
    a = jax.nn.relu(jnp.concatenate([xg, rel_ref[...]], axis=1))
    xsq = jax.nn.relu(_dot(a, w1_ref[...]) + b1_ref[...])
    y = _dot(xsq, w2_ref[...]) + b2_ref[...]
    q_ref[...] = y[:, 0:O2]
    k_ref[...] = y[:, O2:2 * O2]
    v_ref[...] = y[:, 2 * O2:3 * O2]
    hp2_ref[...] = jnp.concatenate(
        [dinv * y[:, 3 * O2:4 * O2], jnp.zeros((RB, O2), F32)], axis=1)


def _sq1(s0, s1, hp, dinv, gb, rel, w1t, b1, w2t, b2):
    return pl.pallas_call(
        _sq1_body,
        grid=(NB,),
        in_specs=[
            pl.BlockSpec((RB, I1), lambda i: (i, 0)),
            pl.BlockSpec((RB, I1), lambda i: (i, 0)),
            pl.BlockSpec((RB, I1), lambda i: (i, 0)),
            pl.BlockSpec((RB, 1), lambda i: (i, 0)),
            pl.BlockSpec((1, I1), lambda i: (0, 0)),
            pl.BlockSpec((RB, I1), lambda i: (i, 0)),
            pl.BlockSpec((2 * I1, I1), lambda i: (0, 0)),
            pl.BlockSpec((1, I1), lambda i: (0, 0)),
            pl.BlockSpec((I1, 4 * O2), lambda i: (0, 0)),
            pl.BlockSpec((1, 4 * O2), lambda i: (0, 0)),
        ],
        out_specs=[
            pl.BlockSpec((RB, O2), lambda i: (i, 0)),
            pl.BlockSpec((RB, O2), lambda i: (i, 0)),
            pl.BlockSpec((RB, O2), lambda i: (i, 0)),
            pl.BlockSpec((RB, I1), lambda i: (i, 0)),
        ],
        out_shape=[
            jax.ShapeDtypeStruct((NP, O2), F32),
            jax.ShapeDtypeStruct((NP, O2), F32),
            jax.ShapeDtypeStruct((NP, O2), F32),
            jax.ShapeDtypeStruct((NP, I1), F32),
        ],
    )(s0, s1, hp, dinv, gb, rel, w1t, b1, w2t, b2)


def _sq2_body(s0_ref, s1_ref, hp_ref, dinv_ref, gb_ref, rel_ref, w1_ref,
              b1_ref, o_ref):
    dinv = dinv_ref[...]
    acc = s0_ref[...] + s1_ref[...] + hp_ref[...]
    xg = dinv * acc[:, :O2] + gb_ref[...]
    a = jax.nn.relu(jnp.concatenate([xg, rel_ref[...]], axis=1))
    o_ref[...] = jax.nn.relu(_dot(a, w1_ref[...]) + b1_ref[...])


def _sq2(s0, s1, hp, dinv, gb, rel, w1t, b1):
    return pl.pallas_call(
        _sq2_body,
        grid=(NB,),
        in_specs=[
            pl.BlockSpec((RB, I1), lambda i: (i, 0)),
            pl.BlockSpec((RB, I1), lambda i: (i, 0)),
            pl.BlockSpec((RB, I1), lambda i: (i, 0)),
            pl.BlockSpec((RB, 1), lambda i: (i, 0)),
            pl.BlockSpec((1, O2), lambda i: (0, 0)),
            pl.BlockSpec((RB, O2), lambda i: (i, 0)),
            pl.BlockSpec((2 * O2, O2), lambda i: (0, 0)),
            pl.BlockSpec((1, O2), lambda i: (0, 0)),
        ],
        out_specs=pl.BlockSpec((RB, O2), lambda i: (i, 0)),
        out_shape=jax.ShapeDtypeStruct((NP, O2), F32),
    )(s0, s1, hp, dinv, gb, rel, w1t, b1)


BR = 2048


def _tail_body(xs_ref, br_ref, wr_ref, cb_ref, tww_ref, twb_ref, midw_ref,
               midb_ref, botw_ref, botb_ref, f1w_ref, f1b_ref, f2w_ref,
               f2b_ref, m2_ref, tree_ref, mavg_ref, bwf_ref, otw_ref,
               omid_ref, obot_ref, feat_ref, ogcn_ref):
    xs = xs_ref[...]
    tw = xs[0:1, :]
    row = jax.lax.broadcasted_iota(jnp.int32, (NP, 1), 0)
    wmid = jnp.where((row >= 1) & (row <= A0), 1.0 / A0, 0.0)
    mid_avg = jnp.sum(wmid * xs, axis=0, keepdims=True)

    b4 = br_ref[...]
    m = _dot(b4, wr_ref[...]) + cb_ref[...]
    grow = jax.lax.broadcasted_iota(jnp.int32, (BR, 1), 0)
    gmask = grow < A0
    mmax = jnp.max(jnp.where(gmask, m, -3e38))
    m1 = m / mmax
    rs = jnp.sum(jnp.abs(m1), axis=1, keepdims=True)
    m2 = jnp.where(gmask, m1 / rs, 0.0)
    tree = (m2[:, 0:1] * b4[:, 0:O2]
            + m2[:, 1:2] * b4[:, O2:2 * O2]
            + m2[:, 2:3] * b4[:, 2 * O2:3 * O2]
            + m2[:, 3:4] * b4[:, 3 * O2:4 * O2])
    bwf = jnp.sum(tree, axis=0, keepdims=True) * (1.0 / A0)

    otw = _dot(tw, tww_ref[...]) + twb_ref[...]
    omid = _dot(mid_avg, midw_ref[...]) + midb_ref[...]
    obot = _dot(bwf, botw_ref[...]) + botb_ref[...]
    feat = _dot(jnp.concatenate([tw, mid_avg, bwf], axis=1),
                f1w_ref[...]) + f1b_ref[...]
    ogcn = _dot(jax.nn.relu(feat), f2w_ref[...]) + f2b_ref[...]

    m2_ref[...] = m2
    tree_ref[...] = tree
    mavg_ref[...] = mid_avg
    bwf_ref[...] = bwf
    otw_ref[...] = otw
    omid_ref[...] = omid
    obot_ref[...] = obot
    feat_ref[...] = feat
    ogcn_ref[...] = ogcn


def _tail(xs, br, wr, cb, p):
    full = lambda shape: pl.BlockSpec(shape, lambda: tuple(0 for _ in shape))
    ins = [
        (xs, (NP, O2)), (br, (BR, 4 * O2)), (wr, (4 * O2, 4)), (cb, (1, 4)),
        (p['tw_w'].T, (O2, 4)), (p['tw_b'].reshape(1, 4), (1, 4)),
        (p['mid_w'].T, (O2, 4)), (p['mid_b'].reshape(1, 4), (1, 4)),
        (p['bot_w'].T, (O2, 4)), (p['bot_b'].reshape(1, 4), (1, 4)),
        (p['fc1_w'].T, (3 * O2, O2)), (p['fc1_b'].reshape(1, O2), (1, O2)),
        (p['fc2_w'].T, (O2, 4)), (p['fc2_b'].reshape(1, 4), (1, 4)),
    ]
    outs = [
        ((BR, 4), F32), ((BR, O2), F32), ((1, O2), F32), ((1, O2), F32),
        ((1, 4), F32), ((1, 4), F32), ((1, 4), F32), ((1, O2), F32),
        ((1, 4), F32),
    ]
    return pl.pallas_call(
        _tail_body,
        in_specs=[full(s) for _, s in ins],
        out_specs=[full(s) for s, _ in outs],
        out_shape=[jax.ShapeDtypeStruct(s, d) for s, d in outs],
    )(*[a for a, _ in ins])


NW = 32
CH = 128
NCH = 40
EP = NW * NCH * CH
RT = NP // 16
ZR = 32


def _zero_fill(z_v, s, acc, dm):
    zv = jnp.zeros((16,), F32)

    @pl.loop(0, ZR)
    def _(r):
        for jj in range(dm // 16):
            z_v[r, pl.ds(jj * 16, 16)] = zv

    @pl.loop(0, RT // ZR)
    def _(t):
        pltpu.sync_copy(z_v, acc.at[pl.ds(s * RT + t * ZR, ZR)])


def _sc_scatter(dm):
    mesh = plsc.VectorSubcoreMesh(core_axis_name="c", subcore_axis_name="s")

    def body(hp_hbm, srcg, dstg, out_hbm, src_v, dst_v, rows0, rows1, z_v,
             acc, sem0, sem1):
        c = lax.axis_index("c")
        s = lax.axis_index("s")
        wid = s * 2 + c
        _zero_fill(z_v, s, acc, dm)
        pltpu.sync_copy(srcg.at[wid], src_v)
        pltpu.sync_copy(dstg.at[wid], dst_v)
        plsc.subcore_barrier()

        def gather(j, buf, sem):
            pltpu.async_copy(hp_hbm.at[src_v.at[j]], buf, sem)

        def drain(buf, sem):
            pltpu.make_async_copy(hp_hbm.at[src_v.at[0]], buf, sem).wait()

        def scat(j, buf):
            pltpu.sync_copy(buf, acc.at[dst_v.at[j]], add=True)

        jmax = jnp.minimum(NCH, E // CH - wid * NCH)
        gather(0, rows0, sem0)

        @pl.loop(0, jmax, step=2)
        def _(j):
            gather(j + 1, rows1, sem1)
            drain(rows0, sem0)
            scat(j, rows0)

            @pl.when(j + 2 < jmax)
            def _():
                gather(j + 2, rows0, sem0)

            drain(rows1, sem1)
            scat(j + 1, rows1)

        plsc.subcore_barrier()
        pltpu.sync_copy(acc.at[pl.ds(s * RT, RT)],
                        out_hbm.at[c].at[pl.ds(s * RT, RT)])

    return pl.kernel(
        body,
        out_type=jax.ShapeDtypeStruct((2, NP, dm), F32),
        mesh=mesh,
        scratch_types=[
            pltpu.VMEM((NCH, CH), jnp.int32),
            pltpu.VMEM((NCH, CH), jnp.int32),
            pltpu.VMEM((CH, dm), F32),
            pltpu.VMEM((CH, dm), F32),
            pltpu.VMEM((ZR, dm), F32),
            pltpu.VMEM_SHARED((NP, dm), F32),
            pltpu.SemaphoreType.DMA,
            pltpu.SemaphoreType.DMA,
        ],
    )


def _sc_deg():
    mesh = plsc.VectorSubcoreMesh(core_axis_name="c", subcore_axis_name="s")

    def body(dstg, out_hbm, dst_v, ones_v, z_v, acc):
        c = lax.axis_index("c")
        s = lax.axis_index("s")
        wid = s * 2 + c
        _zero_fill(z_v, s, acc, I1)
        ov = jnp.ones((16,), F32)

        @pl.loop(0, CH)
        def _(r):
            for jj in range(I1 // 16):
                ones_v[r, pl.ds(jj * 16, 16)] = ov

        pltpu.sync_copy(dstg.at[wid], dst_v)
        plsc.subcore_barrier()
        jmax = jnp.minimum(NCH, E // CH - wid * NCH)

        @pl.loop(0, jmax)
        def _(j):
            pltpu.sync_copy(ones_v, acc.at[dst_v.at[j]], add=True)

        plsc.subcore_barrier()
        pltpu.sync_copy(acc.at[pl.ds(s * RT, RT)],
                        out_hbm.at[c].at[pl.ds(s * RT, RT)])

    return pl.kernel(
        body,
        out_type=jax.ShapeDtypeStruct((2, NP, I1), F32),
        mesh=mesh,
        scratch_types=[
            pltpu.VMEM((NCH, CH), jnp.int32),
            pltpu.VMEM((CH, I1), F32),
            pltpu.VMEM((ZR, I1), F32),
            pltpu.VMEM_SHARED((NP, I1), F32),
        ],
    )


def kernel(x, params, edge_index, arch_list):
    p = params
    shift = ((arch_list[0] - A0) + (arch_list[1] - A1)).astype(F32)
    xp = jnp.pad(x + shift, ((0, NP - N), (0, 0)))
    ei = jnp.concatenate(
        [edge_index,
         jnp.full((2, EP - E), NP - 1, edge_index.dtype)], axis=1)
    srcg = ei[0].reshape(NW, NCH, CH)
    dstg = ei[1].reshape(NW, NCH, CH)

    degp = _sc_deg()(dstg)
    degs = degp[0, :, :1] + degp[1, :, :1]

    wcat1 = jnp.concatenate(
        [p['q1_w'].T, p['k1_w'].T, p['v1_w'].T, p['g1_w'].T], axis=1)
    bcat1 = jnp.concatenate(
        [p['q1_b'], p['k1_b'], p['v1_b'], jnp.zeros((I1,), F32)]
    ).reshape(1, 4 * I1)
    q1, k1, v1, hp1, dinv = _proj1(xp, wcat1, bcat1, degs)

    rel1 = _attn(q1, k1, v1, I1)
    s1p = _sc_scatter(I1)(hp1, srcg, dstg)
    s1a, s1b = s1p[0], s1p[1]

    wcat2 = jnp.concatenate(
        [p['q2_w'].T, p['k2_w'].T, p['v2_w'].T, p['g2_w'].T], axis=1)
    bcat2 = jnp.concatenate(
        [p['q2_b'], p['k2_b'], p['v2_b'], jnp.zeros((O2,), F32)]
    ).reshape(1, 4 * O2)
    q2, k2, v2, hp2 = _sq1(s1a, s1b, hp1, dinv, p['g1_b'].reshape(1, I1),
                           rel1, p['sq1_w'].T, p['sq1_b'].reshape(1, I1),
                           wcat2, bcat2)

    rel2 = _attn(q2, k2, v2, O2)
    s2p = _sc_scatter(I1)(hp2, srcg, dstg)
    s2a, s2b = s2p[0], s2p[1]

    xsq2 = _sq2(s2a, s2b, hp2, dinv, p['g2_b'].reshape(1, O2), rel2,
                p['sq2_w'].T, p['sq2_b'].reshape(1, O2))

    bottom = xsq2[1 + A0:1 + A0 + A1]
    br = jnp.pad(bottom.reshape(A0, 4 * O2), ((0, BR - A0), (0, 0)))
    wr = jnp.transpose(p['conv_w'], (2, 1, 0)).reshape(4 * O2, 4)
    cb = p['conv_b'].reshape(1, 4)

    (m2, tree, mid_avg, bwf, otw, omid, obot, feat, ogcn) = _tail(
        xsq2, br, wr, cb, p)

    tw = xsq2[0:1, :]
    mid = xsq2[1:1 + A0, :]
    bwv = m2.reshape(4 * BR, 1)[:A1]
    tree_bottom = tree[:A0]
    return (ogcn, otw, omid, obot, feat, tw, mid_avg, bwf, bwv, mid,
            tree_bottom)

# --- scband reference (transcript-rebuilt; emitter-appended) ---
"""Pipeline reference for scband-aggregator-45981919871430 (READ-ONLY COPY).

The authoritative reference and input builder live on the scoring server;
editing this copy changes nothing except your own understanding.
"""

import jax, jax.numpy as jnp
import numpy as np

N = 10000
D = 256
E = 160000
INTER = 128
OUT = 64
CLS = 4
A0 = 1999
A1 = 7996


def _lin(x, W, b):
    return x @ W.T + b


def _patch_rel(x, Wq, bq, Wk, bk, Wv, bv):
    q = _lin(x, Wq, bq)
    k = _lin(x, Wk, bk)
    aff = q @ k.T
    aff = jax.nn.softmax(aff, axis=-1)
    v = _lin(x, Wv, bv)
    return aff @ v


def _gcn(x, edge_index, W, b):
    # GCNConv: add self-loops, symmetric normalization, linear transform, scatter-add, bias
    n = x.shape[0]
    loop = jnp.arange(n, dtype=edge_index.dtype)
    src = jnp.concatenate([edge_index[0], loop])
    dst = jnp.concatenate([edge_index[1], loop])
    deg = jnp.zeros((n,), x.dtype).at[dst].add(1.0)
    dinv = jnp.where(deg > 0, deg ** -0.5, 0.0)
    norm = dinv[src] * dinv[dst]
    h = x @ W.T
    out = jnp.zeros((n, W.shape[0]), x.dtype).at[dst].add(h[src] * norm[:, None])
    return out + b


def _forward(x, p, edge_index, arch_list):
    a0 = A0; a1 = A1
    x = x + ((arch_list[0] - A0) + (arch_list[1] - A1)).astype(x.dtype)
    rel1 = _patch_rel(x, p['q1_w'], p['q1_b'], p['k1_w'], p['k1_b'], p['v1_w'], p['v1_b'])
    xg1 = _gcn(x, edge_index, p['g1_w'], p['g1_b'])
    xsq1 = jax.nn.relu(_lin(jax.nn.relu(jnp.concatenate([xg1, rel1], axis=1)), p['sq1_w'], p['sq1_b']))
    rel2 = _patch_rel(xsq1, p['q2_w'], p['q2_b'], p['k2_w'], p['k2_b'], p['v2_w'], p['v2_b'])
    xg2 = _gcn(xsq1, edge_index, p['g2_w'], p['g2_b'])
    xsq2 = jax.nn.relu(_lin(jax.nn.relu(jnp.concatenate([xg2, rel2], axis=1)), p['sq2_w'], p['sq2_b']))
    tw = xsq2[0:1, :]
    mid = xsq2[1:1 + a0, :]
    mid_avg = jnp.mean(mid, axis=0, keepdims=True)
    bottom = xsq2[1 + a0:1 + a0 + a1, :]
    br = jnp.transpose(bottom[None, :, :], (0, 2, 1))
    bw = jax.lax.conv_general_dilated(br, p['conv_w'], (4,), 'VALID', dimension_numbers=('NCH', 'OIH', 'NCH')) + p['conv_b'][None, :, None]
    bw = bw.reshape(4, -1)
    bwv = jnp.zeros((a1,), xsq2.dtype)
    for pi in range(4):
        bwv = bwv.at[jnp.arange(pi, a1, 4)].set(bw[pi])
    bwv = (bwv / jnp.max(bwv)).reshape(-1, 1)
    bwv = (bwv.reshape(a0, 4) / jnp.sum(jnp.abs(bwv.reshape(a0, 4)), axis=-1, keepdims=True)).reshape(a1, 1)
    tree_bottom = jnp.transpose(jnp.sum(jnp.transpose(bwv.reshape(-1, 1) * bottom, (1, 0)).reshape(-1, a0, 4), axis=-1), (1, 0))
    bwv = bwv.reshape(-1, 1)
    bottom_wf = (jnp.sum(bwv * bottom, axis=0).reshape(1, -1)) / a0
    out_tw = _lin(tw, p['tw_w'], p['tw_b']).reshape(1, -1)
    out_mid = _lin(mid_avg, p['mid_w'], p['mid_b']).reshape(1, -1)
    out_bottom = _lin(bottom_wf, p['bot_w'], p['bot_b']).reshape(1, -1)
    gcn_feat = _lin(jnp.concatenate([tw, mid_avg, bottom_wf], axis=-1), p['fc1_w'], p['fc1_b'])
    out_gcn = _lin(jax.nn.relu(gcn_feat), p['fc2_w'], p['fc2_b'])
    return (out_gcn, out_tw, out_mid, out_bottom, gcn_feat, tw, mid_avg, bottom_wf, bwv, mid, tree_bottom)


def setup_inputs(seed: int = 0) -> dict:
    key = jax.random.key(seed)
    ks = jax.random.split(key, 24)
    x = jax.random.normal(ks[0], (N, D), dtype=jnp.float32)
    edge_index = jax.random.randint(ks[1], (2, E), 0, N, dtype=jnp.int32)

    def lin_init(k, o, i):
        k1, k2 = jax.random.split(k)
        bound = 1.0 / float(np.sqrt(i))
        W = jax.random.uniform(k1, (o, i), minval=-bound, maxval=bound, dtype=jnp.float32)
        b = jax.random.uniform(k2, (o,), minval=-bound, maxval=bound, dtype=jnp.float32)
        return W, b

    p = {}
    p['q1_w'], p['q1_b'] = lin_init(ks[2], INTER, D)
    p['k1_w'], p['k1_b'] = lin_init(ks[3], INTER, D)
    p['v1_w'], p['v1_b'] = lin_init(ks[4], INTER, D)
    p['g1_w'], p['g1_b'] = lin_init(ks[5], INTER, D)
    p['sq1_w'], p['sq1_b'] = lin_init(ks[6], INTER, 2 * INTER)
    p['q2_w'], p['q2_b'] = lin_init(ks[7], OUT, INTER)
    p['k2_w'], p['k2_b'] = lin_init(ks[8], OUT, INTER)
    p['v2_w'], p['v2_b'] = lin_init(ks[9], OUT, INTER)
    p['g2_w'], p['g2_b'] = lin_init(ks[10], OUT, INTER)
    p['sq2_w'], p['sq2_b'] = lin_init(ks[11], OUT, 2 * OUT)
    p['tw_w'], p['tw_b'] = lin_init(ks[12], CLS, OUT)
    p['mid_w'], p['mid_b'] = lin_init(ks[13], CLS, OUT)
    p['bot_w'], p['bot_b'] = lin_init(ks[14], CLS, OUT)
    p['fc1_w'], p['fc1_b'] = lin_init(ks[15], OUT, 3 * OUT)
    p['fc2_w'], p['fc2_b'] = lin_init(ks[16], CLS, OUT)
    cb = 1.0 / float(np.sqrt(OUT * 4))
    p['conv_w'] = jax.random.uniform(ks[17], (4, OUT, 4), minval=-cb, maxval=cb, dtype=jnp.float32)
    p['conv_b'] = jax.random.uniform(ks[18], (4,), minval=-cb, maxval=cb, dtype=jnp.float32)
    arch_list = np.array([A0, A1], dtype=np.int64)
    return {"x": x, "params": p, "edge_index": edge_index, "arch_list": arch_list}


def reference(x, params, edge_index, arch_list):
    return _forward(x, params, edge_index, arch_list)

if __name__ == "__main__":
    import jax
    _d = setup_inputs()
    print(jax.jit(kernel)(*tuple(_d.values())))

</pallas_src>

<mosaic_0001>
#map = affine_map<(d0, d1) -> (0, 0)>
#map1 = affine_map<(d0, d1) -> (0, 0, 0)>
module attributes {stable_mosaic.version = 14 : i64} {
  func.func @body(%arg0: i32, %arg1: i32, %arg2: memref<10240x128xf32, #tpu.memory_space<hbm>>, %arg3: memref<32x40x128xi32, #tpu.memory_space<hbm>>, %arg4: memref<32x40x128xi32, #tpu.memory_space<hbm>>, %arg5: memref<2x10240x128xf32, #tpu.memory_space<hbm>>, %arg6: memref<40x128xi32, #tpu.memory_space<vmem>>, %arg7: memref<40x128xi32, #tpu.memory_space<vmem>>, %arg8: memref<128x128xf32, #tpu.memory_space<vmem>>, %arg9: memref<128x128xf32, #tpu.memory_space<vmem>>, %arg10: memref<32x128xf32, #tpu.memory_space<vmem>>, %arg11: memref<10240x128xf32, #tpu.memory_space<vmem_shared>>, %arg12: memref<!tpu.dma_semaphore, #tpu.memory_space<semaphore_mem>>, %arg13: memref<!tpu.dma_semaphore, #tpu.memory_space<semaphore_mem>>) attributes {dimension_semantics = [#tpu.dimension_semantics<core_parallel>, #tpu.dimension_semantics<subcore_parallel>], iteration_bounds = array<i64: 2, 16>, scalar_prefetch = 0 : i64, scratch_operands = 8 : i64, tpu.core_type = #tpu.core_type<sc_vector_subcore>, window_params = [{transform_indices = #map}, {transform_indices = #map1}, {transform_indices = #map1}, {transform_indices = #map1}]} {
    %mul3A = arith.constant 2 : i32
    %mul3A_0 = arith.muli %arg1, %mul3A : i32
    %add3A = arith.addi %mul3A_0, %arg0 : i32
    %broadcast_in_dim3A = arith.constant 0.000000e+00 : f32
    %broadcast_in_dim3A_1 = vector.broadcast %broadcast_in_dim3A : f32 to vector<16xf32>
    %scan3A = arith.constant 0 : i32
    %scan3A_2 = arith.constant 32 : i32
    %scan3A_3 = arith.addi %scan3A, %scan3A_2 : i32
    %scan3A_4 = arith.constant 1 : i32
    scf.for %scan3A_43 = %scan3A to %scan3A_3 step %scan3A_4  : i32 {
      %mul3A_44 = arith.constant 1 : i32
      %mul3A_45 = arith.muli %scan3A_43, %mul3A_44 : i32
      %add3A_46 = arith.constant 0 : i32
      %add3A_47 = arith.addi %add3A_46, %mul3A_45 : i32
      %swap3A = arith.index_cast %add3A_47 : i32 to index
      %swap3A_48 = arith.constant 0 : index
      %swap3A_49 = tpu.vector_load %arg10[%swap3A, %swap3A_48] {strides = array<i32>} : memref<32x128xf32, #tpu.memory_space<vmem>>, vector<1x16xf32>,
      %swap3A_50 = vector.shape_cast %swap3A_49 : vector<1x16xf32> to vector<16xf32>
      %swap3A_51 = vector.shape_cast %broadcast_in_dim3A_1 : vector<16xf32> to vector<1x16xf32>
      tpu.vector_store %arg10[%swap3A, %swap3A_48], %swap3A_51 {strides = array<i32>} : memref<32x128xf32, #tpu.memory_space<vmem>>, vector<1x16xf32>,
      %swap3A_52 = arith.index_cast %add3A_47 : i32 to index
      %swap3A_53 = arith.constant 16 : index
      %swap3A_54 = tpu.vector_load %arg10[%swap3A_52, %swap3A_53] {strides = array<i32>} : memref<32x128xf32, #tpu.memory_space<vmem>>, vector<1x16xf32>,
      %swap3A_55 = vector.shape_cast %swap3A_54 : vector<1x16xf32> to vector<16xf32>
      %swap3A_56 = vector.shape_cast %broadcast_in_dim3A_1 : vector<16xf32> to vector<1x16xf32>
      tpu.vector_store %arg10[%swap3A_52, %swap3A_53], %swap3A_56 {strides = array<i32>} : memref<32x128xf32, #tpu.memory_space<vmem>>, vector<1x16xf32>,
      %swap3A_57 = arith.index_cast %add3A_47 : i32 to index
      %swap3A_58 = arith.constant 32 : index
      %swap3A_59 = tpu.vector_load %arg10[%swap3A_57, %swap3A_58] {strides = array<i32>} : memref<32x128xf32, #tpu.memory_space<vmem>>, vector<1x16xf32>,
      %swap3A_60 = vector.shape_cast %swap3A_59 : vector<1x16xf32> to vector<16xf32>
      %swap3A_61 = vector.shape_cast %broadcast_in_dim3A_1 : vector<16xf32> to vector<1x16xf32>
      tpu.vector_store %arg10[%swap3A_57, %swap3A_58], %swap3A_61 {strides = array<i32>} : memref<32x128xf32, #tpu.memory_space<vmem>>, vector<1x16xf32>,
      %swap3A_62 = arith.index_cast %add3A_47 : i32 to index
      %swap3A_63 = arith.constant 48 : index
      %swap3A_64 = tpu.vector_load %arg10[%swap3A_62, %swap3A_63] {strides = array<i32>} : memref<32x128xf32, #tpu.memory_space<vmem>>, vector<1x16xf32>,
      %swap3A_65 = vector.shape_cast %swap3A_64 : vector<1x16xf32> to vector<16xf32>
      %swap3A_66 = vector.shape_cast %broadcast_in_dim3A_1 : vector<16xf32> to vector<1x16xf32>
      tpu.vector_store %arg10[%swap3A_62, %swap3A_63], %swap3A_66 {strides = array<i32>} : memref<32x128xf32, #tpu.memory_space<vmem>>, vector<1x16xf32>,
      %swap3A_67 = arith.index_cast %add3A_47 : i32 to index
      %swap3A_68 = arith.constant 64 : index
      %swap3A_69 = tpu.vector_load %arg10[%swap3A_67, %swap3A_68] {strides = array<i32>} : memref<32x128xf32, #tpu.memory_space<vmem>>, vector<1x16xf32>,
      %swap3A_70 = vector.shape_cast %swap3A_69 : vector<1x16xf32> to vector<16xf32>
      %swap3A_71 = vector.shape_cast %broadcast_in_dim3A_1 : vector<16xf32> to vector<1x16xf32>
      tpu.vector_store %arg10[%swap3A_67, %swap3A_68], %swap3A_71 {strides = array<i32>} : memref<32x128xf32, #tpu.memory_space<vmem>>, vector<1x16xf32>,
      %swap3A_72 = arith.index_cast %add3A_47 : i32 to index
      %swap3A_73 = arith.constant 80 : index
      %swap3A_74 = tpu.vector_load %arg10[%swap3A_72, %swap3A_73] {strides = array<i32>} : memref<32x128xf32, #tpu.memory_space<vmem>>, vector<1x16xf32>,
      %swap3A_75 = vector.shape_cast %swap3A_74 : vector<1x16xf32> to vector<16xf32>
      %swap3A_76 = vector.shape_cast %broadcast_in_dim3A_1 : vector<16xf32> to vector<1x16xf32>
      tpu.vector_store %arg10[%swap3A_72, %swap3A_73], %swap3A_76 {strides = array<i32>} : memref<32x128xf32, #tpu.memory_space<vmem>>, vector<1x16xf32>,
      %swap3A_77 = arith.index_cast %add3A_47 : i32 to index
      %swap3A_78 = arith.constant 96 : index
      %swap3A_79 = tpu.vector_load %arg10[%swap3A_77, %swap3A_78] {strides = array<i32>} : memref<32x128xf32, #tpu.memory_space<vmem>>, vector<1x16xf32>,
      %swap3A_80 = vector.shape_cast %swap3A_79 : vector<1x16xf32> to vector<16xf32>
      %swap3A_81 = vector.shape_cast %broadcast_in_dim3A_1 : vector<16xf32> to vector<1x16xf32>
      tpu.vector_store %arg10[%swap3A_77, %swap3A_78], %swap3A_81 {strides = array<i32>} : memref<32x128xf32, #tpu.memory_space<vmem>>, vector<1x16xf32>,
      %swap3A_82 = arith.index_cast %add3A_47 : i32 to index
      %swap3A_83 = arith.constant 112 : index
      %swap3A_84 = tpu.vector_load %arg10[%swap3A_82, %swap3A_83] {strides = array<i32>} : memref<32x128xf32, #tpu.memory_space<vmem>>, vector<1x16xf32>,
      %swap3A_85 = vector.shape_cast %swap3A_84 : vector<1x16xf32> to vector<16xf32>
      %swap3A_86 = vector.shape_cast %broadcast_in_dim3A_1 : vector<16xf32> to vector<1x16xf32>
      tpu.vector_store %arg10[%swap3A_82, %swap3A_83], %swap3A_86 {strides = array<i32>} : memref<32x128xf32, #tpu.memory_space<vmem>>, vector<1x16xf32>,
    }
    %scan3A_5 = arith.constant 32 : i32
    %scan3A_6 = arith.constant 0 : i32
    %scan3A_7 = arith.constant 20 : i32
    %scan3A_8 = arith.addi %scan3A_6, %scan3A_7 : i32
    %scan3A_9 = arith.constant 1 : i32
    scf.for %scan3A_43 = %scan3A_6 to %scan3A_8 step %scan3A_9  : i32 {
      %mul3A_44 = arith.constant 1 : i32
      %mul3A_45 = arith.muli %scan3A_43, %mul3A_44 : i32
      %add3A_46 = arith.constant 0 : i32
      %add3A_47 = arith.addi %add3A_46, %mul3A_45 : i32
      %mul3A_48 = arith.constant 640 : i32
      %mul3A_49 = arith.muli %arg1, %mul3A_48 : i32
      %mul3A_50 = arith.constant 32 : i32
      %mul3A_51 = arith.muli %add3A_47, %mul3A_50 : i32
      %add3A_52 = arith.addi %mul3A_49, %mul3A_51 : i32
      "tpu.region"() ({
        %run_scoped3A = tpu.sem_alloc : memref<!tpu.dma_semaphore, #tpu.memory_space<semaphore_mem>>
        %dma_start3A_53 = arith.constant 0 : i32
        %dma_start3A_54 = tpu.memref_slice %arg11[%add3A_52, %dma_start3A_53] : memref<10240x128xf32, #tpu.memory_space<vmem_shared>> -> memref<32x128xf32, #tpu.memory_space<vmem_shared>>
        %dma_start3A_55 = arith.constant 0 : i32
        %dma_start3A_56 = tpu.memref_slice %arg11[%add3A_52, %dma_start3A_55] : memref<10240x128xf32, #tpu.memory_space<vmem_shared>> -> memref<32x128xf32, #tpu.memory_space<vmem_shared>>
        tpu.enqueue_dma source(%arg10 : memref<32x128xf32, #tpu.memory_space<vmem>>) target(%dma_start3A_56 : memref<32x128xf32, #tpu.memory_space<vmem_shared>>) target_semaphore(%run_scoped3A : memref<!tpu.dma_semaphore, #tpu.memory_space<semaphore_mem>>)
        %dma_wait3A = arith.constant 0 : i32
        %dma_wait3A_57 = tpu.memref_slice %arg11[%add3A_52, %dma_wait3A] : memref<10240x128xf32, #tpu.memory_space<vmem_shared>> -> memref<32x128xf32, #tpu.memory_space<vmem_shared>>
        %dma_wait3A_58 = arith.constant 0 : i32
        %dma_wait3A_59 = tpu.memref_slice %arg11[%add3A_52, %dma_wait3A_58] : memref<10240x128xf32, #tpu.memory_space<vmem_shared>> -> memref<32x128xf32, #tpu.memory_space<vmem_shared>>
        tpu.wait_dma2 semaphore(%run_scoped3A : memref<!tpu.dma_semaphore, #tpu.memory_space<semaphore_mem>>) src(%arg10 : memref<32x128xf32, #tpu.memory_space<vmem>>) dst(%dma_wait3A_59 : memref<32x128xf32, #tpu.memory_space<vmem_shared>>)
        tpu.yield
      }) : () -> ()
    }
    %scan3A_10 = arith.constant 20 : i32
    "tpu.region"() ({
      %run_scoped3A = tpu.sem_alloc : memref<!tpu.dma_semaphore, #tpu.memory_space<semaphore_mem>>
      %dma_start3A_43 = arith.constant 0 : i32
      %dma_start3A_44 = arith.constant 0 : i32
      %dma_start3A_45 = tpu.memref_slice %arg3[%add3A, %dma_start3A_43, %dma_start3A_44] : memref<32x40x128xi32, #tpu.memory_space<hbm>> -> memref<1x40x128xi32, #tpu.memory_space<hbm>>
      %dma_start3A_46 = tpu.memref_squeeze %dma_start3A_45 : memref<1x40x128xi32, #tpu.memory_space<hbm>> -> memref<40x128xi32, #tpu.memory_space<hbm>>
      %dma_start3A_47 = arith.constant 0 : i32
      %dma_start3A_48 = arith.constant 0 : i32
      %dma_start3A_49 = tpu.memref_slice %arg3[%add3A, %dma_start3A_47, %dma_start3A_48] : memref<32x40x128xi32, #tpu.memory_space<hbm>> -> memref<1x40x128xi32, #tpu.memory_space<hbm>>
      %dma_start3A_50 = tpu.memref_squeeze %dma_start3A_49 : memref<1x40x128xi32, #tpu.memory_space<hbm>> -> memref<40x128xi32, #tpu.memory_space<hbm>>
      tpu.enqueue_dma source(%dma_start3A_50 : memref<40x128xi32, #tpu.memory_space<hbm>>) target(%arg6 : memref<40x128xi32, #tpu.memory_space<vmem>>) target_semaphore(%run_scoped3A : memref<!tpu.dma_semaphore, #tpu.memory_space<semaphore_mem>>)
      %dma_wait3A = arith.constant 0 : i32
      %dma_wait3A_51 = arith.constant 0 : i32
      %dma_wait3A_52 = tpu.memref_slice %arg3[%add3A, %dma_wait3A, %dma_wait3A_51] : memref<32x40x128xi32, #tpu.memory_space<hbm>> -> memref<1x40x128xi32, #tpu.memory_space<hbm>>
      %dma_wait3A_53 = tpu.memref_squeeze %dma_wait3A_52 : memref<1x40x128xi32, #tpu.memory_space<hbm>> -> memref<40x128xi32, #tpu.memory_space<hbm>>
      %dma_wait3A_54 = arith.constant 0 : i32
      %dma_wait3A_55 = arith.constant 0 : i32
      %dma_wait3A_56 = tpu.memref_slice %arg3[%add3A, %dma_wait3A_54, %dma_wait3A_55] : memref<32x40x128xi32, #tpu.memory_space<hbm>> -> memref<1x40x128xi32, #tpu.memory_space<hbm>>
      %dma_wait3A_57 = tpu.memref_squeeze %dma_wait3A_56 : memref<1x40x128xi32, #tpu.memory_space<hbm>> -> memref<40x128xi32, #tpu.memory_space<hbm>>
      tpu.wait_dma2 semaphore(%run_scoped3A : memref<!tpu.dma_semaphore, #tpu.memory_space<semaphore_mem>>) src(%dma_wait3A_57 : memref<40x128xi32, #tpu.memory_space<hbm>>) dst(%arg6 : memref<40x128xi32, #tpu.memory_space<vmem>>)
      tpu.yield
    }) : () -> ()
    "tpu.region"() ({
      %run_scoped3A = tpu.sem_alloc : memref<!tpu.dma_semaphore, #tpu.memory_space<semaphore_mem>>
      %dma_start3A_43 = arith.constant 0 : i32
      %dma_start3A_44 = arith.constant 0 : i32
      %dma_start3A_45 = tpu.memref_slice %arg4[%add3A, %dma_start3A_43, %dma_start3A_44] : memref<32x40x128xi32, #tpu.memory_space<hbm>> -> memref<1x40x128xi32, #tpu.memory_space<hbm>>
      %dma_start3A_46 = tpu.memref_squeeze %dma_start3A_45 : memref<1x40x128xi32, #tpu.memory_space<hbm>> -> memref<40x128xi32, #tpu.memory_space<hbm>>
      %dma_start3A_47 = arith.constant 0 : i32
      %dma_start3A_48 = arith.constant 0 : i32
      %dma_start3A_49 = tpu.memref_slice %arg4[%add3A, %dma_start3A_47, %dma_start3A_48] : memref<32x40x128xi32, #tpu.memory_space<hbm>> -> memref<1x40x128xi32, #tpu.memory_space<hbm>>
      %dma_start3A_50 = tpu.memref_squeeze %dma_start3A_49 : memref<1x40x128xi32, #tpu.memory_space<hbm>> -> memref<40x128xi32, #tpu.memory_space<hbm>>
      tpu.enqueue_dma source(%dma_start3A_50 : memref<40x128xi32, #tpu.memory_space<hbm>>) target(%arg7 : memref<40x128xi32, #tpu.memory_space<vmem>>) target_semaphore(%run_scoped3A : memref<!tpu.dma_semaphore, #tpu.memory_space<semaphore_mem>>)
      %dma_wait3A = arith.constant 0 : i32
      %dma_wait3A_51 = arith.constant 0 : i32
      %dma_wait3A_52 = tpu.memref_slice %arg4[%add3A, %dma_wait3A, %dma_wait3A_51] : memref<32x40x128xi32, #tpu.memory_space<hbm>> -> memref<1x40x128xi32, #tpu.memory_space<hbm>>
      %dma_wait3A_53 = tpu.memref_squeeze %dma_wait3A_52 : memref<1x40x128xi32, #tpu.memory_space<hbm>> -> memref<40x128xi32, #tpu.memory_space<hbm>>
      %dma_wait3A_54 = arith.constant 0 : i32
      %dma_wait3A_55 = arith.constant 0 : i32
      %dma_wait3A_56 = tpu.memref_slice %arg4[%add3A, %dma_wait3A_54, %dma_wait3A_55] : memref<32x40x128xi32, #tpu.memory_space<hbm>> -> memref<1x40x128xi32, #tpu.memory_space<hbm>>
      %dma_wait3A_57 = tpu.memref_squeeze %dma_wait3A_56 : memref<1x40x128xi32, #tpu.memory_space<hbm>> -> memref<40x128xi32, #tpu.memory_space<hbm>>
      tpu.wait_dma2 semaphore(%run_scoped3A : memref<!tpu.dma_semaphore, #tpu.memory_space<semaphore_mem>>) src(%dma_wait3A_57 : memref<40x128xi32, #tpu.memory_space<hbm>>) dst(%arg7 : memref<40x128xi32, #tpu.memory_space<vmem>>)
      tpu.yield
    }) : () -> ()
    %barrier3A = arith.constant 0 : index
    tpu.barrier barrier_id(%barrier3A)
    %mul3A_11 = arith.constant 40 : i32
    %mul3A_12 = arith.muli %add3A, %mul3A_11 : i32
    %sub3A = arith.constant 1250 : i32
    %sub3A_13 = arith.subi %sub3A, %mul3A_12 : i32
    %min3A = arith.constant 40 : i32
    %min3A_14 = arith.minsi %min3A, %sub3A_13 : i32
    %dma_start3A = arith.constant 0 : i32
    %dma_start3A_15 = arith.constant 0 : i32
    %dma_start3A_16 = tpu.memref_slice %arg6[%dma_start3A, %dma_start3A_15] : memref<40x128xi32, #tpu.memory_space<vmem>> -> memref<1x128xi32, #tpu.memory_space<vmem>>
    %dma_start3A_17 = tpu.memref_squeeze %dma_start3A_16 : memref<1x128xi32, #tpu.memory_space<vmem>> -> memref<128xi32, #tpu.memory_space<vmem>>
    %dma_start3A_18 = arith.constant 0 : i32
    %dma_start3A_19 = arith.constant 0 : i32
    %dma_start3A_20 = tpu.memref_slice %arg2[%dma_start3A_18, %dma_start3A_19] : memref<10240x128xf32, #tpu.memory_space<hbm>> -> memref<10240x128xf32, #tpu.memory_space<hbm>>
    tpu.enqueue_indirect_dma source(%dma_start3A_20 : memref<10240x128xf32, #tpu.memory_space<hbm>>) target(%arg8 : memref<128x128xf32, #tpu.memory_space<vmem>>) offsets(%dma_start3A_17 : memref<128xi32, #tpu.memory_space<vmem>>) semaphore(%arg12 : memref<!tpu.dma_semaphore, #tpu.memory_space<semaphore_mem>>)
    %sub3A_21 = arith.constant 0 : i32
    %sub3A_22 = arith.subi %min3A_14, %sub3A_21 : i32
    %sub3A_23 = arith.constant 2 : i32
    %sub3A_24 = arith.constant 1 : i32
    %sub3A_25 = arith.subi %sub3A_23, %sub3A_24 : i32
    %add3A_26 = arith.addi %sub3A_22, %sub3A_25 : i32
    %div3A = arith.constant 2 : i32
    %div3A_27 = arith.divsi %add3A_26, %div3A : i32
    %while3A = arith.constant 2 : i32
    %while3A_28 = arith.constant 0 : i32
    %while3A_29 = arith.constant 0 : i32
    %while3A_30 = arith.subi %div3A_27, %while3A_29 : i32
    %while3A_31 = arith.addi %while3A_29, %while3A_30 : i32
    %while3A_32 = arith.constant 1 : i32
    %while3A_33 = arith.divsi %while3A_30, %while3A_32 : i32
    %while3A_34 = arith.muli %while3A_33, %while3A_32 : i32
    %while3A_35 = arith.addi %while3A_29, %while3A_34 : i32
    %while3A_36 = arith.constant 1 : i32
    scf.for %while3A_43 = %while3A_29 to %while3A_35 step %while3A_36  : i32 {
      %mul3A_44 = arith.muli %while3A_43, %while3A : i32
      %add3A_45 = arith.addi %while3A_28, %mul3A_44 : i32
      %add3A_46 = arith.constant 1 : i32
      %add3A_47 = arith.addi %add3A_45, %add3A_46 : i32
      %dma_start3A_48 = arith.constant 0 : i32
      %dma_start3A_49 = tpu.memref_slice %arg6[%add3A_47, %dma_start3A_48] : memref<40x128xi32, #tpu.memory_space<vmem>> -> memref<1x128xi32, #tpu.memory_space<vmem>>
      %dma_start3A_50 = tpu.memref_squeeze %dma_start3A_49 : memref<1x128xi32, #tpu.memory_space<vmem>> -> memref<128xi32, #tpu.memory_space<vmem>>
      %dma_start3A_51 = arith.constant 0 : i32
      %dma_start3A_52 = arith.constant 0 : i32
      %dma_start3A_53 = tpu.memref_slice %arg2[%dma_start3A_51, %dma_start3A_52] : memref<10240x128xf32, #tpu.memory_space<hbm>> -> memref<10240x128xf32, #tpu.memory_space<hbm>>
      tpu.enqueue_indirect_dma source(%dma_start3A_53 : memref<10240x128xf32, #tpu.memory_space<hbm>>) target(%arg9 : memref<128x128xf32, #tpu.memory_space<vmem>>) offsets(%dma_start3A_50 : memref<128xi32, #tpu.memory_space<vmem>>) semaphore(%arg13 : memref<!tpu.dma_semaphore, #tpu.memory_space<semaphore_mem>>)
      %dma_wait3A = arith.constant 0 : i32
      %dma_wait3A_54 = arith.constant 0 : i32
      %dma_wait3A_55 = tpu.memref_slice %arg6[%dma_wait3A, %dma_wait3A_54] : memref<40x128xi32, #tpu.memory_space<vmem>> -> memref<1x128xi32, #tpu.memory_space<vmem>>
      %dma_wait3A_56 = tpu.memref_squeeze %dma_wait3A_55 : memref<1x128xi32, #tpu.memory_space<vmem>> -> memref<128xi32, #tpu.memory_space<vmem>>
      %dma_wait3A_57 = arith.constant 0 : i32
      %dma_wait3A_58 = arith.constant 0 : i32
      %dma_wait3A_59 = tpu.memref_slice %arg2[%dma_wait3A_57, %dma_wait3A_58] : memref<10240x128xf32, #tpu.memory_space<hbm>> -> memref<10240x128xf32, #tpu.memory_space<hbm>>
      tpu.wait_indirect_dma semaphore(%arg12 : memref<!tpu.dma_semaphore, #tpu.memory_space<semaphore_mem>>) src(%dma_wait3A_59 : memref<10240x128xf32, #tpu.memory_space<hbm>>) dst(%arg8 : memref<128x128xf32, #tpu.memory_space<vmem>>)
      "tpu.region"() ({
        %run_scoped3A = tpu.sem_alloc : memref<!tpu.dma_semaphore, #tpu.memory_space<semaphore_mem>>
        %dma_start3A_72 = arith.constant 0 : i32
        %dma_start3A_73 = tpu.memref_slice %arg7[%add3A_45, %dma_start3A_72] : memref<40x128xi32, #tpu.memory_space<vmem>> -> memref<1x128xi32, #tpu.memory_space<vmem>>
        %dma_start3A_74 = tpu.memref_squeeze %dma_start3A_73 : memref<1x128xi32, #tpu.memory_space<vmem>> -> memref<128xi32, #tpu.memory_space<vmem>>
        %dma_start3A_75 = arith.constant 0 : i32
        %dma_start3A_76 = arith.constant 0 : i32
        %dma_start3A_77 = tpu.memref_slice %arg11[%dma_start3A_75, %dma_start3A_76] : memref<10240x128xf32, #tpu.memory_space<vmem_shared>> -> memref<10240x128xf32, #tpu.memory_space<vmem_shared>>
        tpu.enqueue_indirect_dma source(%arg8 : memref<128x128xf32, #tpu.memory_space<vmem>>) target(%dma_start3A_77 : memref<10240x128xf32, #tpu.memory_space<vmem_shared>>) offsets(%dma_start3A_74 : memref<128xi32, #tpu.memory_space<vmem>>) semaphore(%run_scoped3A : memref<!tpu.dma_semaphore, #tpu.memory_space<semaphore_mem>>) {add = true}
        %dma_wait3A_78 = arith.constant 0 : i32
        %dma_wait3A_79 = tpu.memref_slice %arg7[%add3A_45, %dma_wait3A_78] : memref<40x128xi32, #tpu.memory_space<vmem>> -> memref<1x128xi32, #tpu.memory_space<vmem>>
        %dma_wait3A_80 = tpu.memref_squeeze %dma_wait3A_79 : memref<1x128xi32, #tpu.memory_space<vmem>> -> memref<128xi32, #tpu.memory_space<vmem>>
        %dma_wait3A_81 = arith.constant 0 : i32
        %dma_wait3A_82 = arith.constant 0 : i32
        %dma_wait3A_83 = tpu.memref_slice %arg11[%dma_wait3A_81, %dma_wait3A_82] : memref<10240x128xf32, #tpu.memory_space<vmem_shared>> -> memref<10240x128xf32, #tpu.memory_space<vmem_shared>>
        tpu.wait_indirect_dma semaphore(%run_scoped3A : memref<!tpu.dma_semaphore, #tpu.memory_space<semaphore_mem>>) src(%arg8 : memref<128x128xf32, #tpu.memory_space<vmem>>) dst(%dma_wait3A_83 : memref<10240x128xf32, #tpu.memory_space<vmem_shared>>)
        tpu.yield
      }) : () -> ()
      %add3A_60 = arith.constant 2 : i32
      %add3A_61 = arith.addi %add3A_45, %add3A_60 : i32
      %lt3A = arith.cmpi slt, %add3A_61, %min3A_14 : i32
      %convert_element_type3A = arith.extui %lt3A : i1 to i32
      %cond3A = arith.constant 0 : i32
      %cond3A_62 = arith.cmpi ne, %convert_element_type3A, %cond3A : i32
      scf.if %cond3A_62 {
        %add3A_72 = arith.constant 2 : i32
        %add3A_73 = arith.addi %add3A_45, %add3A_72 : i32
        %dma_start3A_74 = arith.constant 0 : i32
        %dma_start3A_75 = tpu.memref_slice %arg6[%add3A_73, %dma_start3A_74] : memref<40x128xi32, #tpu.memory_space<vmem>> -> memref<1x128xi32, #tpu.memory_space<vmem>>
        %dma_start3A_76 = tpu.memref_squeeze %dma_start3A_75 : memref<1x128xi32, #tpu.memory_space<vmem>> -> memref<128xi32, #tpu.memory_space<vmem>>
        %dma_start3A_77 = arith.constant 0 : i32
        %dma_start3A_78 = arith.constant 0 : i32
        %dma_start3A_79 = tpu.memref_slice %arg2[%dma_start3A_77, %dma_start3A_78] : memref<10240x128xf32, #tpu.memory_space<hbm>> -> memref<10240x128xf32, #tpu.memory_space<hbm>>
        tpu.enqueue_indirect_dma source(%dma_start3A_79 : memref<10240x128xf32, #tpu.memory_space<hbm>>) target(%arg8 : memref<128x128xf32, #tpu.memory_space<vmem>>) offsets(%dma_start3A_76 : memref<128xi32, #tpu.memory_space<vmem>>) semaphore(%arg12 : memref<!tpu.dma_semaphore, #tpu.memory_space<semaphore_mem>>)
      } else {
      }
      %dma_wait3A_63 = arith.constant 0 : i32
      %dma_wait3A_64 = arith.constant 0 : i32
      %dma_wait3A_65 = tpu.memref_slice %arg6[%dma_wait3A_63, %dma_wait3A_64] : memref<40x128xi32, #tpu.memory_space<vmem>> -> memref<1x128xi32, #tpu.memory_space<vmem>>
      %dma_wait3A_66 = tpu.memref_squeeze %dma_wait3A_65 : memref<1x128xi32, #tpu.memory_space<vmem>> -> memref<128xi32, #tpu.memory_space<vmem>>
      %dma_wait3A_67 = arith.constant 0 : i32
      %dma_wait3A_68 = arith.constant 0 : i32
      %dma_wait3A_69 = tpu.memref_slice %arg2[%dma_wait3A_67, %dma_wait3A_68] : memref<10240x128xf32, #tpu.memory_space<hbm>> -> memref<10240x128xf32, #tpu.memory_space<hbm>>
      tpu.wait_indirect_dma semaphore(%arg13 : memref<!tpu.dma_semaphore, #tpu.memory_space<semaphore_mem>>) src(%dma_wait3A_69 : memref<10240x128xf32, #tpu.memory_space<hbm>>) dst(%arg9 : memref<128x128xf32, #tpu.memory_space<vmem>>)
      %add3A_70 = arith.constant 1 : i32
      %add3A_71 = arith.addi %add3A_45, %add3A_70 : i32
      "tpu.region"() ({
        %run_scoped3A = tpu.sem_alloc : memref<!tpu.dma_semaphore, #tpu.memory_space<semaphore_mem>>
        %dma_start3A_72 = arith.constant 0 : i32
        %dma_start3A_73 = tpu.memref_slice %arg7[%add3A_71, %dma_start3A_72] : memref<40x128xi32, #tpu.memory_space<vmem>> -> memref<1x128xi32, #tpu.memory_space<vmem>>
        %dma_start3A_74 = tpu.memref_squeeze %dma_start3A_73 : memref<1x128xi32, #tpu.memory_space<vmem>> -> memref<128xi32, #tpu.memory_space<vmem>>
        %dma_start3A_75 = arith.constant 0 : i32
        %dma_start3A_76 = arith.constant 0 : i32
        %dma_start3A_77 = tpu.memref_slice %arg11[%dma_start3A_75, %dma_start3A_76] : memref<10240x128xf32, #tpu.memory_space<vmem_shared>> -> memref<10240x128xf32, #tpu.memory_space<vmem_shared>>
        tpu.enqueue_indirect_dma source(%arg9 : memref<128x128xf32, #tpu.memory_space<vmem>>) target(%dma_start3A_77 : memref<10240x128xf32, #tpu.memory_space<vmem_shared>>) offsets(%dma_start3A_74 : memref<128xi32, #tpu.memory_space<vmem>>) semaphore(%run_scoped3A : memref<!tpu.dma_semaphore, #tpu.memory_space<semaphore_mem>>) {add = true}
        %dma_wait3A_78 = arith.constant 0 : i32
        %dma_wait3A_79 = tpu.memref_slice %arg7[%add3A_71, %dma_wait3A_78] : memref<40x128xi32, #tpu.memory_space<vmem>> -> memref<1x128xi32, #tpu.memory_space<vmem>>
        %dma_wait3A_80 = tpu.memref_squeeze %dma_wait3A_79 : memref<1x128xi32, #tpu.memory_space<vmem>> -> memref<128xi32, #tpu.memory_space<vmem>>
        %dma_wait3A_81 = arith.constant 0 : i32
        %dma_wait3A_82 = arith.constant 0 : i32
        %dma_wait3A_83 = tpu.memref_slice %arg11[%dma_wait3A_81, %dma_wait3A_82] : memref<10240x128xf32, #tpu.memory_space<vmem_shared>> -> memref<10240x128xf32, #tpu.memory_space<vmem_shared>>
        tpu.wait_indirect_dma semaphore(%run_scoped3A : memref<!tpu.dma_semaphore, #tpu.memory_space<semaphore_mem>>) src(%arg9 : memref<128x128xf32, #tpu.memory_space<vmem>>) dst(%dma_wait3A_83 : memref<10240x128xf32, #tpu.memory_space<vmem_shared>>)
        tpu.yield
      }) : () -> ()
    }
    %while3A_37 = arith.constant 1 : i32
    scf.for %while3A_43 = %while3A_35 to %while3A_31 step %while3A_37  : i32 {
      %mul3A_44 = arith.muli %while3A_43, %while3A : i32
      %add3A_45 = arith.addi %while3A_28, %mul3A_44 : i32
      %add3A_46 = arith.constant 1 : i32
      %add3A_47 = arith.addi %add3A_45, %add3A_46 : i32
      %dma_start3A_48 = arith.constant 0 : i32
      %dma_start3A_49 = tpu.memref_slice %arg6[%add3A_47, %dma_start3A_48] : memref<40x128xi32, #tpu.memory_space<vmem>> -> memref<1x128xi32, #tpu.memory_space<vmem>>
      %dma_start3A_50 = tpu.memref_squeeze %dma_start3A_49 : memref<1x128xi32, #tpu.memory_space<vmem>> -> memref<128xi32, #tpu.memory_space<vmem>>
      %dma_start3A_51 = arith.constant 0 : i32
      %dma_start3A_52 = arith.constant 0 : i32
      %dma_start3A_53 = tpu.memref_slice %arg2[%dma_start3A_51, %dma_start3A_52] : memref<10240x128xf32, #tpu.memory_space<hbm>> -> memref<10240x128xf32, #tpu.memory_space<hbm>>
      tpu.enqueue_indirect_dma source(%dma_start3A_53 : memref<10240x128xf32, #tpu.memory_space<hbm>>) target(%arg9 : memref<128x128xf32, #tpu.memory_space<vmem>>) offsets(%dma_start3A_50 : memref<128xi32, #tpu.memory_space<vmem>>) semaphore(%arg13 : memref<!tpu.dma_semaphore, #tpu.memory_space<semaphore_mem>>)
      %dma_wait3A = arith.constant 0 : i32
      %dma_wait3A_54 = arith.constant 0 : i32
      %dma_wait3A_55 = tpu.memref_slice %arg6[%dma_wait3A, %dma_wait3A_54] : memref<40x128xi32, #tpu.memory_space<vmem>> -> memref<1x128xi32, #tpu.memory_space<vmem>>
      %dma_wait3A_56 = tpu.memref_squeeze %dma_wait3A_55 : memref<1x128xi32, #tpu.memory_space<vmem>> -> memref<128xi32, #tpu.memory_space<vmem>>
      %dma_wait3A_57 = arith.constant 0 : i32
      %dma_wait3A_58 = arith.constant 0 : i32
      %dma_wait3A_59 = tpu.memref_slice %arg2[%dma_wait3A_57, %dma_wait3A_58] : memref<10240x128xf32, #tpu.memory_space<hbm>> -> memref<10240x128xf32, #tpu.memory_space<hbm>>
      tpu.wait_indirect_dma semaphore(%arg12 : memref<!tpu.dma_semaphore, #tpu.memory_space<semaphore_mem>>) src(%dma_wait3A_59 : memref<10240x128xf32, #tpu.memory_space<hbm>>) dst(%arg8 : memref<128x128xf32, #tpu.memory_space<vmem>>)
      "tpu.region"() ({
        %run_scoped3A = tpu.sem_alloc : memref<!tpu.dma_semaphore, #tpu.memory_space<semaphore_mem>>
        %dma_start3A_72 = arith.constant 0 : i32
        %dma_start3A_73 = tpu.memref_slice %arg7[%add3A_45, %dma_start3A_72] : memref<40x128xi32, #tpu.memory_space<vmem>> -> memref<1x128xi32, #tpu.memory_space<vmem>>
        %dma_start3A_74 = tpu.memref_squeeze %dma_start3A_73 : memref<1x128xi32, #tpu.memory_space<vmem>> -> memref<128xi32, #tpu.memory_space<vmem>>
        %dma_start3A_75 = arith.constant 0 : i32
        %dma_start3A_76 = arith.constant 0 : i32
        %dma_start3A_77 = tpu.memref_slice %arg11[%dma_start3A_75, %dma_start3A_76] : memref<10240x128xf32, #tpu.memory_space<vmem_shared>> -> memref<10240x128xf32, #tpu.memory_space<vmem_shared>>
        tpu.enqueue_indirect_dma source(%arg8 : memref<128x128xf32, #tpu.memory_space<vmem>>) target(%dma_start3A_77 : memref<10240x128xf32, #tpu.memory_space<vmem_shared>>) offsets(%dma_start3A_74 : memref<128xi32, #tpu.memory_space<vmem>>) semaphore(%run_scoped3A : memref<!tpu.dma_semaphore, #tpu.memory_space<semaphore_mem>>) {add = true}
        %dma_wait3A_78 = arith.constant 0 : i32
        %dma_wait3A_79 = tpu.memref_slice %arg7[%add3A_45, %dma_wait3A_78] : memref<40x128xi32, #tpu.memory_space<vmem>> -> memref<1x128xi32, #tpu.memory_space<vmem>>
        %dma_wait3A_80 = tpu.memref_squeeze %dma_wait3A_79 : memref<1x128xi32, #tpu.memory_space<vmem>> -> memref<128xi32, #tpu.memory_space<vmem>>
        %dma_wait3A_81 = arith.constant 0 : i32
        %dma_wait3A_82 = arith.constant 0 : i32
        %dma_wait3A_83 = tpu.memref_slice %arg11[%dma_wait3A_81, %dma_wait3A_82] : memref<10240x128xf32, #tpu.memory_space<vmem_shared>> -> memref<10240x128xf32, #tpu.memory_space<vmem_shared>>
        tpu.wait_indirect_dma semaphore(%run_scoped3A : memref<!tpu.dma_semaphore, #tpu.memory_space<semaphore_mem>>) src(%arg8 : memref<128x128xf32, #tpu.memory_space<vmem>>) dst(%dma_wait3A_83 : memref<10240x128xf32, #tpu.memory_space<vmem_shared>>)
        tpu.yield
      }) : () -> ()
      %add3A_60 = arith.constant 2 : i32
      %add3A_61 = arith.addi %add3A_45, %add3A_60 : i32
      %lt3A = arith.cmpi slt, %add3A_61, %min3A_14 : i32
      %convert_element_type3A = arith.extui %lt3A : i1 to i32
      %cond3A = arith.constant 0 : i32
      %cond3A_62 = arith.cmpi ne, %convert_element_type3A, %cond3A : i32
      scf.if %cond3A_62 {
        %add3A_72 = arith.constant 2 : i32
        %add3A_73 = arith.addi %add3A_45, %add3A_72 : i32
        %dma_start3A_74 = arith.constant 0 : i32
        %dma_start3A_75 = tpu.memref_slice %arg6[%add3A_73, %dma_start3A_74] : memref<40x128xi32, #tpu.memory_space<vmem>> -> memref<1x128xi32, #tpu.memory_space<vmem>>
        %dma_start3A_76 = tpu.memref_squeeze %dma_start3A_75 : memref<1x128xi32, #tpu.memory_space<vmem>> -> memref<128xi32, #tpu.memory_space<vmem>>
        %dma_start3A_77 = arith.constant 0 : i32
        %dma_start3A_78 = arith.constant 0 : i32
        %dma_start3A_79 = tpu.memref_slice %arg2[%dma_start3A_77, %dma_start3A_78] : memref<10240x128xf32, #tpu.memory_space<hbm>> -> memref<10240x128xf32, #tpu.memory_space<hbm>>
        tpu.enqueue_indirect_dma source(%dma_start3A_79 : memref<10240x128xf32, #tpu.memory_space<hbm>>) target(%arg8 : memref<128x128xf32, #tpu.memory_space<vmem>>) offsets(%dma_start3A_76 : memref<128xi32, #tpu.memory_space<vmem>>) semaphore(%arg12 : memref<!tpu.dma_semaphore, #tpu.memory_space<semaphore_mem>>)
      } else {
      }
      %dma_wait3A_63 = arith.constant 0 : i32
      %dma_wait3A_64 = arith.constant 0 : i32
      %dma_wait3A_65 = tpu.memref_slice %arg6[%dma_wait3A_63, %dma_wait3A_64] : memref<40x128xi32, #tpu.memory_space<vmem>> -> memref<1x128xi32, #tpu.memory_space<vmem>>
      %dma_wait3A_66 = tpu.memref_squeeze %dma_wait3A_65 : memref<1x128xi32, #tpu.memory_space<vmem>> -> memref<128xi32, #tpu.memory_space<vmem>>
      %dma_wait3A_67 = arith.constant 0 : i32
      %dma_wait3A_68 = arith.constant 0 : i32
      %dma_wait3A_69 = tpu.memref_slice %arg2[%dma_wait3A_67, %dma_wait3A_68] : memref<10240x128xf32, #tpu.memory_space<hbm>> -> memref<10240x128xf32, #tpu.memory_space<hbm>>
      tpu.wait_indirect_dma semaphore(%arg13 : memref<!tpu.dma_semaphore, #tpu.memory_space<semaphore_mem>>) src(%dma_wait3A_69 : memref<10240x128xf32, #tpu.memory_space<hbm>>) dst(%arg9 : memref<128x128xf32, #tpu.memory_space<vmem>>)
      %add3A_70 = arith.constant 1 : i32
      %add3A_71 = arith.addi %add3A_45, %add3A_70 : i32
      "tpu.region"() ({
        %run_scoped3A = tpu.sem_alloc : memref<!tpu.dma_semaphore, #tpu.memory_space<semaphore_mem>>
        %dma_start3A_72 = arith.constant 0 : i32
        %dma_start3A_73 = tpu.memref_slice %arg7[%add3A_71, %dma_start3A_72] : memref<40x128xi32, #tpu.memory_space<vmem>> -> memref<1x128xi32, #tpu.memory_space<vmem>>
        %dma_start3A_74 = tpu.memref_squeeze %dma_start3A_73 : memref<1x128xi32, #tpu.memory_space<vmem>> -> memref<128xi32, #tpu.memory_space<vmem>>
        %dma_start3A_75 = arith.constant 0 : i32
        %dma_start3A_76 = arith.constant 0 : i32
        %dma_start3A_77 = tpu.memref_slice %arg11[%dma_start3A_75, %dma_start3A_76] : memref<10240x128xf32, #tpu.memory_space<vmem_shared>> -> memref<10240x128xf32, #tpu.memory_space<vmem_shared>>
        tpu.enqueue_indirect_dma source(%arg9 : memref<128x128xf32, #tpu.memory_space<vmem>>) target(%dma_start3A_77 : memref<10240x128xf32, #tpu.memory_space<vmem_shared>>) offsets(%dma_start3A_74 : memref<128xi32, #tpu.memory_space<vmem>>) semaphore(%run_scoped3A : memref<!tpu.dma_semaphore, #tpu.memory_space<semaphore_mem>>) {add = true}
        %dma_wait3A_78 = arith.constant 0 : i32
        %dma_wait3A_79 = tpu.memref_slice %arg7[%add3A_71, %dma_wait3A_78] : memref<40x128xi32, #tpu.memory_space<vmem>> -> memref<1x128xi32, #tpu.memory_space<vmem>>
        %dma_wait3A_80 = tpu.memref_squeeze %dma_wait3A_79 : memref<1x128xi32, #tpu.memory_space<vmem>> -> memref<128xi32, #tpu.memory_space<vmem>>
        %dma_wait3A_81 = arith.constant 0 : i32
        %dma_wait3A_82 = arith.constant 0 : i32
        %dma_wait3A_83 = tpu.memref_slice %arg11[%dma_wait3A_81, %dma_wait3A_82] : memref<10240x128xf32, #tpu.memory_space<vmem_shared>> -> memref<10240x128xf32, #tpu.memory_space<vmem_shared>>
        tpu.wait_indirect_dma semaphore(%run_scoped3A : memref<!tpu.dma_semaphore, #tpu.memory_space<semaphore_mem>>) src(%arg9 : memref<128x128xf32, #tpu.memory_space<vmem>>) dst(%dma_wait3A_83 : memref<10240x128xf32, #tpu.memory_space<vmem_shared>>)
        tpu.yield
      }) : () -> ()
    }
    %barrier3A_38 = arith.constant 0 : index
    tpu.barrier barrier_id(%barrier3A_38)
    %mul3A_39 = arith.constant 640 : i32
    %mul3A_40 = arith.muli %arg1, %mul3A_39 : i32
    %mul3A_41 = arith.constant 640 : i32
    %mul3A_42 = arith.muli %arg1, %mul3A_41 : i32
    "tpu.region"() ({
      %run_scoped3A = tpu.sem_alloc : memref<!tpu.dma_semaphore, #tpu.memory_space<semaphore_mem>>
      %dma_start3A_43 = arith.constant 0 : i32
      %dma_start3A_44 = arith.constant 0 : i32
      %dma_start3A_45 = tpu.memref_slice %arg5[%arg0, %dma_start3A_43, %dma_start3A_44] : memref<2x10240x128xf32, #tpu.memory_space<hbm>> -> memref<1x10240x128xf32, #tpu.memory_space<hbm>>
      %dma_start3A_46 = tpu.memref_squeeze %dma_start3A_45 : memref<1x10240x128xf32, #tpu.memory_space<hbm>> -> memref<10240x128xf32, #tpu.memory_space<hbm>>
      %dma_start3A_47 = arith.constant 0 : i32
      %dma_start3A_48 = tpu.memref_slice %dma_start3A_46[%mul3A_42, %dma_start3A_47] : memref<10240x128xf32, #tpu.memory_space<hbm>> -> memref<640x128xf32, #tpu.memory_space<hbm>>
      %dma_start3A_49 = arith.constant 0 : i32
      %dma_start3A_50 = tpu.memref_slice %arg11[%mul3A_40, %dma_start3A_49] : memref<10240x128xf32, #tpu.memory_space<vmem_shared>> -> memref<640x128xf32, #tpu.memory_space<vmem_shared>>
      tpu.enqueue_dma source(%dma_start3A_50 : memref<640x128xf32, #tpu.memory_space<vmem_shared>>) target(%dma_start3A_48 : memref<640x128xf32, #tpu.memory_space<hbm>>) target_semaphore(%run_scoped3A : memref<!tpu.dma_semaphore, #tpu.memory_space<semaphore_mem>>)
      %dma_wait3A = arith.constant 0 : i32
      %dma_wait3A_51 = arith.constant 0 : i32
      %dma_wait3A_52 = tpu.memref_slice %arg5[%arg0, %dma_wait3A, %dma_wait3A_51] : memref<2x10240x128xf32, #tpu.memory_space<hbm>> -> memref<1x10240x128xf32, #tpu.memory_space<hbm>>
      %dma_wait3A_53 = tpu.memref_squeeze %dma_wait3A_52 : memref<1x10240x128xf32, #tpu.memory_space<hbm>> -> memref<10240x128xf32, #tpu.memory_space<hbm>>
      %dma_wait3A_54 = arith.constant 0 : i32
      %dma_wait3A_55 = tpu.memref_slice %dma_wait3A_53[%mul3A_42, %dma_wait3A_54] : memref<10240x128xf32, #tpu.memory_space<hbm>> -> memref<640x128xf32, #tpu.memory_space<hbm>>
      %dma_wait3A_56 = arith.constant 0 : i32
      %dma_wait3A_57 = tpu.memref_slice %arg11[%mul3A_40, %dma_wait3A_56] : memref<10240x128xf32, #tpu.memory_space<vmem_shared>> -> memref<640x128xf32, #tpu.memory_space<vmem_shared>>
      tpu.wait_dma2 semaphore(%run_scoped3A : memref<!tpu.dma_semaphore, #tpu.memory_space<semaphore_mem>>) src(%dma_wait3A_57 : memref<640x128xf32, #tpu.memory_space<vmem_shared>>) dst(%dma_wait3A_55 : memref<640x128xf32, #tpu.memory_space<hbm>>)
      tpu.yield
    }) : () -> ()
    return
  }
}

#map = affine_map<(d0, d1) -> (0, 0, 0)>
module attributes {stable_mosaic.version = 14 : i64} {
  func.func @body(%arg0: i32, %arg1: i32, %arg2: memref<32x40x128xi32, #tpu.memory_space<hbm>>, %arg3: memref<2x10240x128xf32, #tpu.memory_space<hbm>>, %arg4: memref<40x128xi32, #tpu.memory_space<vmem>>, %arg5: memref<128x128xf32, #tpu.memory_space<vmem>>, %arg6: memref<32x128xf32, #tpu.memory_space<vmem>>, %arg7: memref<10240x128xf32, #tpu.memory_space<vmem_shared>>) attributes {dimension_semantics = [#tpu.dimension_semantics<core_parallel>, #tpu.dimension_semantics<subcore_parallel>], iteration_bounds = array<i64: 2, 16>, scalar_prefetch = 0 : i64, scratch_operands = 4 : i64, tpu.core_type = #tpu.core_type<sc_vector_subcore>, window_params = [{transform_indices = #map}, {transform_indices = #map}]} {
    %mul3A = arith.constant 2 : i32
    %mul3A_0 = arith.muli %arg1, %mul3A : i32
    %add3A = arith.addi %mul3A_0, %arg0 : i32
    %broadcast_in_dim3A = arith.constant 0.000000e+00 : f32
    %broadcast_in_dim3A_1 = vector.broadcast %broadcast_in_dim3A : f32 to vector<16xf32>
    %scan3A = arith.constant 0 : i32
    %scan3A_2 = arith.constant 32 : i32
    %scan3A_3 = arith.addi %scan3A, %scan3A_2 : i32
    %scan3A_4 = arith.constant 1 : i32
    scf.for %scan3A_44 = %scan3A to %scan3A_3 step %scan3A_4  : i32 {
      %mul3A_45 = arith.constant 1 : i32
      %mul3A_46 = arith.muli %scan3A_44, %mul3A_45 : i32
      %add3A_47 = arith.constant 0 : i32
      %add3A_48 = arith.addi %add3A_47, %mul3A_46 : i32
      %swap3A = arith.index_cast %add3A_48 : i32 to index
      %swap3A_49 = arith.constant 0 : index
      %swap3A_50 = tpu.vector_load %arg6[%swap3A, %swap3A_49] {strides = array<i32>} : memref<32x128xf32, #tpu.memory_space<vmem>>, vector<1x16xf32>,
      %swap3A_51 = vector.shape_cast %swap3A_50 : vector<1x16xf32> to vector<16xf32>
      %swap3A_52 = vector.shape_cast %broadcast_in_dim3A_1 : vector<16xf32> to vector<1x16xf32>
      tpu.vector_store %arg6[%swap3A, %swap3A_49], %swap3A_52 {strides = array<i32>} : memref<32x128xf32, #tpu.memory_space<vmem>>, vector<1x16xf32>,
      %swap3A_53 = arith.index_cast %add3A_48 : i32 to index
      %swap3A_54 = arith.constant 16 : index
      %swap3A_55 = tpu.vector_load %arg6[%swap3A_53, %swap3A_54] {strides = array<i32>} : memref<32x128xf32, #tpu.memory_space<vmem>>, vector<1x16xf32>,
      %swap3A_56 = vector.shape_cast %swap3A_55 : vector<1x16xf32> to vector<16xf32>
      %swap3A_57 = vector.shape_cast %broadcast_in_dim3A_1 : vector<16xf32> to vector<1x16xf32>
      tpu.vector_store %arg6[%swap3A_53, %swap3A_54], %swap3A_57 {strides = array<i32>} : memref<32x128xf32, #tpu.memory_space<vmem>>, vector<1x16xf32>,
      %swap3A_58 = arith.index_cast %add3A_48 : i32 to index
      %swap3A_59 = arith.constant 32 : index
      %swap3A_60 = tpu.vector_load %arg6[%swap3A_58, %swap3A_59] {strides = array<i32>} : memref<32x128xf32, #tpu.memory_space<vmem>>, vector<1x16xf32>,
      %swap3A_61 = vector.shape_cast %swap3A_60 : vector<1x16xf32> to vector<16xf32>
      %swap3A_62 = vector.shape_cast %broadcast_in_dim3A_1 : vector<16xf32> to vector<1x16xf32>
      tpu.vector_store %arg6[%swap3A_58, %swap3A_59], %swap3A_62 {strides = array<i32>} : memref<32x128xf32, #tpu.memory_space<vmem>>, vector<1x16xf32>,
      %swap3A_63 = arith.index_cast %add3A_48 : i32 to index
      %swap3A_64 = arith.constant 48 : index
      %swap3A_65 = tpu.vector_load %arg6[%swap3A_63, %swap3A_64] {strides = array<i32>} : memref<32x128xf32, #tpu.memory_space<vmem>>, vector<1x16xf32>,
      %swap3A_66 = vector.shape_cast %swap3A_65 : vector<1x16xf32> to vector<16xf32>
      %swap3A_67 = vector.shape_cast %broadcast_in_dim3A_1 : vector<16xf32> to vector<1x16xf32>
      tpu.vector_store %arg6[%swap3A_63, %swap3A_64], %swap3A_67 {strides = array<i32>} : memref<32x128xf32, #tpu.memory_space<vmem>>, vector<1x16xf32>,
      %swap3A_68 = arith.index_cast %add3A_48 : i32 to index
      %swap3A_69 = arith.constant 64 : index
      %swap3A_70 = tpu.vector_load %arg6[%swap3A_68, %swap3A_69] {strides = array<i32>} : memref<32x128xf32, #tpu.memory_space<vmem>>, vector<1x16xf32>,
      %swap3A_71 = vector.shape_cast %swap3A_70 : vector<1x16xf32> to vector<16xf32>
      %swap3A_72 = vector.shape_cast %broadcast_in_dim3A_1 : vector<16xf32> to vector<1x16xf32>
      tpu.vector_store %arg6[%swap3A_68, %swap3A_69], %swap3A_72 {strides = array<i32>} : memref<32x128xf32, #tpu.memory_space<vmem>>, vector<1x16xf32>,
      %swap3A_73 = arith.index_cast %add3A_48 : i32 to index
      %swap3A_74 = arith.constant 80 : index
      %swap3A_75 = tpu.vector_load %arg6[%swap3A_73, %swap3A_74] {strides = array<i32>} : memref<32x128xf32, #tpu.memory_space<vmem>>, vector<1x16xf32>,
      %swap3A_76 = vector.shape_cast %swap3A_75 : vector<1x16xf32> to vector<16xf32>
      %swap3A_77 = vector.shape_cast %broadcast_in_dim3A_1 : vector<16xf32> to vector<1x16xf32>
      tpu.vector_store %arg6[%swap3A_73, %swap3A_74], %swap3A_77 {strides = array<i32>} : memref<32x128xf32, #tpu.memory_space<vmem>>, vector<1x16xf32>,
      %swap3A_78 = arith.index_cast %add3A_48 : i32 to index
      %swap3A_79 = arith.constant 96 : index
      %swap3A_80 = tpu.vector_load %arg6[%swap3A_78, %swap3A_79] {strides = array<i32>} : memref<32x128xf32, #tpu.memory_space<vmem>>, vector<1x16xf32>,
      %swap3A_81 = vector.shape_cast %swap3A_80 : vector<1x16xf32> to vector<16xf32>
      %swap3A_82 = vector.shape_cast %broadcast_in_dim3A_1 : vector<16xf32> to vector<1x16xf32>
      tpu.vector_store %arg6[%swap3A_78, %swap3A_79], %swap3A_82 {strides = array<i32>} : memref<32x128xf32, #tpu.memory_space<vmem>>, vector<1x16xf32>,
      %swap3A_83 = arith.index_cast %add3A_48 : i32 to index
      %swap3A_84 = arith.constant 112 : index
      %swap3A_85 = tpu.vector_load %arg6[%swap3A_83, %swap3A_84] {strides = array<i32>} : memref<32x128xf32, #tpu.memory_space<vmem>>, vector<1x16xf32>,
      %swap3A_86 = vector.shape_cast %swap3A_85 : vector<1x16xf32> to vector<16xf32>
      %swap3A_87 = vector.shape_cast %broadcast_in_dim3A_1 : vector<16xf32> to vector<1x16xf32>
      tpu.vector_store %arg6[%swap3A_83, %swap3A_84], %swap3A_87 {strides = array<i32>} : memref<32x128xf32, #tpu.memory_space<vmem>>, vector<1x16xf32>,
    }
    %scan3A_5 = arith.constant 32 : i32
    %scan3A_6 = arith.constant 0 : i32
    %scan3A_7 = arith.constant 20 : i32
    %scan3A_8 = arith.addi %scan3A_6, %scan3A_7 : i32
    %scan3A_9 = arith.constant 1 : i32
    scf.for %scan3A_44 = %scan3A_6 to %scan3A_8 step %scan3A_9  : i32 {
      %mul3A_45 = arith.constant 1 : i32
      %mul3A_46 = arith.muli %scan3A_44, %mul3A_45 : i32
      %add3A_47 = arith.constant 0 : i32
      %add3A_48 = arith.addi %add3A_47, %mul3A_46 : i32
      %mul3A_49 = arith.constant 640 : i32
      %mul3A_50 = arith.muli %arg1, %mul3A_49 : i32
      %mul3A_51 = arith.constant 32 : i32
      %mul3A_52 = arith.muli %add3A_48, %mul3A_51 : i32
      %add3A_53 = arith.addi %mul3A_50, %mul3A_52 : i32
      "tpu.region"() ({
        %run_scoped3A = tpu.sem_alloc : memref<!tpu.dma_semaphore, #tpu.memory_space<semaphore_mem>>
        %dma_start3A = arith.constant 0 : i32
        %dma_start3A_54 = tpu.memref_slice %arg7[%add3A_53, %dma_start3A] : memref<10240x128xf32, #tpu.memory_space<vmem_shared>> -> memref<32x128xf32, #tpu.memory_space<vmem_shared>>
        %dma_start3A_55 = arith.constant 0 : i32
        %dma_start3A_56 = tpu.memref_slice %arg7[%add3A_53, %dma_start3A_55] : memref<10240x128xf32, #tpu.memory_space<vmem_shared>> -> memref<32x128xf32, #tpu.memory_space<vmem_shared>>
        tpu.enqueue_dma source(%arg6 : memref<32x128xf32, #tpu.memory_space<vmem>>) target(%dma_start3A_56 : memref<32x128xf32, #tpu.memory_space<vmem_shared>>) target_semaphore(%run_scoped3A : memref<!tpu.dma_semaphore, #tpu.memory_space<semaphore_mem>>)
        %dma_wait3A = arith.constant 0 : i32
        %dma_wait3A_57 = tpu.memref_slice %arg7[%add3A_53, %dma_wait3A] : memref<10240x128xf32, #tpu.memory_space<vmem_shared>> -> memref<32x128xf32, #tpu.memory_space<vmem_shared>>
        %dma_wait3A_58 = arith.constant 0 : i32
        %dma_wait3A_59 = tpu.memref_slice %arg7[%add3A_53, %dma_wait3A_58] : memref<10240x128xf32, #tpu.memory_space<vmem_shared>> -> memref<32x128xf32, #tpu.memory_space<vmem_shared>>
        tpu.wait_dma2 semaphore(%run_scoped3A : memref<!tpu.dma_semaphore, #tpu.memory_space<semaphore_mem>>) src(%arg6 : memref<32x128xf32, #tpu.memory_space<vmem>>) dst(%dma_wait3A_59 : memref<32x128xf32, #tpu.memory_space<vmem_shared>>)
        tpu.yield
      }) : () -> ()
    }
    %scan3A_10 = arith.constant 20 : i32
    %broadcast_in_dim3A_11 = arith.constant 1.000000e+00 : f32
    %broadcast_in_dim3A_12 = vector.broadcast %broadcast_in_dim3A_11 : f32 to vector<16xf32>
    %scan3A_13 = arith.constant 0 : i32
    %scan3A_14 = arith.constant 128 : i32
    %scan3A_15 = arith.addi %scan3A_13, %scan3A_14 : i32
    %scan3A_16 = arith.constant 1 : i32
    scf.for %scan3A_44 = %scan3A_13 to %scan3A_15 step %scan3A_16  : i32 {
      %mul3A_45 = arith.constant 1 : i32
      %mul3A_46 = arith.muli %scan3A_44, %mul3A_45 : i32
      %add3A_47 = arith.constant 0 : i32
      %add3A_48 = arith.addi %add3A_47, %mul3A_46 : i32
      %swap3A = arith.index_cast %add3A_48 : i32 to index
      %swap3A_49 = arith.constant 0 : index
      %swap3A_50 = tpu.vector_load %arg5[%swap3A, %swap3A_49] {strides = array<i32>} : memref<128x128xf32, #tpu.memory_space<vmem>>, vector<1x16xf32>,
      %swap3A_51 = vector.shape_cast %swap3A_50 : vector<1x16xf32> to vector<16xf32>
      %swap3A_52 = vector.shape_cast %broadcast_in_dim3A_12 : vector<16xf32> to vector<1x16xf32>
      tpu.vector_store %arg5[%swap3A, %swap3A_49], %swap3A_52 {strides = array<i32>} : memref<128x128xf32, #tpu.memory_space<vmem>>, vector<1x16xf32>,
      %swap3A_53 = arith.index_cast %add3A_48 : i32 to index
      %swap3A_54 = arith.constant 16 : index
      %swap3A_55 = tpu.vector_load %arg5[%swap3A_53, %swap3A_54] {strides = array<i32>} : memref<128x128xf32, #tpu.memory_space<vmem>>, vector<1x16xf32>,
      %swap3A_56 = vector.shape_cast %swap3A_55 : vector<1x16xf32> to vector<16xf32>
      %swap3A_57 = vector.shape_cast %broadcast_in_dim3A_12 : vector<16xf32> to vector<1x16xf32>
      tpu.vector_store %arg5[%swap3A_53, %swap3A_54], %swap3A_57 {strides = array<i32>} : memref<128x128xf32, #tpu.memory_space<vmem>>, vector<1x16xf32>,
      %swap3A_58 = arith.index_cast %add3A_48 : i32 to index
      %swap3A_59 = arith.constant 32 : index
      %swap3A_60 = tpu.vector_load %arg5[%swap3A_58, %swap3A_59] {strides = array<i32>} : memref<128x128xf32, #tpu.memory_space<vmem>>, vector<1x16xf32>,
      %swap3A_61 = vector.shape_cast %swap3A_60 : vector<1x16xf32> to vector<16xf32>
      %swap3A_62 = vector.shape_cast %broadcast_in_dim3A_12 : vector<16xf32> to vector<1x16xf32>
      tpu.vector_store %arg5[%swap3A_58, %swap3A_59], %swap3A_62 {strides = array<i32>} : memref<128x128xf32, #tpu.memory_space<vmem>>, vector<1x16xf32>,
      %swap3A_63 = arith.index_cast %add3A_48 : i32 to index
      %swap3A_64 = arith.constant 48 : index
      %swap3A_65 = tpu.vector_load %arg5[%swap3A_63, %swap3A_64] {strides = array<i32>} : memref<128x128xf32, #tpu.memory_space<vmem>>, vector<1x16xf32>,
      %swap3A_66 = vector.shape_cast %swap3A_65 : vector<1x16xf32> to vector<16xf32>
      %swap3A_67 = vector.shape_cast %broadcast_in_dim3A_12 : vector<16xf32> to vector<1x16xf32>
      tpu.vector_store %arg5[%swap3A_63, %swap3A_64], %swap3A_67 {strides = array<i32>} : memref<128x128xf32, #tpu.memory_space<vmem>>, vector<1x16xf32>,
      %swap3A_68 = arith.index_cast %add3A_48 : i32 to index
      %swap3A_69 = arith.constant 64 : index
      %swap3A_70 = tpu.vector_load %arg5[%swap3A_68, %swap3A_69] {strides = array<i32>} : memref<128x128xf32, #tpu.memory_space<vmem>>, vector<1x16xf32>,
      %swap3A_71 = vector.shape_cast %swap3A_70 : vector<1x16xf32> to vector<16xf32>
      %swap3A_72 = vector.shape_cast %broadcast_in_dim3A_12 : vector<16xf32> to vector<1x16xf32>
      tpu.vector_store %arg5[%swap3A_68, %swap3A_69], %swap3A_72 {strides = array<i32>} : memref<128x128xf32, #tpu.memory_space<vmem>>, vector<1x16xf32>,
      %swap3A_73 = arith.index_cast %add3A_48 : i32 to index
      %swap3A_74 = arith.constant 80 : index
      %swap3A_75 = tpu.vector_load %arg5[%swap3A_73, %swap3A_74] {strides = array<i32>} : memref<128x128xf32, #tpu.memory_space<vmem>>, vector<1x16xf32>,
      %swap3A_76 = vector.shape_cast %swap3A_75 : vector<1x16xf32> to vector<16xf32>
      %swap3A_77 = vector.shape_cast %broadcast_in_dim3A_12 : vector<16xf32> to vector<1x16xf32>
      tpu.vector_store %arg5[%swap3A_73, %swap3A_74], %swap3A_77 {strides = array<i32>} : memref<128x128xf32, #tpu.memory_space<vmem>>, vector<1x16xf32>,
      %swap3A_78 = arith.index_cast %add3A_48 : i32 to index
      %swap3A_79 = arith.constant 96 : index
      %swap3A_80 = tpu.vector_load %arg5[%swap3A_78, %swap3A_79] {strides = array<i32>} : memref<128x128xf32, #tpu.memory_space<vmem>>, vector<1x16xf32>,
      %swap3A_81 = vector.shape_cast %swap3A_80 : vector<1x16xf32> to vector<16xf32>
      %swap3A_82 = vector.shape_cast %broadcast_in_dim3A_12 : vector<16xf32> to vector<1x16xf32>
      tpu.vector_store %arg5[%swap3A_78, %swap3A_79], %swap3A_82 {strides = array<i32>} : memref<128x128xf32, #tpu.memory_space<vmem>>, vector<1x16xf32>,
      %swap3A_83 = arith.index_cast %add3A_48 : i32 to index
      %swap3A_84 = arith.constant 112 : index
      %swap3A_85 = tpu.vector_load %arg5[%swap3A_83, %swap3A_84] {strides = array<i32>} : memref<128x128xf32, #tpu.memory_space<vmem>>, vector<1x16xf32>,
      %swap3A_86 = vector.shape_cast %swap3A_85 : vector<1x16xf32> to vector<16xf32>
      %swap3A_87 = vector.shape_cast %broadcast_in_dim3A_12 : vector<16xf32> to vector<1x16xf32>
      tpu.vector_store %arg5[%swap3A_83, %swap3A_84], %swap3A_87 {strides = array<i32>} : memref<128x128xf32, #tpu.memory_space<vmem>>, vector<1x16xf32>,
    }
    %scan3A_17 = arith.constant 128 : i32
    "tpu.region"() ({
      %run_scoped3A = tpu.sem_alloc : memref<!tpu.dma_semaphore, #tpu.memory_space<semaphore_mem>>
      %dma_start3A = arith.constant 0 : i32
      %dma_start3A_44 = arith.constant 0 : i32
      %dma_start3A_45 = tpu.memref_slice %arg2[%add3A, %dma_start3A, %dma_start3A_44] : memref<32x40x128xi32, #tpu.memory_space<hbm>> -> memref<1x40x128xi32, #tpu.memory_space<hbm>>
      %dma_start3A_46 = tpu.memref_squeeze %dma_start3A_45 : memref<1x40x128xi32, #tpu.memory_space<hbm>> -> memref<40x128xi32, #tpu.memory_space<hbm>>
      %dma_start3A_47 = arith.constant 0 : i32
      %dma_start3A_48 = arith.constant 0 : i32
      %dma_start3A_49 = tpu.memref_slice %arg2[%add3A, %dma_start3A_47, %dma_start3A_48] : memref<32x40x128xi32, #tpu.memory_space<hbm>> -> memref<1x40x128xi32, #tpu.memory_space<hbm>>
      %dma_start3A_50 = tpu.memref_squeeze %dma_start3A_49 : memref<1x40x128xi32, #tpu.memory_space<hbm>> -> memref<40x128xi32, #tpu.memory_space<hbm>>
      tpu.enqueue_dma source(%dma_start3A_50 : memref<40x128xi32, #tpu.memory_space<hbm>>) target(%arg4 : memref<40x128xi32, #tpu.memory_space<vmem>>) target_semaphore(%run_scoped3A : memref<!tpu.dma_semaphore, #tpu.memory_space<semaphore_mem>>)
      %dma_wait3A = arith.constant 0 : i32
      %dma_wait3A_51 = arith.constant 0 : i32
      %dma_wait3A_52 = tpu.memref_slice %arg2[%add3A, %dma_wait3A, %dma_wait3A_51] : memref<32x40x128xi32, #tpu.memory_space<hbm>> -> memref<1x40x128xi32, #tpu.memory_space<hbm>>
      %dma_wait3A_53 = tpu.memref_squeeze %dma_wait3A_52 : memref<1x40x128xi32, #tpu.memory_space<hbm>> -> memref<40x128xi32, #tpu.memory_space<hbm>>
      %dma_wait3A_54 = arith.constant 0 : i32
      %dma_wait3A_55 = arith.constant 0 : i32
      %dma_wait3A_56 = tpu.memref_slice %arg2[%add3A, %dma_wait3A_54, %dma_wait3A_55] : memref<32x40x128xi32, #tpu.memory_space<hbm>> -> memref<1x40x128xi32, #tpu.memory_space<hbm>>
      %dma_wait3A_57 = tpu.memref_squeeze %dma_wait3A_56 : memref<1x40x128xi32, #tpu.memory_space<hbm>> -> memref<40x128xi32, #tpu.memory_space<hbm>>
      tpu.wait_dma2 semaphore(%run_scoped3A : memref<!tpu.dma_semaphore, #tpu.memory_space<semaphore_mem>>) src(%dma_wait3A_57 : memref<40x128xi32, #tpu.memory_space<hbm>>) dst(%arg4 : memref<40x128xi32, #tpu.memory_space<vmem>>)
      tpu.yield
    }) : () -> ()
    %barrier3A = arith.constant 0 : index
    tpu.barrier barrier_id(%barrier3A)
    %mul3A_18 = arith.constant 40 : i32
    %mul3A_19 = arith.muli %add3A, %mul3A_18 : i32
    %sub3A = arith.constant 1250 : i32
    %sub3A_20 = arith.subi %sub3A, %mul3A_19 : i32
    %min3A = arith.constant 40 : i32
    %min3A_21 = arith.minsi %min3A, %sub3A_20 : i32
    %sub3A_22 = arith.constant 0 : i32
    %sub3A_23 = arith.subi %min3A_21, %sub3A_22 : i32
    %sub3A_24 = arith.constant 1 : i32
    %sub3A_25 = arith.constant 1 : i32
    %sub3A_26 = arith.subi %sub3A_24, %sub3A_25 : i32
    %add3A_27 = arith.addi %sub3A_23, %sub3A_26 : i32
    %div3A = arith.constant 1 : i32
    %div3A_28 = arith.divsi %add3A_27, %div3A : i32
    %while3A = arith.constant 1 : i32
    %while3A_29 = arith.constant 0 : i32
    %while3A_30 = arith.constant 0 : i32
    %while3A_31 = arith.subi %div3A_28, %while3A_30 : i32
    %while3A_32 = arith.addi %while3A_30, %while3A_31 : i32
    %while3A_33 = arith.constant 1 : i32
    %while3A_34 = arith.divsi %while3A_31, %while3A_33 : i32
    %while3A_35 = arith.muli %while3A_34, %while3A_33 : i32
    %while3A_36 = arith.addi %while3A_30, %while3A_35 : i32
    %while3A_37 = arith.constant 1 : i32
    scf.for %while3A_44 = %while3A_30 to %while3A_36 step %while3A_37  : i32 {
      %mul3A_45 = arith.muli %while3A_44, %while3A : i32
      %add3A_46 = arith.addi %while3A_29, %mul3A_45 : i32
      "tpu.region"() ({
        %run_scoped3A = tpu.sem_alloc : memref<!tpu.dma_semaphore, #tpu.memory_space<semaphore_mem>>
        %dma_start3A = arith.constant 0 : i32
        %dma_start3A_47 = tpu.memref_slice %arg4[%add3A_46, %dma_start3A] : memref<40x128xi32, #tpu.memory_space<vmem>> -> memref<1x128xi32, #tpu.memory_space<vmem>>
        %dma_start3A_48 = tpu.memref_squeeze %dma_start3A_47 : memref<1x128xi32, #tpu.memory_space<vmem>> -> memref<128xi32, #tpu.memory_space<vmem>>
        %dma_start3A_49 = arith.constant 0 : i32
        %dma_start3A_50 = arith.constant 0 : i32
        %dma_start3A_51 = tpu.memref_slice %arg7[%dma_start3A_49, %dma_start3A_50] : memref<10240x128xf32, #tpu.memory_space<vmem_shared>> -> memref<10240x128xf32, #tpu.memory_space<vmem_shared>>
        tpu.enqueue_indirect_dma source(%arg5 : memref<128x128xf32, #tpu.memory_space<vmem>>) target(%dma_start3A_51 : memref<10240x128xf32, #tpu.memory_space<vmem_shared>>) offsets(%dma_start3A_48 : memref<128xi32, #tpu.memory_space<vmem>>) semaphore(%run_scoped3A : memref<!tpu.dma_semaphore, #tpu.memory_space<semaphore_mem>>) {add = true}
        %dma_wait3A = arith.constant 0 : i32
        %dma_wait3A_52 = tpu.memref_slice %arg4[%add3A_46, %dma_wait3A] : memref<40x128xi32, #tpu.memory_space<vmem>> -> memref<1x128xi32, #tpu.memory_space<vmem>>
        %dma_wait3A_53 = tpu.memref_squeeze %dma_wait3A_52 : memref<1x128xi32, #tpu.memory_space<vmem>> -> memref<128xi32, #tpu.memory_space<vmem>>
        %dma_wait3A_54 = arith.constant 0 : i32
        %dma_wait3A_55 = arith.constant 0 : i32
        %dma_wait3A_56 = tpu.memref_slice %arg7[%dma_wait3A_54, %dma_wait3A_55] : memref<10240x128xf32, #tpu.memory_space<vmem_shared>> -> memref<10240x128xf32, #tpu.memory_space<vmem_shared>>
        tpu.wait_indirect_dma semaphore(%run_scoped3A : memref<!tpu.dma_semaphore, #tpu.memory_space<semaphore_mem>>) src(%arg5 : memref<128x128xf32, #tpu.memory_space<vmem>>) dst(%dma_wait3A_56 : memref<10240x128xf32, #tpu.memory_space<vmem_shared>>)
        tpu.yield
      }) : () -> ()
    }
    %while3A_38 = arith.constant 1 : i32
    scf.for %while3A_44 = %while3A_36 to %while3A_32 step %while3A_38  : i32 {
      %mul3A_45 = arith.muli %while3A_44, %while3A : i32
      %add3A_46 = arith.addi %while3A_29, %mul3A_45 : i32
      "tpu.region"() ({
        %run_scoped3A = tpu.sem_alloc : memref<!tpu.dma_semaphore, #tpu.memory_space<semaphore_mem>>
        %dma_start3A = arith.constant 0 : i32
        %dma_start3A_47 = tpu.memref_slice %arg4[%add3A_46, %dma_start3A] : memref<40x128xi32, #tpu.memory_space<vmem>> -> memref<1x128xi32, #tpu.memory_space<vmem>>
        %dma_start3A_48 = tpu.memref_squeeze %dma_start3A_47 : memref<1x128xi32, #tpu.memory_space<vmem>> -> memref<128xi32, #tpu.memory_space<vmem>>
        %dma_start3A_49 = arith.constant 0 : i32
        %dma_start3A_50 = arith.constant 0 : i32
        %dma_start3A_51 = tpu.memref_slice %arg7[%dma_start3A_49, %dma_start3A_50] : memref<10240x128xf32, #tpu.memory_space<vmem_shared>> -> memref<10240x128xf32, #tpu.memory_space<vmem_shared>>
        tpu.enqueue_indirect_dma source(%arg5 : memref<128x128xf32, #tpu.memory_space<vmem>>) target(%dma_start3A_51 : memref<10240x128xf32, #tpu.memory_space<vmem_shared>>) offsets(%dma_start3A_48 : memref<128xi32, #tpu.memory_space<vmem>>) semaphore(%run_scoped3A : memref<!tpu.dma_semaphore, #tpu.memory_space<semaphore_mem>>) {add = true}
        %dma_wait3A = arith.constant 0 : i32
        %dma_wait3A_52 = tpu.memref_slice %arg4[%add3A_46, %dma_wait3A] : memref<40x128xi32, #tpu.memory_space<vmem>> -> memref<1x128xi32, #tpu.memory_space<vmem>>
        %dma_wait3A_53 = tpu.memref_squeeze %dma_wait3A_52 : memref<1x128xi32, #tpu.memory_space<vmem>> -> memref<128xi32, #tpu.memory_space<vmem>>
        %dma_wait3A_54 = arith.constant 0 : i32
        %dma_wait3A_55 = arith.constant 0 : i32
        %dma_wait3A_56 = tpu.memref_slice %arg7[%dma_wait3A_54, %dma_wait3A_55] : memref<10240x128xf32, #tpu.memory_space<vmem_shared>> -> memref<10240x128xf32, #tpu.memory_space<vmem_shared>>
        tpu.wait_indirect_dma semaphore(%run_scoped3A : memref<!tpu.dma_semaphore, #tpu.memory_space<semaphore_mem>>) src(%arg5 : memref<128x128xf32, #tpu.memory_space<vmem>>) dst(%dma_wait3A_56 : memref<10240x128xf32, #tpu.memory_space<vmem_shared>>)
        tpu.yield
      }) : () -> ()
    }
    %barrier3A_39 = arith.constant 0 : index
    tpu.barrier barrier_id(%barrier3A_39)
    %mul3A_40 = arith.constant 640 : i32
    %mul3A_41 = arith.muli %arg1, %mul3A_40 : i32
    %mul3A_42 = arith.constant 640 : i32
    %mul3A_43 = arith.muli %arg1, %mul3A_42 : i32
    "tpu.region"() ({
      %run_scoped3A = tpu.sem_alloc : memref<!tpu.dma_semaphore, #tpu.memory_space<semaphore_mem>>
      %dma_start3A = arith.constant 0 : i32
      %dma_start3A_44 = arith.constant 0 : i32
      %dma_start3A_45 = tpu.memref_slice %arg3[%arg0, %dma_start3A, %dma_start3A_44] : memref<2x10240x128xf32, #tpu.memory_space<hbm>> -> memref<1x10240x128xf32, #tpu.memory_space<hbm>>
      %dma_start3A_46 = tpu.memref_squeeze %dma_start3A_45 : memref<1x10240x128xf32, #tpu.memory_space<hbm>> -> memref<10240x128xf32, #tpu.memory_space<hbm>>
      %dma_start3A_47 = arith.constant 0 : i32
      %dma_start3A_48 = tpu.memref_slice %dma_start3A_46[%mul3A_43, %dma_start3A_47] : memref<10240x128xf32, #tpu.memory_space<hbm>> -> memref<640x128xf32, #tpu.memory_space<hbm>>
      %dma_start3A_49 = arith.constant 0 : i32
      %dma_start3A_50 = tpu.memref_slice %arg7[%mul3A_41, %dma_start3A_49] : memref<10240x128xf32, #tpu.memory_space<vmem_shared>> -> memref<640x128xf32, #tpu.memory_space<vmem_shared>>
      tpu.enqueue_dma source(%dma_start3A_50 : memref<640x128xf32, #tpu.memory_space<vmem_shared>>) target(%dma_start3A_48 : memref<640x128xf32, #tpu.memory_space<hbm>>) target_semaphore(%run_scoped3A : memref<!tpu.dma_semaphore, #tpu.memory_space<semaphore_mem>>)
      %dma_wait3A = arith.constant 0 : i32
      %dma_wait3A_51 = arith.constant 0 : i32
      %dma_wait3A_52 = tpu.memref_slice %arg3[%arg0, %dma_wait3A, %dma_wait3A_51] : memref<2x10240x128xf32, #tpu.memory_space<hbm>> -> memref<1x10240x128xf32, #tpu.memory_space<hbm>>
      %dma_wait3A_53 = tpu.memref_squeeze %dma_wait3A_52 : memref<1x10240x128xf32, #tpu.memory_space<hbm>> -> memref<10240x128xf32, #tpu.memory_space<hbm>>
      %dma_wait3A_54 = arith.constant 0 : i32
      %dma_wait3A_55 = tpu.memref_slice %dma_wait3A_53[%mul3A_43, %dma_wait3A_54] : memref<10240x128xf32, #tpu.memory_space<hbm>> -> memref<640x128xf32, #tpu.memory_space<hbm>>
      %dma_wait3A_56 = arith.constant 0 : i32
      %dma_wait3A_57 = tpu.memref_slice %arg7[%mul3A_41, %dma_wait3A_56] : memref<10240x128xf32, #tpu.memory_space<vmem_shared>> -> memref<640x128xf32, #tpu.memory_space<vmem_shared>>
      tpu.wait_dma2 semaphore(%run_scoped3A : memref<!tpu.dma_semaphore, #tpu.memory_space<semaphore_mem>>) src(%dma_wait3A_57 : memref<640x128xf32, #tpu.memory_space<vmem_shared>>) dst(%dma_wait3A_55 : memref<640x128xf32, #tpu.memory_space<hbm>>)
      tpu.yield
    }) : () -> ()
    return
  }
}

#map = affine_map<(d0, d1) -> (0, 0)>
#map1 = affine_map<(d0, d1) -> (0, 0, 0)>
module attributes {stable_mosaic.version = 14 : i64} {
  func.func @body(%arg0: i32, %arg1: i32, %arg2: memref<10240x128xf32, #tpu.memory_space<hbm>>, %arg3: memref<32x40x128xi32, #tpu.memory_space<hbm>>, %arg4: memref<32x40x128xi32, #tpu.memory_space<hbm>>, %arg5: memref<2x10240x128xf32, #tpu.memory_space<hbm>>, %arg6: memref<40x128xi32, #tpu.memory_space<vmem>>, %arg7: memref<40x128xi32, #tpu.memory_space<vmem>>, %arg8: memref<128x128xf32, #tpu.memory_space<vmem>>, %arg9: memref<128x128xf32, #tpu.memory_space<vmem>>, %arg10: memref<32x128xf32, #tpu.memory_space<vmem>>, %arg11: memref<10240x128xf32, #tpu.memory_space<vmem_shared>>, %arg12: memref<!tpu.dma_semaphore, #tpu.memory_space<semaphore_mem>>, %arg13: memref<!tpu.dma_semaphore, #tpu.memory_space<semaphore_mem>>) attributes {dimension_semantics = [#tpu.dimension_semantics<core_parallel>, #tpu.dimension_semantics<subcore_parallel>], iteration_bounds = array<i64: 2, 16>, scalar_prefetch = 0 : i64, scratch_operands = 8 : i64, tpu.core_type = #tpu.core_type<sc_vector_subcore>, window_params = [{transform_indices = #map}, {transform_indices = #map1}, {transform_indices = #map1}, {transform_indices = #map1}]} {
    %mul3A = arith.constant 2 : i32
    %mul3A_0 = arith.muli %arg1, %mul3A : i32
    %add3A = arith.addi %mul3A_0, %arg0 : i32
    %broadcast_in_dim3A = arith.constant 0.000000e+00 : f32
    %broadcast_in_dim3A_1 = vector.broadcast %broadcast_in_dim3A : f32 to vector<16xf32>
    %scan3A = arith.constant 0 : i32
    %scan3A_2 = arith.constant 32 : i32
    %scan3A_3 = arith.addi %scan3A, %scan3A_2 : i32
    %scan3A_4 = arith.constant 1 : i32
    scf.for %scan3A_43 = %scan3A to %scan3A_3 step %scan3A_4  : i32 {
      %mul3A_44 = arith.constant 1 : i32
      %mul3A_45 = arith.muli %scan3A_43, %mul3A_44 : i32
      %add3A_46 = arith.constant 0 : i32
      %add3A_47 = arith.addi %add3A_46, %mul3A_45 : i32
      %swap3A = arith.index_cast %add3A_47 : i32 to index
      %swap3A_48 = arith.constant 0 : index
      %swap3A_49 = tpu.vector_load %arg10[%swap3A, %swap3A_48] {strides = array<i32>} : memref<32x128xf32, #tpu.memory_space<vmem>>, vector<1x16xf32>,
      %swap3A_50 = vector.shape_cast %swap3A_49 : vector<1x16xf32> to vector<16xf32>
      %swap3A_51 = vector.shape_cast %broadcast_in_dim3A_1 : vector<16xf32> to vector<1x16xf32>
      tpu.vector_store %arg10[%swap3A, %swap3A_48], %swap3A_51 {strides = array<i32>} : memref<32x128xf32, #tpu.memory_space<vmem>>, vector<1x16xf32>,
      %swap3A_52 = arith.index_cast %add3A_47 : i32 to index
      %swap3A_53 = arith.constant 16 : index
      %swap3A_54 = tpu.vector_load %arg10[%swap3A_52, %swap3A_53] {strides = array<i32>} : memref<32x128xf32, #tpu.memory_space<vmem>>, vector<1x16xf32>,
      %swap3A_55 = vector.shape_cast %swap3A_54 : vector<1x16xf32> to vector<16xf32>
      %swap3A_56 = vector.shape_cast %broadcast_in_dim3A_1 : vector<16xf32> to vector<1x16xf32>
      tpu.vector_store %arg10[%swap3A_52, %swap3A_53], %swap3A_56 {strides = array<i32>} : memref<32x128xf32, #tpu.memory_space<vmem>>, vector<1x16xf32>,
      %swap3A_57 = arith.index_cast %add3A_47 : i32 to index
      %swap3A_58 = arith.constant 32 : index
      %swap3A_59 = tpu.vector_load %arg10[%swap3A_57, %swap3A_58] {strides = array<i32>} : memref<32x128xf32, #tpu.memory_space<vmem>>, vector<1x16xf32>,
      %swap3A_60 = vector.shape_cast %swap3A_59 : vector<1x16xf32> to vector<16xf32>
      %swap3A_61 = vector.shape_cast %broadcast_in_dim3A_1 : vector<16xf32> to vector<1x16xf32>
      tpu.vector_store %arg10[%swap3A_57, %swap3A_58], %swap3A_61 {strides = array<i32>} : memref<32x128xf32, #tpu.memory_space<vmem>>, vector<1x16xf32>,
      %swap3A_62 = arith.index_cast %add3A_47 : i32 to index
      %swap3A_63 = arith.constant 48 : index
      %swap3A_64 = tpu.vector_load %arg10[%swap3A_62, %swap3A_63] {strides = array<i32>} : memref<32x128xf32, #tpu.memory_space<vmem>>, vector<1x16xf32>,
      %swap3A_65 = vector.shape_cast %swap3A_64 : vector<1x16xf32> to vector<16xf32>
      %swap3A_66 = vector.shape_cast %broadcast_in_dim3A_1 : vector<16xf32> to vector<1x16xf32>
      tpu.vector_store %arg10[%swap3A_62, %swap3A_63], %swap3A_66 {strides = array<i32>} : memref<32x128xf32, #tpu.memory_space<vmem>>, vector<1x16xf32>,
      %swap3A_67 = arith.index_cast %add3A_47 : i32 to index
      %swap3A_68 = arith.constant 64 : index
      %swap3A_69 = tpu.vector_load %arg10[%swap3A_67, %swap3A_68] {strides = array<i32>} : memref<32x128xf32, #tpu.memory_space<vmem>>, vector<1x16xf32>,
      %swap3A_70 = vector.shape_cast %swap3A_69 : vector<1x16xf32> to vector<16xf32>
      %swap3A_71 = vector.shape_cast %broadcast_in_dim3A_1 : vector<16xf32> to vector<1x16xf32>
      tpu.vector_store %arg10[%swap3A_67, %swap3A_68], %swap3A_71 {strides = array<i32>} : memref<32x128xf32, #tpu.memory_space<vmem>>, vector<1x16xf32>,
      %swap3A_72 = arith.index_cast %add3A_47 : i32 to index
      %swap3A_73 = arith.constant 80 : index
      %swap3A_74 = tpu.vector_load %arg10[%swap3A_72, %swap3A_73] {strides = array<i32>} : memref<32x128xf32, #tpu.memory_space<vmem>>, vector<1x16xf32>,
      %swap3A_75 = vector.shape_cast %swap3A_74 : vector<1x16xf32> to vector<16xf32>
      %swap3A_76 = vector.shape_cast %broadcast_in_dim3A_1 : vector<16xf32> to vector<1x16xf32>
      tpu.vector_store %arg10[%swap3A_72, %swap3A_73], %swap3A_76 {strides = array<i32>} : memref<32x128xf32, #tpu.memory_space<vmem>>, vector<1x16xf32>,
      %swap3A_77 = arith.index_cast %add3A_47 : i32 to index
      %swap3A_78 = arith.constant 96 : index
      %swap3A_79 = tpu.vector_load %arg10[%swap3A_77, %swap3A_78] {strides = array<i32>} : memref<32x128xf32, #tpu.memory_space<vmem>>, vector<1x16xf32>,
      %swap3A_80 = vector.shape_cast %swap3A_79 : vector<1x16xf32> to vector<16xf32>
      %swap3A_81 = vector.shape_cast %broadcast_in_dim3A_1 : vector<16xf32> to vector<1x16xf32>
      tpu.vector_store %arg10[%swap3A_77, %swap3A_78], %swap3A_81 {strides = array<i32>} : memref<32x128xf32, #tpu.memory_space<vmem>>, vector<1x16xf32>,
      %swap3A_82 = arith.index_cast %add3A_47 : i32 to index
      %swap3A_83 = arith.constant 112 : index
      %swap3A_84 = tpu.vector_load %arg10[%swap3A_82, %swap3A_83] {strides = array<i32>} : memref<32x128xf32, #tpu.memory_space<vmem>>, vector<1x16xf32>,
      %swap3A_85 = vector.shape_cast %swap3A_84 : vector<1x16xf32> to vector<16xf32>
      %swap3A_86 = vector.shape_cast %broadcast_in_dim3A_1 : vector<16xf32> to vector<1x16xf32>
      tpu.vector_store %arg10[%swap3A_82, %swap3A_83], %swap3A_86 {strides = array<i32>} : memref<32x128xf32, #tpu.memory_space<vmem>>, vector<1x16xf32>,
    }
    %scan3A_5 = arith.constant 32 : i32
    %scan3A_6 = arith.constant 0 : i32
    %scan3A_7 = arith.constant 20 : i32
    %scan3A_8 = arith.addi %scan3A_6, %scan3A_7 : i32
    %scan3A_9 = arith.constant 1 : i32
    scf.for %scan3A_43 = %scan3A_6 to %scan3A_8 step %scan3A_9  : i32 {
      %mul3A_44 = arith.constant 1 : i32
      %mul3A_45 = arith.muli %scan3A_43, %mul3A_44 : i32
      %add3A_46 = arith.constant 0 : i32
      %add3A_47 = arith.addi %add3A_46, %mul3A_45 : i32
      %mul3A_48 = arith.constant 640 : i32
      %mul3A_49 = arith.muli %arg1, %mul3A_48 : i32
      %mul3A_50 = arith.constant 32 : i32
      %mul3A_51 = arith.muli %add3A_47, %mul3A_50 : i32
      %add3A_52 = arith.addi %mul3A_49, %mul3A_51 : i32
      "tpu.region"() ({
        %run_scoped3A = tpu.sem_alloc : memref<!tpu.dma_semaphore, #tpu.memory_space<semaphore_mem>>
        %dma_start3A_53 = arith.constant 0 : i32
        %dma_start3A_54 = tpu.memref_slice %arg11[%add3A_52, %dma_start3A_53] : memref<10240x128xf32, #tpu.memory_space<vmem_shared>> -> memref<32x128xf32, #tpu.memory_space<vmem_shared>>
        %dma_start3A_55 = arith.constant 0 : i32
        %dma_start3A_56 = tpu.memref_slice %arg11[%add3A_52, %dma_start3A_55] : memref<10240x128xf32, #tpu.memory_space<vmem_shared>> -> memref<32x128xf32, #tpu.memory_space<vmem_shared>>
        tpu.enqueue_dma source(%arg10 : memref<32x128xf32, #tpu.memory_space<vmem>>) target(%dma_start3A_56 : memref<32x128xf32, #tpu.memory_space<vmem_shared>>) target_semaphore(%run_scoped3A : memref<!tpu.dma_semaphore, #tpu.memory_space<semaphore_mem>>)
        %dma_wait3A = arith.constant 0 : i32
        %dma_wait3A_57 = tpu.memref_slice %arg11[%add3A_52, %dma_wait3A] : memref<10240x128xf32, #tpu.memory_space<vmem_shared>> -> memref<32x128xf32, #tpu.memory_space<vmem_shared>>
        %dma_wait3A_58 = arith.constant 0 : i32
        %dma_wait3A_59 = tpu.memref_slice %arg11[%add3A_52, %dma_wait3A_58] : memref<10240x128xf32, #tpu.memory_space<vmem_shared>> -> memref<32x128xf32, #tpu.memory_space<vmem_shared>>
        tpu.wait_dma2 semaphore(%run_scoped3A : memref<!tpu.dma_semaphore, #tpu.memory_space<semaphore_mem>>) src(%arg10 : memref<32x128xf32, #tpu.memory_space<vmem>>) dst(%dma_wait3A_59 : memref<32x128xf32, #tpu.memory_space<vmem_shared>>)
        tpu.yield
      }) : () -> ()
    }
    %scan3A_10 = arith.constant 20 : i32
    "tpu.region"() ({
      %run_scoped3A = tpu.sem_alloc : memref<!tpu.dma_semaphore, #tpu.memory_space<semaphore_mem>>
      %dma_start3A_43 = arith.constant 0 : i32
      %dma_start3A_44 = arith.constant 0 : i32
      %dma_start3A_45 = tpu.memref_slice %arg3[%add3A, %dma_start3A_43, %dma_start3A_44] : memref<32x40x128xi32, #tpu.memory_space<hbm>> -> memref<1x40x128xi32, #tpu.memory_space<hbm>>
      %dma_start3A_46 = tpu.memref_squeeze %dma_start3A_45 : memref<1x40x128xi32, #tpu.memory_space<hbm>> -> memref<40x128xi32, #tpu.memory_space<hbm>>
      %dma_start3A_47 = arith.constant 0 : i32
      %dma_start3A_48 = arith.constant 0 : i32
      %dma_start3A_49 = tpu.memref_slice %arg3[%add3A, %dma_start3A_47, %dma_start3A_48] : memref<32x40x128xi32, #tpu.memory_space<hbm>> -> memref<1x40x128xi32, #tpu.memory_space<hbm>>
      %dma_start3A_50 = tpu.memref_squeeze %dma_start3A_49 : memref<1x40x128xi32, #tpu.memory_space<hbm>> -> memref<40x128xi32, #tpu.memory_space<hbm>>
      tpu.enqueue_dma source(%dma_start3A_50 : memref<40x128xi32, #tpu.memory_space<hbm>>) target(%arg6 : memref<40x128xi32, #tpu.memory_space<vmem>>) target_semaphore(%run_scoped3A : memref<!tpu.dma_semaphore, #tpu.memory_space<semaphore_mem>>)
      %dma_wait3A = arith.constant 0 : i32
      %dma_wait3A_51 = arith.constant 0 : i32
      %dma_wait3A_52 = tpu.memref_slice %arg3[%add3A, %dma_wait3A, %dma_wait3A_51] : memref<32x40x128xi32, #tpu.memory_space<hbm>> -> memref<1x40x128xi32, #tpu.memory_space<hbm>>
      %dma_wait3A_53 = tpu.memref_squeeze %dma_wait3A_52 : memref<1x40x128xi32, #tpu.memory_space<hbm>> -> memref<40x128xi32, #tpu.memory_space<hbm>>
      %dma_wait3A_54 = arith.constant 0 : i32
      %dma_wait3A_55 = arith.constant 0 : i32
      %dma_wait3A_56 = tpu.memref_slice %arg3[%add3A, %dma_wait3A_54, %dma_wait3A_55] : memref<32x40x128xi32, #tpu.memory_space<hbm>> -> memref<1x40x128xi32, #tpu.memory_space<hbm>>
      %dma_wait3A_57 = tpu.memref_squeeze %dma_wait3A_56 : memref<1x40x128xi32, #tpu.memory_space<hbm>> -> memref<40x128xi32, #tpu.memory_space<hbm>>
      tpu.wait_dma2 semaphore(%run_scoped3A : memref<!tpu.dma_semaphore, #tpu.memory_space<semaphore_mem>>) src(%dma_wait3A_57 : memref<40x128xi32, #tpu.memory_space<hbm>>) dst(%arg6 : memref<40x128xi32, #tpu.memory_space<vmem>>)
      tpu.yield
    }) : () -> ()
    "tpu.region"() ({
      %run_scoped3A = tpu.sem_alloc : memref<!tpu.dma_semaphore, #tpu.memory_space<semaphore_mem>>
      %dma_start3A_43 = arith.constant 0 : i32
      %dma_start3A_44 = arith.constant 0 : i32
      %dma_start3A_45 = tpu.memref_slice %arg4[%add3A, %dma_start3A_43, %dma_start3A_44] : memref<32x40x128xi32, #tpu.memory_space<hbm>> -> memref<1x40x128xi32, #tpu.memory_space<hbm>>
      %dma_start3A_46 = tpu.memref_squeeze %dma_start3A_45 : memref<1x40x128xi32, #tpu.memory_space<hbm>> -> memref<40x128xi32, #tpu.memory_space<hbm>>
      %dma_start3A_47 = arith.constant 0 : i32
      %dma_start3A_48 = arith.constant 0 : i32
      %dma_start3A_49 = tpu.memref_slice %arg4[%add3A, %dma_start3A_47, %dma_start3A_48] : memref<32x40x128xi32, #tpu.memory_space<hbm>> -> memref<1x40x128xi32, #tpu.memory_space<hbm>>
      %dma_start3A_50 = tpu.memref_squeeze %dma_start3A_49 : memref<1x40x128xi32, #tpu.memory_space<hbm>> -> memref<40x128xi32, #tpu.memory_space<hbm>>
      tpu.enqueue_dma source(%dma_start3A_50 : memref<40x128xi32, #tpu.memory_space<hbm>>) target(%arg7 : memref<40x128xi32, #tpu.memory_space<vmem>>) target_semaphore(%run_scoped3A : memref<!tpu.dma_semaphore, #tpu.memory_space<semaphore_mem>>)
      %dma_wait3A = arith.constant 0 : i32
      %dma_wait3A_51 = arith.constant 0 : i32
      %dma_wait3A_52 = tpu.memref_slice %arg4[%add3A, %dma_wait3A, %dma_wait3A_51] : memref<32x40x128xi32, #tpu.memory_space<hbm>> -> memref<1x40x128xi32, #tpu.memory_space<hbm>>
      %dma_wait3A_53 = tpu.memref_squeeze %dma_wait3A_52 : memref<1x40x128xi32, #tpu.memory_space<hbm>> -> memref<40x128xi32, #tpu.memory_space<hbm>>
      %dma_wait3A_54 = arith.constant 0 : i32
      %dma_wait3A_55 = arith.constant 0 : i32
      %dma_wait3A_56 = tpu.memref_slice %arg4[%add3A, %dma_wait3A_54, %dma_wait3A_55] : memref<32x40x128xi32, #tpu.memory_space<hbm>> -> memref<1x40x128xi32, #tpu.memory_space<hbm>>
      %dma_wait3A_57 = tpu.memref_squeeze %dma_wait3A_56 : memref<1x40x128xi32, #tpu.memory_space<hbm>> -> memref<40x128xi32, #tpu.memory_space<hbm>>
      tpu.wait_dma2 semaphore(%run_scoped3A : memref<!tpu.dma_semaphore, #tpu.memory_space<semaphore_mem>>) src(%dma_wait3A_57 : memref<40x128xi32, #tpu.memory_space<hbm>>) dst(%arg7 : memref<40x128xi32, #tpu.memory_space<vmem>>)
      tpu.yield
    }) : () -> ()
    %barrier3A = arith.constant 0 : index
    tpu.barrier barrier_id(%barrier3A)
    %mul3A_11 = arith.constant 40 : i32
    %mul3A_12 = arith.muli %add3A, %mul3A_11 : i32
    %sub3A = arith.constant 1250 : i32
    %sub3A_13 = arith.subi %sub3A, %mul3A_12 : i32
    %min3A = arith.constant 40 : i32
    %min3A_14 = arith.minsi %min3A, %sub3A_13 : i32
    %dma_start3A = arith.constant 0 : i32
    %dma_start3A_15 = arith.constant 0 : i32
    %dma_start3A_16 = tpu.memref_slice %arg6[%dma_start3A, %dma_start3A_15] : memref<40x128xi32, #tpu.memory_space<vmem>> -> memref<1x128xi32, #tpu.memory_space<vmem>>
    %dma_start3A_17 = tpu.memref_squeeze %dma_start3A_16 : memref<1x128xi32, #tpu.memory_space<vmem>> -> memref<128xi32, #tpu.memory_space<vmem>>
    %dma_start3A_18 = arith.constant 0 : i32
    %dma_start3A_19 = arith.constant 0 : i32
    %dma_start3A_20 = tpu.memref_slice %arg2[%dma_start3A_18, %dma_start3A_19] : memref<10240x128xf32, #tpu.memory_space<hbm>> -> memref<10240x128xf32, #tpu.memory_space<hbm>>
    tpu.enqueue_indirect_dma source(%dma_start3A_20 : memref<10240x128xf32, #tpu.memory_space<hbm>>) target(%arg8 : memref<128x128xf32, #tpu.memory_space<vmem>>) offsets(%dma_start3A_17 : memref<128xi32, #tpu.memory_space<vmem>>) semaphore(%arg12 : memref<!tpu.dma_semaphore, #tpu.memory_space<semaphore_mem>>)
    %sub3A_21 = arith.constant 0 : i32
    %sub3A_22 = arith.subi %min3A_14, %sub3A_21 : i32
    %sub3A_23 = arith.constant 2 : i32
    %sub3A_24 = arith.constant 1 : i32
    %sub3A_25 = arith.subi %sub3A_23, %sub3A_24 : i32
    %add3A_26 = arith.addi %sub3A_22, %sub3A_25 : i32
    %div3A = arith.constant 2 : i32
    %div3A_27 = arith.divsi %add3A_26, %div3A : i32
    %while3A = arith.constant 2 : i32
    %while3A_28 = arith.constant 0 : i32
    %while3A_29 = arith.constant 0 : i32
    %while3A_30 = arith.subi %div3A_27, %while3A_29 : i32
    %while3A_31 = arith.addi %while3A_29, %while3A_30 : i32
    %while3A_32 = arith.constant 1 : i32
    %while3A_33 = arith.divsi %while3A_30, %while3A_32 : i32
    %while3A_34 = arith.muli %while3A_33, %while3A_32 : i32
    %while3A_35 = arith.addi %while3A_29, %while3A_34 : i32
    %while3A_36 = arith.constant 1 : i32
    scf.for %while3A_43 = %while3A_29 to %while3A_35 step %while3A_36  : i32 {
      %mul3A_44 = arith.muli %while3A_43, %while3A : i32
      %add3A_45 = arith.addi %while3A_28, %mul3A_44 : i32
      %add3A_46 = arith.constant 1 : i32
      %add3A_47 = arith.addi %add3A_45, %add3A_46 : i32
      %dma_start3A_48 = arith.constant 0 : i32
      %dma_start3A_49 = tpu.memref_slice %arg6[%add3A_47, %dma_start3A_48] : memref<40x128xi32, #tpu.memory_space<vmem>> -> memref<1x128xi32, #tpu.memory_space<vmem>>
      %dma_start3A_50 = tpu.memref_squeeze %dma_start3A_49 : memref<1x128xi32, #tpu.memory_space<vmem>> -> memref<128xi32, #tpu.memory_space<vmem>>
      %dma_start3A_51 = arith.constant 0 : i32
      %dma_start3A_52 = arith.constant 0 : i32
      %dma_start3A_53 = tpu.memref_slice %arg2[%dma_start3A_51, %dma_start3A_52] : memref<10240x128xf32, #tpu.memory_space<hbm>> -> memref<10240x128xf32, #tpu.memory_space<hbm>>
      tpu.enqueue_indirect_dma source(%dma_start3A_53 : memref<10240x128xf32, #tpu.memory_space<hbm>>) target(%arg9 : memref<128x128xf32, #tpu.memory_space<vmem>>) offsets(%dma_start3A_50 : memref<128xi32, #tpu.memory_space<vmem>>) semaphore(%arg13 : memref<!tpu.dma_semaphore, #tpu.memory_space<semaphore_mem>>)
      %dma_wait3A = arith.constant 0 : i32
      %dma_wait3A_54 = arith.constant 0 : i32
      %dma_wait3A_55 = tpu.memref_slice %arg6[%dma_wait3A, %dma_wait3A_54] : memref<40x128xi32, #tpu.memory_space<vmem>> -> memref<1x128xi32, #tpu.memory_space<vmem>>
      %dma_wait3A_56 = tpu.memref_squeeze %dma_wait3A_55 : memref<1x128xi32, #tpu.memory_space<vmem>> -> memref<128xi32, #tpu.memory_space<vmem>>
      %dma_wait3A_57 = arith.constant 0 : i32
      %dma_wait3A_58 = arith.constant 0 : i32
      %dma_wait3A_59 = tpu.memref_slice %arg2[%dma_wait3A_57, %dma_wait3A_58] : memref<10240x128xf32, #tpu.memory_space<hbm>> -> memref<10240x128xf32, #tpu.memory_space<hbm>>
      tpu.wait_indirect_dma semaphore(%arg12 : memref<!tpu.dma_semaphore, #tpu.memory_space<semaphore_mem>>) src(%dma_wait3A_59 : memref<10240x128xf32, #tpu.memory_space<hbm>>) dst(%arg8 : memref<128x128xf32, #tpu.memory_space<vmem>>)
      "tpu.region"() ({
        %run_scoped3A = tpu.sem_alloc : memref<!tpu.dma_semaphore, #tpu.memory_space<semaphore_mem>>
        %dma_start3A_72 = arith.constant 0 : i32
        %dma_start3A_73 = tpu.memref_slice %arg7[%add3A_45, %dma_start3A_72] : memref<40x128xi32, #tpu.memory_space<vmem>> -> memref<1x128xi32, #tpu.memory_space<vmem>>
        %dma_start3A_74 = tpu.memref_squeeze %dma_start3A_73 : memref<1x128xi32, #tpu.memory_space<vmem>> -> memref<128xi32, #tpu.memory_space<vmem>>
        %dma_start3A_75 = arith.constant 0 : i32
        %dma_start3A_76 = arith.constant 0 : i32
        %dma_start3A_77 = tpu.memref_slice %arg11[%dma_start3A_75, %dma_start3A_76] : memref<10240x128xf32, #tpu.memory_space<vmem_shared>> -> memref<10240x128xf32, #tpu.memory_space<vmem_shared>>
        tpu.enqueue_indirect_dma source(%arg8 : memref<128x128xf32, #tpu.memory_space<vmem>>) target(%dma_start3A_77 : memref<10240x128xf32, #tpu.memory_space<vmem_shared>>) offsets(%dma_start3A_74 : memref<128xi32, #tpu.memory_space<vmem>>) semaphore(%run_scoped3A : memref<!tpu.dma_semaphore, #tpu.memory_space<semaphore_mem>>) {add = true}
        %dma_wait3A_78 = arith.constant 0 : i32
        %dma_wait3A_79 = tpu.memref_slice %arg7[%add3A_45, %dma_wait3A_78] : memref<40x128xi32, #tpu.memory_space<vmem>> -> memref<1x128xi32, #tpu.memory_space<vmem>>
        %dma_wait3A_80 = tpu.memref_squeeze %dma_wait3A_79 : memref<1x128xi32, #tpu.memory_space<vmem>> -> memref<128xi32, #tpu.memory_space<vmem>>
        %dma_wait3A_81 = arith.constant 0 : i32
        %dma_wait3A_82 = arith.constant 0 : i32
        %dma_wait3A_83 = tpu.memref_slice %arg11[%dma_wait3A_81, %dma_wait3A_82] : memref<10240x128xf32, #tpu.memory_space<vmem_shared>> -> memref<10240x128xf32, #tpu.memory_space<vmem_shared>>
        tpu.wait_indirect_dma semaphore(%run_scoped3A : memref<!tpu.dma_semaphore, #tpu.memory_space<semaphore_mem>>) src(%arg8 : memref<128x128xf32, #tpu.memory_space<vmem>>) dst(%dma_wait3A_83 : memref<10240x128xf32, #tpu.memory_space<vmem_shared>>)
        tpu.yield
      }) : () -> ()
      %add3A_60 = arith.constant 2 : i32
      %add3A_61 = arith.addi %add3A_45, %add3A_60 : i32
      %lt3A = arith.cmpi slt, %add3A_61, %min3A_14 : i32
      %convert_element_type3A = arith.extui %lt3A : i1 to i32
      %cond3A = arith.constant 0 : i32
      %cond3A_62 = arith.cmpi ne, %convert_element_type3A, %cond3A : i32
      scf.if %cond3A_62 {
        %add3A_72 = arith.constant 2 : i32
        %add3A_73 = arith.addi %add3A_45, %add3A_72 : i32
        %dma_start3A_74 = arith.constant 0 : i32
        %dma_start3A_75 = tpu.memref_slice %arg6[%add3A_73, %dma_start3A_74] : memref<40x128xi32, #tpu.memory_space<vmem>> -> memref<1x128xi32, #tpu.memory_space<vmem>>
        %dma_start3A_76 = tpu.memref_squeeze %dma_start3A_75 : memref<1x128xi32, #tpu.memory_space<vmem>> -> memref<128xi32, #tpu.memory_space<vmem>>
        %dma_start3A_77 = arith.constant 0 : i32
        %dma_start3A_78 = arith.constant 0 : i32
        %dma_start3A_79 = tpu.memref_slice %arg2[%dma_start3A_77, %dma_start3A_78] : memref<10240x128xf32, #tpu.memory_space<hbm>> -> memref<10240x128xf32, #tpu.memory_space<hbm>>
        tpu.enqueue_indirect_dma source(%dma_start3A_79 : memref<10240x128xf32, #tpu.memory_space<hbm>>) target(%arg8 : memref<128x128xf32, #tpu.memory_space<vmem>>) offsets(%dma_start3A_76 : memref<128xi32, #tpu.memory_space<vmem>>) semaphore(%arg12 : memref<!tpu.dma_semaphore, #tpu.memory_space<semaphore_mem>>)
      } else {
      }
      %dma_wait3A_63 = arith.constant 0 : i32
      %dma_wait3A_64 = arith.constant 0 : i32
      %dma_wait3A_65 = tpu.memref_slice %arg6[%dma_wait3A_63, %dma_wait3A_64] : memref<40x128xi32, #tpu.memory_space<vmem>> -> memref<1x128xi32, #tpu.memory_space<vmem>>
      %dma_wait3A_66 = tpu.memref_squeeze %dma_wait3A_65 : memref<1x128xi32, #tpu.memory_space<vmem>> -> memref<128xi32, #tpu.memory_space<vmem>>
      %dma_wait3A_67 = arith.constant 0 : i32
      %dma_wait3A_68 = arith.constant 0 : i32
      %dma_wait3A_69 = tpu.memref_slice %arg2[%dma_wait3A_67, %dma_wait3A_68] : memref<10240x128xf32, #tpu.memory_space<hbm>> -> memref<10240x128xf32, #tpu.memory_space<hbm>>
      tpu.wait_indirect_dma semaphore(%arg13 : memref<!tpu.dma_semaphore, #tpu.memory_space<semaphore_mem>>) src(%dma_wait3A_69 : memref<10240x128xf32, #tpu.memory_space<hbm>>) dst(%arg9 : memref<128x128xf32, #tpu.memory_space<vmem>>)
      %add3A_70 = arith.constant 1 : i32
      %add3A_71 = arith.addi %add3A_45, %add3A_70 : i32
      "tpu.region"() ({
        %run_scoped3A = tpu.sem_alloc : memref<!tpu.dma_semaphore, #tpu.memory_space<semaphore_mem>>
        %dma_start3A_72 = arith.constant 0 : i32
        %dma_start3A_73 = tpu.memref_slice %arg7[%add3A_71, %dma_start3A_72] : memref<40x128xi32, #tpu.memory_space<vmem>> -> memref<1x128xi32, #tpu.memory_space<vmem>>
        %dma_start3A_74 = tpu.memref_squeeze %dma_start3A_73 : memref<1x128xi32, #tpu.memory_space<vmem>> -> memref<128xi32, #tpu.memory_space<vmem>>
        %dma_start3A_75 = arith.constant 0 : i32
        %dma_start3A_76 = arith.constant 0 : i32
        %dma_start3A_77 = tpu.memref_slice %arg11[%dma_start3A_75, %dma_start3A_76] : memref<10240x128xf32, #tpu.memory_space<vmem_shared>> -> memref<10240x128xf32, #tpu.memory_space<vmem_shared>>
        tpu.enqueue_indirect_dma source(%arg9 : memref<128x128xf32, #tpu.memory_space<vmem>>) target(%dma_start3A_77 : memref<10240x128xf32, #tpu.memory_space<vmem_shared>>) offsets(%dma_start3A_74 : memref<128xi32, #tpu.memory_space<vmem>>) semaphore(%run_scoped3A : memref<!tpu.dma_semaphore, #tpu.memory_space<semaphore_mem>>) {add = true}
        %dma_wait3A_78 = arith.constant 0 : i32
        %dma_wait3A_79 = tpu.memref_slice %arg7[%add3A_71, %dma_wait3A_78] : memref<40x128xi32, #tpu.memory_space<vmem>> -> memref<1x128xi32, #tpu.memory_space<vmem>>
        %dma_wait3A_80 = tpu.memref_squeeze %dma_wait3A_79 : memref<1x128xi32, #tpu.memory_space<vmem>> -> memref<128xi32, #tpu.memory_space<vmem>>
        %dma_wait3A_81 = arith.constant 0 : i32
        %dma_wait3A_82 = arith.constant 0 : i32
        %dma_wait3A_83 = tpu.memref_slice %arg11[%dma_wait3A_81, %dma_wait3A_82] : memref<10240x128xf32, #tpu.memory_space<vmem_shared>> -> memref<10240x128xf32, #tpu.memory_space<vmem_shared>>
        tpu.wait_indirect_dma semaphore(%run_scoped3A : memref<!tpu.dma_semaphore, #tpu.memory_space<semaphore_mem>>) src(%arg9 : memref<128x128xf32, #tpu.memory_space<vmem>>) dst(%dma_wait3A_83 : memref<10240x128xf32, #tpu.memory_space<vmem_shared>>)
        tpu.yield
      }) : () -> ()
    }
    %while3A_37 = arith.constant 1 : i32
    scf.for %while3A_43 = %while3A_35 to %while3A_31 step %while3A_37  : i32 {
      %mul3A_44 = arith.muli %while3A_43, %while3A : i32
      %add3A_45 = arith.addi %while3A_28, %mul3A_44 : i32
      %add3A_46 = arith.constant 1 : i32
      %add3A_47 = arith.addi %add3A_45, %add3A_46 : i32
      %dma_start3A_48 = arith.constant 0 : i32
      %dma_start3A_49 = tpu.memref_slice %arg6[%add3A_47, %dma_start3A_48] : memref<40x128xi32, #tpu.memory_space<vmem>> -> memref<1x128xi32, #tpu.memory_space<vmem>>
      %dma_start3A_50 = tpu.memref_squeeze %dma_start3A_49 : memref<1x128xi32, #tpu.memory_space<vmem>> -> memref<128xi32, #tpu.memory_space<vmem>>
      %dma_start3A_51 = arith.constant 0 : i32
      %dma_start3A_52 = arith.constant 0 : i32
      %dma_start3A_53 = tpu.memref_slice %arg2[%dma_start3A_51, %dma_start3A_52] : memref<10240x128xf32, #tpu.memory_space<hbm>> -> memref<10240x128xf32, #tpu.memory_space<hbm>>
      tpu.enqueue_indirect_dma source(%dma_start3A_53 : memref<10240x128xf32, #tpu.memory_space<hbm>>) target(%arg9 : memref<128x128xf32, #tpu.memory_space<vmem>>) offsets(%dma_start3A_50 : memref<128xi32, #tpu.memory_space<vmem>>) semaphore(%arg13 : memref<!tpu.dma_semaphore, #tpu.memory_space<semaphore_mem>>)
      %dma_wait3A = arith.constant 0 : i32
      %dma_wait3A_54 = arith.constant 0 : i32
      %dma_wait3A_55 = tpu.memref_slice %arg6[%dma_wait3A, %dma_wait3A_54] : memref<40x128xi32, #tpu.memory_space<vmem>> -> memref<1x128xi32, #tpu.memory_space<vmem>>
      %dma_wait3A_56 = tpu.memref_squeeze %dma_wait3A_55 : memref<1x128xi32, #tpu.memory_space<vmem>> -> memref<128xi32, #tpu.memory_space<vmem>>
      %dma_wait3A_57 = arith.constant 0 : i32
      %dma_wait3A_58 = arith.constant 0 : i32
      %dma_wait3A_59 = tpu.memref_slice %arg2[%dma_wait3A_57, %dma_wait3A_58] : memref<10240x128xf32, #tpu.memory_space<hbm>> -> memref<10240x128xf32, #tpu.memory_space<hbm>>
      tpu.wait_indirect_dma semaphore(%arg12 : memref<!tpu.dma_semaphore, #tpu.memory_space<semaphore_mem>>) src(%dma_wait3A_59 : memref<10240x128xf32, #tpu.memory_space<hbm>>) dst(%arg8 : memref<128x128xf32, #tpu.memory_space<vmem>>)
      "tpu.region"() ({
        %run_scoped3A = tpu.sem_alloc : memref<!tpu.dma_semaphore, #tpu.memory_space<semaphore_mem>>
        %dma_start3A_72 = arith.constant 0 : i32
        %dma_start3A_73 = tpu.memref_slice %arg7[%add3A_45, %dma_start3A_72] : memref<40x128xi32, #tpu.memory_space<vmem>> -> memref<1x128xi32, #tpu.memory_space<vmem>>
        %dma_start3A_74 = tpu.memref_squeeze %dma_start3A_73 : memref<1x128xi32, #tpu.memory_space<vmem>> -> memref<128xi32, #tpu.memory_space<vmem>>
        %dma_start3A_75 = arith.constant 0 : i32
        %dma_start3A_76 = arith.constant 0 : i32
        %dma_start3A_77 = tpu.memref_slice %arg11[%dma_start3A_75, %dma_start3A_76] : memref<10240x128xf32, #tpu.memory_space<vmem_shared>> -> memref<10240x128xf32, #tpu.memory_space<vmem_shared>>
        tpu.enqueue_indirect_dma source(%arg8 : memref<128x128xf32, #tpu.memory_space<vmem>>) target(%dma_start3A_77 : memref<10240x128xf32, #tpu.memory_space<vmem_shared>>) offsets(%dma_start3A_74 : memref<128xi32, #tpu.memory_space<vmem>>) semaphore(%run_scoped3A : memref<!tpu.dma_semaphore, #tpu.memory_space<semaphore_mem>>) {add = true}
        %dma_wait3A_78 = arith.constant 0 : i32
        %dma_wait3A_79 = tpu.memref_slice %arg7[%add3A_45, %dma_wait3A_78] : memref<40x128xi32, #tpu.memory_space<vmem>> -> memref<1x128xi32, #tpu.memory_space<vmem>>
        %dma_wait3A_80 = tpu.memref_squeeze %dma_wait3A_79 : memref<1x128xi32, #tpu.memory_space<vmem>> -> memref<128xi32, #tpu.memory_space<vmem>>
        %dma_wait3A_81 = arith.constant 0 : i32
        %dma_wait3A_82 = arith.constant 0 : i32
        %dma_wait3A_83 = tpu.memref_slice %arg11[%dma_wait3A_81, %dma_wait3A_82] : memref<10240x128xf32, #tpu.memory_space<vmem_shared>> -> memref<10240x128xf32, #tpu.memory_space<vmem_shared>>
        tpu.wait_indirect_dma semaphore(%run_scoped3A : memref<!tpu.dma_semaphore, #tpu.memory_space<semaphore_mem>>) src(%arg8 : memref<128x128xf32, #tpu.memory_space<vmem>>) dst(%dma_wait3A_83 : memref<10240x128xf32, #tpu.memory_space<vmem_shared>>)
        tpu.yield
      }) : () -> ()
      %add3A_60 = arith.constant 2 : i32
      %add3A_61 = arith.addi %add3A_45, %add3A_60 : i32
      %lt3A = arith.cmpi slt, %add3A_61, %min3A_14 : i32
      %convert_element_type3A = arith.extui %lt3A : i1 to i32
      %cond3A = arith.constant 0 : i32
      %cond3A_62 = arith.cmpi ne, %convert_element_type3A, %cond3A : i32
      scf.if %cond3A_62 {
        %add3A_72 = arith.constant 2 : i32
        %add3A_73 = arith.addi %add3A_45, %add3A_72 : i32
        %dma_start3A_74 = arith.constant 0 : i32
        %dma_start3A_75 = tpu.memref_slice %arg6[%add3A_73, %dma_start3A_74] : memref<40x128xi32, #tpu.memory_space<vmem>> -> memref<1x128xi32, #tpu.memory_space<vmem>>
        %dma_start3A_76 = tpu.memref_squeeze %dma_start3A_75 : memref<1x128xi32, #tpu.memory_space<vmem>> -> memref<128xi32, #tpu.memory_space<vmem>>
        %dma_start3A_77 = arith.constant 0 : i32
        %dma_start3A_78 = arith.constant 0 : i32
        %dma_start3A_79 = tpu.memref_slice %arg2[%dma_start3A_77, %dma_start3A_78] : memref<10240x128xf32, #tpu.memory_space<hbm>> -> memref<10240x128xf32, #tpu.memory_space<hbm>>
        tpu.enqueue_indirect_dma source(%dma_start3A_79 : memref<10240x128xf32, #tpu.memory_space<hbm>>) target(%arg8 : memref<128x128xf32, #tpu.memory_space<vmem>>) offsets(%dma_start3A_76 : memref<128xi32, #tpu.memory_space<vmem>>) semaphore(%arg12 : memref<!tpu.dma_semaphore, #tpu.memory_space<semaphore_mem>>)
      } else {
      }
      %dma_wait3A_63 = arith.constant 0 : i32
      %dma_wait3A_64 = arith.constant 0 : i32
      %dma_wait3A_65 = tpu.memref_slice %arg6[%dma_wait3A_63, %dma_wait3A_64] : memref<40x128xi32, #tpu.memory_space<vmem>> -> memref<1x128xi32, #tpu.memory_space<vmem>>
      %dma_wait3A_66 = tpu.memref_squeeze %dma_wait3A_65 : memref<1x128xi32, #tpu.memory_space<vmem>> -> memref<128xi32, #tpu.memory_space<vmem>>
      %dma_wait3A_67 = arith.constant 0 : i32
      %dma_wait3A_68 = arith.constant 0 : i32
      %dma_wait3A_69 = tpu.memref_slice %arg2[%dma_wait3A_67, %dma_wait3A_68] : memref<10240x128xf32, #tpu.memory_space<hbm>> -> memref<10240x128xf32, #tpu.memory_space<hbm>>
      tpu.wait_indirect_dma semaphore(%arg13 : memref<!tpu.dma_semaphore, #tpu.memory_space<semaphore_mem>>) src(%dma_wait3A_69 : memref<10240x128xf32, #tpu.memory_space<hbm>>) dst(%arg9 : memref<128x128xf32, #tpu.memory_space<vmem>>)
      %add3A_70 = arith.constant 1 : i32
      %add3A_71 = arith.addi %add3A_45, %add3A_70 : i32
      "tpu.region"() ({
        %run_scoped3A = tpu.sem_alloc : memref<!tpu.dma_semaphore, #tpu.memory_space<semaphore_mem>>
        %dma_start3A_72 = arith.constant 0 : i32
        %dma_start3A_73 = tpu.memref_slice %arg7[%add3A_71, %dma_start3A_72] : memref<40x128xi32, #tpu.memory_space<vmem>> -> memref<1x128xi32, #tpu.memory_space<vmem>>
        %dma_start3A_74 = tpu.memref_squeeze %dma_start3A_73 : memref<1x128xi32, #tpu.memory_space<vmem>> -> memref<128xi32, #tpu.memory_space<vmem>>
        %dma_start3A_75 = arith.constant 0 : i32
        %dma_start3A_76 = arith.constant 0 : i32
        %dma_start3A_77 = tpu.memref_slice %arg11[%dma_start3A_75, %dma_start3A_76] : memref<10240x128xf32, #tpu.memory_space<vmem_shared>> -> memref<10240x128xf32, #tpu.memory_space<vmem_shared>>
        tpu.enqueue_indirect_dma source(%arg9 : memref<128x128xf32, #tpu.memory_space<vmem>>) target(%dma_start3A_77 : memref<10240x128xf32, #tpu.memory_space<vmem_shared>>) offsets(%dma_start3A_74 : memref<128xi32, #tpu.memory_space<vmem>>) semaphore(%run_scoped3A : memref<!tpu.dma_semaphore, #tpu.memory_space<semaphore_mem>>) {add = true}
        %dma_wait3A_78 = arith.constant 0 : i32
        %dma_wait3A_79 = tpu.memref_slice %arg7[%add3A_71, %dma_wait3A_78] : memref<40x128xi32, #tpu.memory_space<vmem>> -> memref<1x128xi32, #tpu.memory_space<vmem>>
        %dma_wait3A_80 = tpu.memref_squeeze %dma_wait3A_79 : memref<1x128xi32, #tpu.memory_space<vmem>> -> memref<128xi32, #tpu.memory_space<vmem>>
        %dma_wait3A_81 = arith.constant 0 : i32
        %dma_wait3A_82 = arith.constant 0 : i32
        %dma_wait3A_83 = tpu.memref_slice %arg11[%dma_wait3A_81, %dma_wait3A_82] : memref<10240x128xf32, #tpu.memory_space<vmem_shared>> -> memref<10240x128xf32, #tpu.memory_space<vmem_shared>>
        tpu.wait_indirect_dma semaphore(%run_scoped3A : memref<!tpu.dma_semaphore, #tpu.memory_space<semaphore_mem>>) src(%arg9 : memref<128x128xf32, #tpu.memory_space<vmem>>) dst(%dma_wait3A_83 : memref<10240x128xf32, #tpu.memory_space<vmem_shared>>)
        tpu.yield
      }) : () -> ()
    }
    %barrier3A_38 = arith.constant 0 : index
    tpu.barrier barrier_id(%barrier3A_38)
    %mul3A_39 = arith.constant 640 : i32
    %mul3A_40 = arith.muli %arg1, %mul3A_39 : i32
    %mul3A_41 = arith.constant 640 : i32
    %mul3A_42 = arith.muli %arg1, %mul3A_41 : i32
    "tpu.region"() ({
      %run_scoped3A = tpu.sem_alloc : memref<!tpu.dma_semaphore, #tpu.memory_space<semaphore_mem>>
      %dma_start3A_43 = arith.constant 0 : i32
      %dma_start3A_44 = arith.constant 0 : i32
      %dma_start3A_45 = tpu.memref_slice %arg5[%arg0, %dma_start3A_43, %dma_start3A_44] : memref<2x10240x128xf32, #tpu.memory_space<hbm>> -> memref<1x10240x128xf32, #tpu.memory_space<hbm>>
      %dma_start3A_46 = tpu.memref_squeeze %dma_start3A_45 : memref<1x10240x128xf32, #tpu.memory_space<hbm>> -> memref<10240x128xf32, #tpu.memory_space<hbm>>
      %dma_start3A_47 = arith.constant 0 : i32
      %dma_start3A_48 = tpu.memref_slice %dma_start3A_46[%mul3A_42, %dma_start3A_47] : memref<10240x128xf32, #tpu.memory_space<hbm>> -> memref<640x128xf32, #tpu.memory_space<hbm>>
      %dma_start3A_49 = arith.constant 0 : i32
      %dma_start3A_50 = tpu.memref_slice %arg11[%mul3A_40, %dma_start3A_49] : memref<10240x128xf32, #tpu.memory_space<vmem_shared>> -> memref<640x128xf32, #tpu.memory_space<vmem_shared>>
      tpu.enqueue_dma source(%dma_start3A_50 : memref<640x128xf32, #tpu.memory_space<vmem_shared>>) target(%dma_start3A_48 : memref<640x128xf32, #tpu.memory_space<hbm>>) target_semaphore(%run_scoped3A : memref<!tpu.dma_semaphore, #tpu.memory_space<semaphore_mem>>)
      %dma_wait3A = arith.constant 0 : i32
      %dma_wait3A_51 = arith.constant 0 : i32
      %dma_wait3A_52 = tpu.memref_slice %arg5[%arg0, %dma_wait3A, %dma_wait3A_51] : memref<2x10240x128xf32, #tpu.memory_space<hbm>> -> memref<1x10240x128xf32, #tpu.memory_space<hbm>>
      %dma_wait3A_53 = tpu.memref_squeeze %dma_wait3A_52 : memref<1x10240x128xf32, #tpu.memory_space<hbm>> -> memref<10240x128xf32, #tpu.memory_space<hbm>>
      %dma_wait3A_54 = arith.constant 0 : i32
      %dma_wait3A_55 = tpu.memref_slice %dma_wait3A_53[%mul3A_42, %dma_wait3A_54] : memref<10240x128xf32, #tpu.memory_space<hbm>> -> memref<640x128xf32, #tpu.memory_space<hbm>>
      %dma_wait3A_56 = arith.constant 0 : i32
      %dma_wait3A_57 = tpu.memref_slice %arg11[%mul3A_40, %dma_wait3A_56] : memref<10240x128xf32, #tpu.memory_space<vmem_shared>> -> memref<640x128xf32, #tpu.memory_space<vmem_shared>>
      tpu.wait_dma2 semaphore(%run_scoped3A : memref<!tpu.dma_semaphore, #tpu.memory_space<semaphore_mem>>) src(%dma_wait3A_57 : memref<640x128xf32, #tpu.memory_space<vmem_shared>>) dst(%dma_wait3A_55 : memref<640x128xf32, #tpu.memory_space<hbm>>)
      tpu.yield
    }) : () -> ()
    return
  }
}

module attributes {stable_mosaic.version = 14 : i64} {
  func.func @_proj1_body(%arg0: i32, %arg1: memref<256x256xf32, #tpu.memory_space<vmem>>, %arg2: memref<256x512xf32, #tpu.memory_space<vmem>>, %arg3: memref<1x512xf32, #tpu.memory_space<vmem>>, %arg4: memref<256x1xf32, #tpu.memory_space<vmem>>, %arg5: memref<256x128xf32, #tpu.memory_space<vmem>>, %arg6: memref<256x128xf32, #tpu.memory_space<vmem>>, %arg7: memref<256x128xf32, #tpu.memory_space<vmem>>, %arg8: memref<256x128xf32, #tpu.memory_space<vmem>>, %arg9: memref<256x1xf32, #tpu.memory_space<vmem>>) attributes {dimension_semantics = [#tpu.dimension_semantics<arbitrary>], iteration_bounds = array<i64: 40>, scalar_prefetch = 0 : i64, scratch_operands = 0 : i64, tpu.core_type = #tpu.core_type<tc>, window_params = [{transform_indices = @transform_0, window_bounds = array<i64: 256, 256>}, {pipeline_mode = #tpu.pipeline_mode<synchronous>, transform_indices = @transform_1, window_bounds = array<i64: 256, 512>}, {pipeline_mode = #tpu.pipeline_mode<synchronous>, transform_indices = @transform_2, window_bounds = array<i64: 1, 512>}, {transform_indices = @transform_3, window_bounds = array<i64: 256, 1>}, {transform_indices = @transform_4, window_bounds = array<i64: 256, 128>}, {transform_indices = @transform_5, window_bounds = array<i64: 256, 128>}, {transform_indices = @transform_6, window_bounds = array<i64: 256, 128>}, {transform_indices = @transform_7, window_bounds = array<i64: 256, 128>}, {transform_indices = @transform_8, window_bounds = array<i64: 256, 1>}]} {
    %get3A = arith.constant 0 : index
    %get3A_0 = arith.constant 0 : index
    %get3A_1 = vector.load %arg1[%get3A, %get3A_0] : memref<256x256xf32, #tpu.memory_space<vmem>>, vector<256x256xf32>
    %get3A_2 = arith.constant 0 : index
    %get3A_3 = arith.constant 0 : index
    %get3A_4 = vector.load %arg2[%get3A_2, %get3A_3] : memref<256x512xf32, #tpu.memory_space<vmem>>, vector<256x512xf32>
    %dot_general3A = arith.constant dense<0.000000e+00> : vector<256x512xf32>
    %dot_general3A_5 = tpu.matmul %get3A_1, %get3A_4, %dot_general3A {dimension_numbers = #tpu.dot_dimension_numbers<[1], [0], [0], [1], [0, 0, 1, 1], [], []>, transpose_lhs_hint = false} : vector<256x256xf32>, vector<256x512xf32>, vector<256x512xf32> -> vector<256x512xf32>
    %get3A_6 = arith.constant 0 : index
    %get3A_7 = arith.constant 0 : index
    %get3A_8 = vector.load %arg3[%get3A_6, %get3A_7] : memref<1x512xf32, #tpu.memory_space<vmem>>, vector<1x512xf32>
    %add3A = vector.broadcast %get3A_8 : vector<1x512xf32> to vector<256x512xf32>
    %add3A_9 = arith.addf %dot_general3A_5, %add3A : vector<256x512xf32>
    %get3A_10 = arith.constant 0 : index
    %get3A_11 = arith.constant 0 : index
    %get3A_12 = vector.load %arg4[%get3A_10, %get3A_11] : memref<256x1xf32, #tpu.memory_space<vmem>>, vector<256x1xf32>
    %add3A_13 = arith.constant 1.000000e+00 : f32
    %add3A_14 = vector.broadcast %add3A_13 : f32 to vector<256x1xf32>
    %add3A_15 = arith.addf %get3A_12, %add3A_14 : vector<256x1xf32>
    %rsqrt3A = math.rsqrt %add3A_15 : vector<256x1xf32>
    %slice3A = vector.extract_strided_slice %add3A_9 {offsets = [0, 0], sizes = [256, 128], strides = [1, 1]} : vector<256x512xf32> to vector<256x128xf32>
    %swap3A = arith.constant 0 : index
    %swap3A_16 = arith.constant 0 : index
    %swap3A_17 = vector.load %arg5[%swap3A, %swap3A_16] : memref<256x128xf32, #tpu.memory_space<vmem>>, vector<256x128xf32>
    tpu.vector_store %arg5[%swap3A, %swap3A_16], %slice3A {strides = array<i32>} : memref<256x128xf32, #tpu.memory_space<vmem>>, vector<256x128xf32>,
    %slice3A_18 = vector.extract_strided_slice %add3A_9 {offsets = [0, 128], sizes = [256, 128], strides = [1, 1]} : vector<256x512xf32> to vector<256x128xf32>
    %swap3A_19 = arith.constant 0 : index
    %swap3A_20 = arith.constant 0 : index
    %swap3A_21 = vector.load %arg6[%swap3A_19, %swap3A_20] : memref<256x128xf32, #tpu.memory_space<vmem>>, vector<256x128xf32>
    tpu.vector_store %arg6[%swap3A_19, %swap3A_20], %slice3A_18 {strides = array<i32>} : memref<256x128xf32, #tpu.memory_space<vmem>>, vector<256x128xf32>,
    %slice3A_22 = vector.extract_strided_slice %add3A_9 {offsets = [0, 256], sizes = [256, 128], strides = [1, 1]} : vector<256x512xf32> to vector<256x128xf32>
    %swap3A_23 = arith.constant 0 : index
    %swap3A_24 = arith.constant 0 : index
    %swap3A_25 = vector.load %arg7[%swap3A_23, %swap3A_24] : memref<256x128xf32, #tpu.memory_space<vmem>>, vector<256x128xf32>
    tpu.vector_store %arg7[%swap3A_23, %swap3A_24], %slice3A_22 {strides = array<i32>} : memref<256x128xf32, #tpu.memory_space<vmem>>, vector<256x128xf32>,
    %slice3A_26 = vector.extract_strided_slice %add3A_9 {offsets = [0, 384], sizes = [256, 128], strides = [1, 1]} : vector<256x512xf32> to vector<256x128xf32>
    %mul3A = vector.broadcast %rsqrt3A : vector<256x1xf32> to vector<256x128xf32>
    %mul3A_27 = arith.mulf %mul3A, %slice3A_26 : vector<256x128xf32>
    %swap3A_28 = arith.constant 0 : index
    %swap3A_29 = arith.constant 0 : index
    %swap3A_30 = vector.load %arg8[%swap3A_28, %swap3A_29] : memref<256x128xf32, #tpu.memory_space<vmem>>, vector<256x128xf32>
    tpu.vector_store %arg8[%swap3A_28, %swap3A_29], %mul3A_27 {strides = array<i32>} : memref<256x128xf32, #tpu.memory_space<vmem>>, vector<256x128xf32>,
    %swap3A_31 = arith.constant 0 : index
    %swap3A_32 = arith.constant 0 : index
    %swap3A_33 = vector.load %arg9[%swap3A_31, %swap3A_32] : memref<256x1xf32, #tpu.memory_space<vmem>>, vector<256x1xf32>
    tpu.vector_store %arg9[%swap3A_31, %swap3A_32], %rsqrt3A {strides = array<i32>} : memref<256x1xf32, #tpu.memory_space<vmem>>, vector<256x1xf32>,
    return
  }
  func.func @transform_0(%arg0: i32) -> (i32, i32) {
    %c0_i32 = arith.constant 0 : i32
    %c0_i32_0 = arith.constant 0 : i32
    return %arg0, %c0_i32 : i32, i32
  }
  func.func @transform_1(%arg0: i32) -> (i32, i32) {
    %c0_i32 = arith.constant 0 : i32
    %c0_i32_0 = arith.constant 0 : i32
    %c0_i32_1 = arith.constant 0 : i32
    return %c0_i32, %c0_i32_0 : i32, i32
  }
  func.func @transform_2(%arg0: i32) -> (i32, i32) {
    %c0_i32 = arith.constant 0 : i32
    %c0_i32_0 = arith.constant 0 : i32
    %c0_i32_1 = arith.constant 0 : i32
    return %c0_i32, %c0_i32_0 : i32, i32
  }
  func.func @transform_3(%arg0: i32) -> (i32, i32) {
    %c0_i32 = arith.constant 0 : i32
    %c0_i32_0 = arith.constant 0 : i32
    return %arg0, %c0_i32 : i32, i32
  }
  func.func @transform_4(%arg0: i32) -> (i32, i32) {
    %c0_i32 = arith.constant 0 : i32
    %c0_i32_0 = arith.constant 0 : i32
    return %arg0, %c0_i32 : i32, i32
  }
  func.func @transform_5(%arg0: i32) -> (i32, i32) {
    %c0_i32 = arith.constant 0 : i32
    %c0_i32_0 = arith.constant 0 : i32
    return %arg0, %c0_i32 : i32, i32
  }
  func.func @transform_6(%arg0: i32) -> (i32, i32) {
    %c0_i32 = arith.constant 0 : i32
    %c0_i32_0 = arith.constant 0 : i32
    return %arg0, %c0_i32 : i32, i32
  }
  func.func @transform_7(%arg0: i32) -> (i32, i32) {
    %c0_i32 = arith.constant 0 : i32
    %c0_i32_0 = arith.constant 0 : i32
    return %arg0, %c0_i32 : i32, i32
  }
  func.func @transform_8(%arg0: i32) -> (i32, i32) {
    %c0_i32 = arith.constant 0 : i32
    %c0_i32_0 = arith.constant 0 : i32
    return %arg0, %c0_i32 : i32, i32
  }
}

module attributes {stable_mosaic.version = 14 : i64} {
  func.func @_attn_body(%arg0: i32, %arg1: memref<256x128xf32, #tpu.memory_space<vmem>>, %arg2: memref<10240x128xf32, #tpu.memory_space<vmem>>, %arg3: memref<10240x128xf32, #tpu.memory_space<vmem>>, %arg4: memref<256x128xf32, #tpu.memory_space<vmem>>) attributes {dimension_semantics = [#tpu.dimension_semantics<arbitrary>], iteration_bounds = array<i64: 40>, scalar_prefetch = 0 : i64, scratch_operands = 0 : i64, tpu.core_type = #tpu.core_type<tc>, window_params = [{transform_indices = @transform_0, window_bounds = array<i64: 256, 128>}, {pipeline_mode = #tpu.pipeline_mode<synchronous>, transform_indices = @transform_1, window_bounds = array<i64: 10240, 128>}, {pipeline_mode = #tpu.pipeline_mode<synchronous>, transform_indices = @transform_2, window_bounds = array<i64: 10240, 128>}, {transform_indices = @transform_3, window_bounds = array<i64: 256, 128>}]} {
    %get3A = arith.constant 0 : index
    %get3A_0 = arith.constant 0 : index
    %get3A_1 = vector.load %arg1[%get3A, %get3A_0] : memref<256x128xf32, #tpu.memory_space<vmem>>, vector<256x128xf32>
    %get3A_2 = arith.constant 0 : index
    %get3A_3 = arith.constant 0 : index
    %get3A_4 = vector.load %arg2[%get3A_2, %get3A_3] : memref<10240x128xf32, #tpu.memory_space<vmem>>, vector<10240x128xf32>
    %dot_general3A = arith.constant dense<0.000000e+00> : vector<256x10240xf32>
    %dot_general3A_5 = tpu.matmul %get3A_1, %get3A_4, %dot_general3A {dimension_numbers = #tpu.dot_dimension_numbers<[1], [1], [0], [0], [0, 0, 1, 0], [], []>, transpose_lhs_hint = false} : vector<256x128xf32>, vector<10240x128xf32>, vector<256x10240xf32> -> vector<256x10240xf32>
    %iota3A = tpu.iota {dimensions = array<i32: 1>} : vector<256x10240xi32>
    %lt3A = arith.constant 10000 : i32
    %lt3A_6 = vector.broadcast %lt3A : i32 to vector<256x10240xi32>
    %lt3A_7 = arith.cmpi slt, %iota3A, %lt3A_6 : vector<256x10240xi32>
    %jit3A = arith.constant -3.000000e+38 : f32
    %broadcast_in_dim3A = vector.broadcast %jit3A : f32 to vector<256x10240xf32>
    %select_n3A = arith.select %lt3A_7, %dot_general3A_5, %broadcast_in_dim3A : vector<256x10240xi1>, vector<256x10240xf32>
    %reduce_max3A = arith.constant dense<0xFF800000> : vector<256xf32>
    %reduce_max3A_8 = vector.multi_reduction <maximumf>, %select_n3A, %reduce_max3A [1] : vector<256x10240xf32> to vector<256xf32>
    %broadcast_in_dim3A_9 = vector.shape_cast %reduce_max3A_8 : vector<256xf32> to vector<256x1xf32>
    %sub3A = vector.broadcast %broadcast_in_dim3A_9 : vector<256x1xf32> to vector<256x10240xf32>
    %sub3A_10 = arith.subf %select_n3A, %sub3A : vector<256x10240xf32>
    %exp3A = math.exp %sub3A_10 : vector<256x10240xf32>
    %reduce_sum3A = arith.constant dense<0.000000e+00> : vector<256xf32>
    %reduce_sum3A_11 = vector.multi_reduction <add>, %exp3A, %reduce_sum3A [1] : vector<256x10240xf32> to vector<256xf32>
    %broadcast_in_dim3A_12 = vector.shape_cast %reduce_sum3A_11 : vector<256xf32> to vector<256x1xf32>
    %convert_element_type3A = arith.truncf %exp3A : vector<256x10240xf32> to vector<256x10240xbf16>
    %get3A_13 = arith.constant 0 : index
    %get3A_14 = arith.constant 0 : index
    %get3A_15 = vector.load %arg3[%get3A_13, %get3A_14] : memref<10240x128xf32, #tpu.memory_space<vmem>>, vector<10240x128xf32>
    %convert_element_type3A_16 = arith.truncf %get3A_15 : vector<10240x128xf32> to vector<10240x128xbf16>
    %dot_general3A_17 = arith.constant dense<0.000000e+00> : vector<256x128xf32>
    %dot_general3A_18 = tpu.matmul %convert_element_type3A, %convert_element_type3A_16, %dot_general3A_17 {dimension_numbers = #tpu.dot_dimension_numbers<[1], [0], [0], [1], [0, 0, 1, 1], [], []>, transpose_lhs_hint = false} : vector<256x10240xbf16>, vector<10240x128xbf16>, vector<256x128xf32> -> vector<256x128xf32>
    %div3A = vector.broadcast %broadcast_in_dim3A_12 : vector<256x1xf32> to vector<256x128xf32>
    %div3A_19 = arith.divf %dot_general3A_18, %div3A : vector<256x128xf32>
    %swap3A = arith.constant 0 : index
    %swap3A_20 = arith.constant 0 : index
    %swap3A_21 = vector.load %arg4[%swap3A, %swap3A_20] : memref<256x128xf32, #tpu.memory_space<vmem>>, vector<256x128xf32>
    tpu.vector_store %arg4[%swap3A, %swap3A_20], %div3A_19 {strides = array<i32>} : memref<256x128xf32, #tpu.memory_space<vmem>>, vector<256x128xf32>,
    return
  }
  func.func @transform_0(%arg0: i32) -> (i32, i32) {
    %c0_i32 = arith.constant 0 : i32
    %c0_i32_0 = arith.constant 0 : i32
    return %arg0, %c0_i32 : i32, i32
  }
  func.func @transform_1(%arg0: i32) -> (i32, i32) {
    %c0_i32 = arith.constant 0 : i32
    %c0_i32_0 = arith.constant 0 : i32
    %c0_i32_1 = arith.constant 0 : i32
    return %c0_i32, %c0_i32_0 : i32, i32
  }
  func.func @transform_2(%arg0: i32) -> (i32, i32) {
    %c0_i32 = arith.constant 0 : i32
    %c0_i32_0 = arith.constant 0 : i32
    %c0_i32_1 = arith.constant 0 : i32
    return %c0_i32, %c0_i32_0 : i32, i32
  }
  func.func @transform_3(%arg0: i32) -> (i32, i32) {
    %c0_i32 = arith.constant 0 : i32
    %c0_i32_0 = arith.constant 0 : i32
    return %arg0, %c0_i32 : i32, i32
  }
}

module attributes {stable_mosaic.version = 14 : i64} {
  func.func @_sq1_body(%arg0: i32, %arg1: memref<256x128xf32, #tpu.memory_space<vmem>>, %arg2: memref<256x128xf32, #tpu.memory_space<vmem>>, %arg3: memref<256x128xf32, #tpu.memory_space<vmem>>, %arg4: memref<256x1xf32, #tpu.memory_space<vmem>>, %arg5: memref<1x128xf32, #tpu.memory_space<vmem>>, %arg6: memref<256x128xf32, #tpu.memory_space<vmem>>, %arg7: memref<256x128xf32, #tpu.memory_space<vmem>>, %arg8: memref<1x128xf32, #tpu.memory_space<vmem>>, %arg9: memref<128x256xf32, #tpu.memory_space<vmem>>, %arg10: memref<1x256xf32, #tpu.memory_space<vmem>>, %arg11: memref<256x64xf32, #tpu.memory_space<vmem>>, %arg12: memref<256x64xf32, #tpu.memory_space<vmem>>, %arg13: memref<256x64xf32, #tpu.memory_space<vmem>>, %arg14: memref<256x128xf32, #tpu.memory_space<vmem>>) attributes {dimension_semantics = [#tpu.dimension_semantics<arbitrary>], iteration_bounds = array<i64: 40>, scalar_prefetch = 0 : i64, scratch_operands = 0 : i64, tpu.core_type = #tpu.core_type<tc>, window_params = [{transform_indices = @transform_0, window_bounds = array<i64: 256, 128>}, {transform_indices = @transform_1, window_bounds = array<i64: 256, 128>}, {transform_indices = @transform_2, window_bounds = array<i64: 256, 128>}, {transform_indices = @transform_3, window_bounds = array<i64: 256, 1>}, {pipeline_mode = #tpu.pipeline_mode<synchronous>, transform_indices = @transform_4, window_bounds = array<i64: 1, 128>}, {transform_indices = @transform_5, window_bounds = array<i64: 256, 128>}, {pipeline_mode = #tpu.pipeline_mode<synchronous>, transform_indices = @transform_6, window_bounds = array<i64: 256, 128>}, {pipeline_mode = #tpu.pipeline_mode<synchronous>, transform_indices = @transform_7, window_bounds = array<i64: 1, 128>}, {pipeline_mode = #tpu.pipeline_mode<synchronous>, transform_indices = @transform_8, window_bounds = array<i64: 128, 256>}, {pipeline_mode = #tpu.pipeline_mode<synchronous>, transform_indices = @transform_9, window_bounds = array<i64: 1, 256>}, {transform_indices = @transform_10, window_bounds = array<i64: 256, 64>}, {transform_indices = @transform_11, window_bounds = array<i64: 256, 64>}, {transform_indices = @transform_12, window_bounds = array<i64: 256, 64>}, {transform_indices = @transform_13, window_bounds = array<i64: 256, 128>}]} {
    %get3A = arith.constant 0 : index
    %get3A_0 = arith.constant 0 : index
    %get3A_1 = vector.load %arg4[%get3A, %get3A_0] : memref<256x1xf32, #tpu.memory_space<vmem>>, vector<256x1xf32>
    %get3A_2 = arith.constant 0 : index
    %get3A_3 = arith.constant 0 : index
    %get3A_4 = vector.load %arg1[%get3A_2, %get3A_3] : memref<256x128xf32, #tpu.memory_space<vmem>>, vector<256x128xf32>
    %get3A_5 = arith.constant 0 : index
    %get3A_6 = arith.constant 0 : index
    %get3A_7 = vector.load %arg2[%get3A_5, %get3A_6] : memref<256x128xf32, #tpu.memory_space<vmem>>, vector<256x128xf32>
    %add3A = arith.addf %get3A_4, %get3A_7 : vector<256x128xf32>
    %get3A_8 = arith.constant 0 : index
    %get3A_9 = arith.constant 0 : index
    %get3A_10 = vector.load %arg3[%get3A_8, %get3A_9] : memref<256x128xf32, #tpu.memory_space<vmem>>, vector<256x128xf32>
    %add3A_11 = arith.addf %add3A, %get3A_10 : vector<256x128xf32>
    %mul3A = vector.broadcast %get3A_1 : vector<256x1xf32> to vector<256x128xf32>
    %mul3A_12 = arith.mulf %mul3A, %add3A_11 : vector<256x128xf32>
    %get3A_13 = arith.constant 0 : index
    %get3A_14 = arith.constant 0 : index
    %get3A_15 = vector.load %arg5[%get3A_13, %get3A_14] : memref<1x128xf32, #tpu.memory_space<vmem>>, vector<1x128xf32>
    %add3A_16 = vector.broadcast %get3A_15 : vector<1x128xf32> to vector<256x128xf32>
    %add3A_17 = arith.addf %mul3A_12, %add3A_16 : vector<256x128xf32>
    %get3A_18 = arith.constant 0 : index
    %get3A_19 = arith.constant 0 : index
    %get3A_20 = vector.load %arg6[%get3A_18, %get3A_19] : memref<256x128xf32, #tpu.memory_space<vmem>>, vector<256x128xf32>
    %concatenate3A = tpu.concatenate %add3A_17, %get3A_20 in 1 : vector<256x128xf32>, vector<256x128xf32> -> vector<256x256xf32>
    %max3A = arith.constant 0.000000e+00 : f32
    %max3A_21 = vector.broadcast %max3A : f32 to vector<256x256xf32>
    %max3A_22 = arith.maximumf %concatenate3A, %max3A_21 : vector<256x256xf32>
    %get3A_23 = arith.constant 0 : index
    %get3A_24 = arith.constant 0 : index
    %get3A_25 = vector.load %arg7[%get3A_23, %get3A_24] : memref<256x128xf32, #tpu.memory_space<vmem>>, vector<256x128xf32>
    %dot_general3A = arith.constant dense<0.000000e+00> : vector<256x128xf32>
    %dot_general3A_26 = tpu.matmul %max3A_22, %get3A_25, %dot_general3A {dimension_numbers = #tpu.dot_dimension_numbers<[1], [0], [0], [1], [0, 0, 1, 1], [], []>, transpose_lhs_hint = false} : vector<256x256xf32>, vector<256x128xf32>, vector<256x128xf32> -> vector<256x128xf32>
    %get3A_27 = arith.constant 0 : index
    %get3A_28 = arith.constant 0 : index
    %get3A_29 = vector.load %arg8[%get3A_27, %get3A_28] : memref<1x128xf32, #tpu.memory_space<vmem>>, vector<1x128xf32>
    %add3A_30 = vector.broadcast %get3A_29 : vector<1x128xf32> to vector<256x128xf32>
    %add3A_31 = arith.addf %dot_general3A_26, %add3A_30 : vector<256x128xf32>
    %max3A_32 = arith.constant 0.000000e+00 : f32
    %max3A_33 = vector.broadcast %max3A_32 : f32 to vector<256x128xf32>
    %max3A_34 = arith.maximumf %add3A_31, %max3A_33 : vector<256x128xf32>
    %get3A_35 = arith.constant 0 : index
    %get3A_36 = arith.constant 0 : index
    %get3A_37 = vector.load %arg9[%get3A_35, %get3A_36] : memref<128x256xf32, #tpu.memory_space<vmem>>, vector<128x256xf32>
    %dot_general3A_38 = arith.constant dense<0.000000e+00> : vector<256x256xf32>
    %dot_general3A_39 = tpu.matmul %max3A_34, %get3A_37, %dot_general3A_38 {dimension_numbers = #tpu.dot_dimension_numbers<[1], [0], [0], [1], [0, 0, 1, 1], [], []>, transpose_lhs_hint = false} : vector<256x128xf32>, vector<128x256xf32>, vector<256x256xf32> -> vector<256x256xf32>
    %get3A_40 = arith.constant 0 : index
    %get3A_41 = arith.constant 0 : index
    %get3A_42 = vector.load %arg10[%get3A_40, %get3A_41] : memref<1x256xf32, #tpu.memory_space<vmem>>, vector<1x256xf32>
    %add3A_43 = vector.broadcast %get3A_42 : vector<1x256xf32> to vector<256x256xf32>
    %add3A_44 = arith.addf %dot_general3A_39, %add3A_43 : vector<256x256xf32>
    %slice3A = vector.extract_strided_slice %add3A_44 {offsets = [0, 0], sizes = [256, 64], strides = [1, 1]} : vector<256x256xf32> to vector<256x64xf32>
    %swap3A = arith.constant 0 : index
    %swap3A_45 = arith.constant 0 : index
    %swap3A_46 = vector.load %arg11[%swap3A, %swap3A_45] : memref<256x64xf32, #tpu.memory_space<vmem>>, vector<256x64xf32>
    tpu.vector_store %arg11[%swap3A, %swap3A_45], %slice3A {strides = array<i32>} : memref<256x64xf32, #tpu.memory_space<vmem>>, vector<256x64xf32>,
    %slice3A_47 = vector.extract_strided_slice %add3A_44 {offsets = [0, 64], sizes = [256, 64], strides = [1, 1]} : vector<256x256xf32> to vector<256x64xf32>
    %swap3A_48 = arith.constant 0 : index
    %swap3A_49 = arith.constant 0 : index
    %swap3A_50 = vector.load %arg12[%swap3A_48, %swap3A_49] : memref<256x64xf32, #tpu.memory_space<vmem>>, vector<256x64xf32>
    tpu.vector_store %arg12[%swap3A_48, %swap3A_49], %slice3A_47 {strides = array<i32>} : memref<256x64xf32, #tpu.memory_space<vmem>>, vector<256x64xf32>,
    %slice3A_51 = vector.extract_strided_slice %add3A_44 {offsets = [0, 128], sizes = [256, 64], strides = [1, 1]} : vector<256x256xf32> to vector<256x64xf32>
    %swap3A_52 = arith.constant 0 : index
    %swap3A_53 = arith.constant 0 : index
    %swap3A_54 = vector.load %arg13[%swap3A_52, %swap3A_53] : memref<256x64xf32, #tpu.memory_space<vmem>>, vector<256x64xf32>
    tpu.vector_store %arg13[%swap3A_52, %swap3A_53], %slice3A_51 {strides = array<i32>} : memref<256x64xf32, #tpu.memory_space<vmem>>, vector<256x64xf32>,
    %slice3A_55 = vector.extract_strided_slice %add3A_44 {offsets = [0, 192], sizes = [256, 64], strides = [1, 1]} : vector<256x256xf32> to vector<256x64xf32>
    %mul3A_56 = vector.broadcast %get3A_1 : vector<256x1xf32> to vector<256x64xf32>
    %mul3A_57 = arith.mulf %mul3A_56, %slice3A_55 : vector<256x64xf32>
    %broadcast_in_dim3A = arith.constant 0.000000e+00 : f32
    %broadcast_in_dim3A_58 = vector.broadcast %broadcast_in_dim3A : f32 to vector<256x64xf32>
    %concatenate3A_59 = tpu.concatenate %mul3A_57, %broadcast_in_dim3A_58 in 1 : vector<256x64xf32>, vector<256x64xf32> -> vector<256x128xf32>
    %swap3A_60 = arith.constant 0 : index
    %swap3A_61 = arith.constant 0 : index
    %swap3A_62 = vector.load %arg14[%swap3A_60, %swap3A_61] : memref<256x128xf32, #tpu.memory_space<vmem>>, vector<256x128xf32>
    tpu.vector_store %arg14[%swap3A_60, %swap3A_61], %concatenate3A_59 {strides = array<i32>} : memref<256x128xf32, #tpu.memory_space<vmem>>, vector<256x128xf32>,
    return
  }
  func.func @transform_0(%arg0: i32) -> (i32, i32) {
    %c0_i32 = arith.constant 0 : i32
    %c0_i32_0 = arith.constant 0 : i32
    return %arg0, %c0_i32 : i32, i32
  }
  func.func @transform_1(%arg0: i32) -> (i32, i32) {
    %c0_i32 = arith.constant 0 : i32
    %c0_i32_0 = arith.constant 0 : i32
    return %arg0, %c0_i32 : i32, i32
  }
  func.func @transform_2(%arg0: i32) -> (i32, i32) {
    %c0_i32 = arith.constant 0 : i32
    %c0_i32_0 = arith.constant 0 : i32
    return %arg0, %c0_i32 : i32, i32
  }
  func.func @transform_3(%arg0: i32) -> (i32, i32) {
    %c0_i32 = arith.constant 0 : i32
    %c0_i32_0 = arith.constant 0 : i32
    return %arg0, %c0_i32 : i32, i32
  }
  func.func @transform_4(%arg0: i32) -> (i32, i32) {
    %c0_i32 = arith.constant 0 : i32
    %c0_i32_0 = arith.constant 0 : i32
    %c0_i32_1 = arith.constant 0 : i32
    return %c0_i32, %c0_i32_0 : i32, i32
  }
  func.func @transform_5(%arg0: i32) -> (i32, i32) {
    %c0_i32 = arith.constant 0 : i32
    %c0_i32_0 = arith.constant 0 : i32
    return %arg0, %c0_i32 : i32, i32
  }
  func.func @transform_6(%arg0: i32) -> (i32, i32) {
    %c0_i32 = arith.constant 0 : i32
    %c0_i32_0 = arith.constant 0 : i32
    %c0_i32_1 = arith.constant 0 : i32
    return %c0_i32, %c0_i32_0 : i32, i32
  }
  func.func @transform_7(%arg0: i32) -> (i32, i32) {
    %c0_i32 = arith.constant 0 : i32
    %c0_i32_0 = arith.constant 0 : i32
    %c0_i32_1 = arith.constant 0 : i32
    return %c0_i32, %c0_i32_0 : i32, i32
  }
  func.func @transform_8(%arg0: i32) -> (i32, i32) {
    %c0_i32 = arith.constant 0 : i32
    %c0_i32_0 = arith.constant 0 : i32
    %c0_i32_1 = arith.constant 0 : i32
    return %c0_i32, %c0_i32_0 : i32, i32
  }
  func.func @transform_9(%arg0: i32) -> (i32, i32) {
    %c0_i32 = arith.constant 0 : i32
    %c0_i32_0 = arith.constant 0 : i32
    %c0_i32_1 = arith.constant 0 : i32
    return %c0_i32, %c0_i32_0 : i32, i32
  }
  func.func @transform_10(%arg0: i32) -> (i32, i32) {
    %c0_i32 = arith.constant 0 : i32
    %c0_i32_0 = arith.constant 0 : i32
    return %arg0, %c0_i32 : i32, i32
  }
  func.func @transform_11(%arg0: i32) -> (i32, i32) {
    %c0_i32 = arith.constant 0 : i32
    %c0_i32_0 = arith.constant 0 : i32
    return %arg0, %c0_i32 : i32, i32
  }
  func.func @transform_12(%arg0: i32) -> (i32, i32) {
    %c0_i32 = arith.constant 0 : i32
    %c0_i32_0 = arith.constant 0 : i32
    return %arg0, %c0_i32 : i32, i32
  }
  func.func @transform_13(%arg0: i32) -> (i32, i32) {
    %c0_i32 = arith.constant 0 : i32
    %c0_i32_0 = arith.constant 0 : i32
    return %arg0, %c0_i32 : i32, i32
  }
}

module attributes {stable_mosaic.version = 14 : i64} {
  func.func @_attn_body(%arg0: i32, %arg1: memref<256x64xf32, #tpu.memory_space<vmem>>, %arg2: memref<10240x64xf32, #tpu.memory_space<vmem>>, %arg3: memref<10240x64xf32, #tpu.memory_space<vmem>>, %arg4: memref<256x64xf32, #tpu.memory_space<vmem>>) attributes {dimension_semantics = [#tpu.dimension_semantics<arbitrary>], iteration_bounds = array<i64: 40>, scalar_prefetch = 0 : i64, scratch_operands = 0 : i64, tpu.core_type = #tpu.core_type<tc>, window_params = [{transform_indices = @transform_0, window_bounds = array<i64: 256, 64>}, {pipeline_mode = #tpu.pipeline_mode<synchronous>, transform_indices = @transform_1, window_bounds = array<i64: 10240, 64>}, {pipeline_mode = #tpu.pipeline_mode<synchronous>, transform_indices = @transform_2, window_bounds = array<i64: 10240, 64>}, {transform_indices = @transform_3, window_bounds = array<i64: 256, 64>}]} {
    %get3A = arith.constant 0 : index
    %get3A_0 = arith.constant 0 : index
    %get3A_1 = vector.load %arg1[%get3A, %get3A_0] : memref<256x64xf32, #tpu.memory_space<vmem>>, vector<256x64xf32>
    %get3A_2 = arith.constant 0 : index
    %get3A_3 = arith.constant 0 : index
    %get3A_4 = vector.load %arg2[%get3A_2, %get3A_3] : memref<10240x64xf32, #tpu.memory_space<vmem>>, vector<10240x64xf32>
    %dot_general3A = arith.constant dense<0.000000e+00> : vector<256x10240xf32>
    %dot_general3A_5 = tpu.matmul %get3A_1, %get3A_4, %dot_general3A {dimension_numbers = #tpu.dot_dimension_numbers<[1], [1], [0], [0], [0, 0, 1, 0], [], []>, transpose_lhs_hint = false} : vector<256x64xf32>, vector<10240x64xf32>, vector<256x10240xf32> -> vector<256x10240xf32>
    %iota3A = tpu.iota {dimensions = array<i32: 1>} : vector<256x10240xi32>
    %lt3A = arith.constant 10000 : i32
    %lt3A_6 = vector.broadcast %lt3A : i32 to vector<256x10240xi32>
    %lt3A_7 = arith.cmpi slt, %iota3A, %lt3A_6 : vector<256x10240xi32>
    %jit3A = arith.constant -3.000000e+38 : f32
    %broadcast_in_dim3A = vector.broadcast %jit3A : f32 to vector<256x10240xf32>
    %select_n3A = arith.select %lt3A_7, %dot_general3A_5, %broadcast_in_dim3A : vector<256x10240xi1>, vector<256x10240xf32>
    %reduce_max3A = arith.constant dense<0xFF800000> : vector<256xf32>
    %reduce_max3A_8 = vector.multi_reduction <maximumf>, %select_n3A, %reduce_max3A [1] : vector<256x10240xf32> to vector<256xf32>
    %broadcast_in_dim3A_9 = vector.shape_cast %reduce_max3A_8 : vector<256xf32> to vector<256x1xf32>
    %sub3A = vector.broadcast %broadcast_in_dim3A_9 : vector<256x1xf32> to vector<256x10240xf32>
    %sub3A_10 = arith.subf %select_n3A, %sub3A : vector<256x10240xf32>
    %exp3A = math.exp %sub3A_10 : vector<256x10240xf32>
    %reduce_sum3A = arith.constant dense<0.000000e+00> : vector<256xf32>
    %reduce_sum3A_11 = vector.multi_reduction <add>, %exp3A, %reduce_sum3A [1] : vector<256x10240xf32> to vector<256xf32>
    %broadcast_in_dim3A_12 = vector.shape_cast %reduce_sum3A_11 : vector<256xf32> to vector<256x1xf32>
    %convert_element_type3A = arith.truncf %exp3A : vector<256x10240xf32> to vector<256x10240xbf16>
    %get3A_13 = arith.constant 0 : index
    %get3A_14 = arith.constant 0 : index
    %get3A_15 = vector.load %arg3[%get3A_13, %get3A_14] : memref<10240x64xf32, #tpu.memory_space<vmem>>, vector<10240x64xf32>
    %convert_element_type3A_16 = arith.truncf %get3A_15 : vector<10240x64xf32> to vector<10240x64xbf16>
    %dot_general3A_17 = arith.constant dense<0.000000e+00> : vector<256x64xf32>
    %dot_general3A_18 = tpu.matmul %convert_element_type3A, %convert_element_type3A_16, %dot_general3A_17 {dimension_numbers = #tpu.dot_dimension_numbers<[1], [0], [0], [1], [0, 0, 1, 1], [], []>, transpose_lhs_hint = false} : vector<256x10240xbf16>, vector<10240x64xbf16>, vector<256x64xf32> -> vector<256x64xf32>
    %div3A = vector.broadcast %broadcast_in_dim3A_12 : vector<256x1xf32> to vector<256x64xf32>
    %div3A_19 = arith.divf %dot_general3A_18, %div3A : vector<256x64xf32>
    %swap3A = arith.constant 0 : index
    %swap3A_20 = arith.constant 0 : index
    %swap3A_21 = vector.load %arg4[%swap3A, %swap3A_20] : memref<256x64xf32, #tpu.memory_space<vmem>>, vector<256x64xf32>
    tpu.vector_store %arg4[%swap3A, %swap3A_20], %div3A_19 {strides = array<i32>} : memref<256x64xf32, #tpu.memory_space<vmem>>, vector<256x64xf32>,
    return
  }
  func.func @transform_0(%arg0: i32) -> (i32, i32) {
    %c0_i32 = arith.constant 0 : i32
    %c0_i32_0 = arith.constant 0 : i32
    return %arg0, %c0_i32 : i32, i32
  }
  func.func @transform_1(%arg0: i32) -> (i32, i32) {
    %c0_i32 = arith.constant 0 : i32
    %c0_i32_0 = arith.constant 0 : i32
    %c0_i32_1 = arith.constant 0 : i32
    return %c0_i32, %c0_i32_0 : i32, i32
  }
  func.func @transform_2(%arg0: i32) -> (i32, i32) {
    %c0_i32 = arith.constant 0 : i32
    %c0_i32_0 = arith.constant 0 : i32
    %c0_i32_1 = arith.constant 0 : i32
    return %c0_i32, %c0_i32_0 : i32, i32
  }
  func.func @transform_3(%arg0: i32) -> (i32, i32) {
    %c0_i32 = arith.constant 0 : i32
    %c0_i32_0 = arith.constant 0 : i32
    return %arg0, %c0_i32 : i32, i32
  }
}

module attributes {stable_mosaic.version = 14 : i64} {
  func.func @_sq2_body(%arg0: i32, %arg1: memref<256x128xf32, #tpu.memory_space<vmem>>, %arg2: memref<256x128xf32, #tpu.memory_space<vmem>>, %arg3: memref<256x128xf32, #tpu.memory_space<vmem>>, %arg4: memref<256x1xf32, #tpu.memory_space<vmem>>, %arg5: memref<1x64xf32, #tpu.memory_space<vmem>>, %arg6: memref<256x64xf32, #tpu.memory_space<vmem>>, %arg7: memref<128x64xf32, #tpu.memory_space<vmem>>, %arg8: memref<1x64xf32, #tpu.memory_space<vmem>>, %arg9: memref<256x64xf32, #tpu.memory_space<vmem>>) attributes {dimension_semantics = [#tpu.dimension_semantics<arbitrary>], iteration_bounds = array<i64: 40>, scalar_prefetch = 0 : i64, scratch_operands = 0 : i64, tpu.core_type = #tpu.core_type<tc>, window_params = [{transform_indices = @transform_0, window_bounds = array<i64: 256, 128>}, {transform_indices = @transform_1, window_bounds = array<i64: 256, 128>}, {transform_indices = @transform_2, window_bounds = array<i64: 256, 128>}, {transform_indices = @transform_3, window_bounds = array<i64: 256, 1>}, {pipeline_mode = #tpu.pipeline_mode<synchronous>, transform_indices = @transform_4, window_bounds = array<i64: 1, 64>}, {transform_indices = @transform_5, window_bounds = array<i64: 256, 64>}, {pipeline_mode = #tpu.pipeline_mode<synchronous>, transform_indices = @transform_6, window_bounds = array<i64: 128, 64>}, {pipeline_mode = #tpu.pipeline_mode<synchronous>, transform_indices = @transform_7, window_bounds = array<i64: 1, 64>}, {transform_indices = @transform_8, window_bounds = array<i64: 256, 64>}]} {
    %get3A = arith.constant 0 : index
    %get3A_0 = arith.constant 0 : index
    %get3A_1 = vector.load %arg4[%get3A, %get3A_0] : memref<256x1xf32, #tpu.memory_space<vmem>>, vector<256x1xf32>
    %get3A_2 = arith.constant 0 : index
    %get3A_3 = arith.constant 0 : index
    %get3A_4 = vector.load %arg1[%get3A_2, %get3A_3] : memref<256x128xf32, #tpu.memory_space<vmem>>, vector<256x128xf32>
    %get3A_5 = arith.constant 0 : index
    %get3A_6 = arith.constant 0 : index
    %get3A_7 = vector.load %arg2[%get3A_5, %get3A_6] : memref<256x128xf32, #tpu.memory_space<vmem>>, vector<256x128xf32>
    %add3A = arith.addf %get3A_4, %get3A_7 : vector<256x128xf32>
    %get3A_8 = arith.constant 0 : index
    %get3A_9 = arith.constant 0 : index
    %get3A_10 = vector.load %arg3[%get3A_8, %get3A_9] : memref<256x128xf32, #tpu.memory_space<vmem>>, vector<256x128xf32>
    %add3A_11 = arith.addf %add3A, %get3A_10 : vector<256x128xf32>
    %slice3A = vector.extract_strided_slice %add3A_11 {offsets = [0, 0], sizes = [256, 64], strides = [1, 1]} : vector<256x128xf32> to vector<256x64xf32>
    %mul3A = vector.broadcast %get3A_1 : vector<256x1xf32> to vector<256x64xf32>
    %mul3A_12 = arith.mulf %mul3A, %slice3A : vector<256x64xf32>
    %get3A_13 = arith.constant 0 : index
    %get3A_14 = arith.constant 0 : index
    %get3A_15 = vector.load %arg5[%get3A_13, %get3A_14] : memref<1x64xf32, #tpu.memory_space<vmem>>, vector<1x64xf32>
    %add3A_16 = vector.broadcast %get3A_15 : vector<1x64xf32> to vector<256x64xf32>
    %add3A_17 = arith.addf %mul3A_12, %add3A_16 : vector<256x64xf32>
    %get3A_18 = arith.constant 0 : index
    %get3A_19 = arith.constant 0 : index
    %get3A_20 = vector.load %arg6[%get3A_18, %get3A_19] : memref<256x64xf32, #tpu.memory_space<vmem>>, vector<256x64xf32>
    %concatenate3A = tpu.concatenate %add3A_17, %get3A_20 in 1 : vector<256x64xf32>, vector<256x64xf32> -> vector<256x128xf32>
    %max3A = arith.constant 0.000000e+00 : f32
    %max3A_21 = vector.broadcast %max3A : f32 to vector<256x128xf32>
    %max3A_22 = arith.maximumf %concatenate3A, %max3A_21 : vector<256x128xf32>
    %get3A_23 = arith.constant 0 : index
    %get3A_24 = arith.constant 0 : index
    %get3A_25 = vector.load %arg7[%get3A_23, %get3A_24] : memref<128x64xf32, #tpu.memory_space<vmem>>, vector<128x64xf32>
    %dot_general3A = arith.constant dense<0.000000e+00> : vector<256x64xf32>
    %dot_general3A_26 = tpu.matmul %max3A_22, %get3A_25, %dot_general3A {dimension_numbers = #tpu.dot_dimension_numbers<[1], [0], [0], [1], [0, 0, 1, 1], [], []>, transpose_lhs_hint = false} : vector<256x128xf32>, vector<128x64xf32>, vector<256x64xf32> -> vector<256x64xf32>
    %get3A_27 = arith.constant 0 : index
    %get3A_28 = arith.constant 0 : index
    %get3A_29 = vector.load %arg8[%get3A_27, %get3A_28] : memref<1x64xf32, #tpu.memory_space<vmem>>, vector<1x64xf32>
    %add3A_30 = vector.broadcast %get3A_29 : vector<1x64xf32> to vector<256x64xf32>
    %add3A_31 = arith.addf %dot_general3A_26, %add3A_30 : vector<256x64xf32>
    %max3A_32 = arith.constant 0.000000e+00 : f32
    %max3A_33 = vector.broadcast %max3A_32 : f32 to vector<256x64xf32>
    %max3A_34 = arith.maximumf %add3A_31, %max3A_33 : vector<256x64xf32>
    %swap3A = arith.constant 0 : index
    %swap3A_35 = arith.constant 0 : index
    %swap3A_36 = vector.load %arg9[%swap3A, %swap3A_35] : memref<256x64xf32, #tpu.memory_space<vmem>>, vector<256x64xf32>
    tpu.vector_store %arg9[%swap3A, %swap3A_35], %max3A_34 {strides = array<i32>} : memref<256x64xf32, #tpu.memory_space<vmem>>, vector<256x64xf32>,
    return
  }
  func.func @transform_0(%arg0: i32) -> (i32, i32) {
    %c0_i32 = arith.constant 0 : i32
    %c0_i32_0 = arith.constant 0 : i32
    return %arg0, %c0_i32 : i32, i32
  }
  func.func @transform_1(%arg0: i32) -> (i32, i32) {
    %c0_i32 = arith.constant 0 : i32
    %c0_i32_0 = arith.constant 0 : i32
    return %arg0, %c0_i32 : i32, i32
  }
  func.func @transform_2(%arg0: i32) -> (i32, i32) {
    %c0_i32 = arith.constant 0 : i32
    %c0_i32_0 = arith.constant 0 : i32
    return %arg0, %c0_i32 : i32, i32
  }
  func.func @transform_3(%arg0: i32) -> (i32, i32) {
    %c0_i32 = arith.constant 0 : i32
    %c0_i32_0 = arith.constant 0 : i32
    return %arg0, %c0_i32 : i32, i32
  }
  func.func @transform_4(%arg0: i32) -> (i32, i32) {
    %c0_i32 = arith.constant 0 : i32
    %c0_i32_0 = arith.constant 0 : i32
    %c0_i32_1 = arith.constant 0 : i32
    return %c0_i32, %c0_i32_0 : i32, i32
  }
  func.func @transform_5(%arg0: i32) -> (i32, i32) {
    %c0_i32 = arith.constant 0 : i32
    %c0_i32_0 = arith.constant 0 : i32
    return %arg0, %c0_i32 : i32, i32
  }
  func.func @transform_6(%arg0: i32) -> (i32, i32) {
    %c0_i32 = arith.constant 0 : i32
    %c0_i32_0 = arith.constant 0 : i32
    %c0_i32_1 = arith.constant 0 : i32
    return %c0_i32, %c0_i32_0 : i32, i32
  }
  func.func @transform_7(%arg0: i32) -> (i32, i32) {
    %c0_i32 = arith.constant 0 : i32
    %c0_i32_0 = arith.constant 0 : i32
    %c0_i32_1 = arith.constant 0 : i32
    return %c0_i32, %c0_i32_0 : i32, i32
  }
  func.func @transform_8(%arg0: i32) -> (i32, i32) {
    %c0_i32 = arith.constant 0 : i32
    %c0_i32_0 = arith.constant 0 : i32
    return %arg0, %c0_i32 : i32, i32
  }
}

module attributes {stable_mosaic.version = 14 : i64} {
  func.func @_tail_body(%arg0: memref<10240x64xf32, #tpu.memory_space<vmem>>, %arg1: memref<2048x256xf32, #tpu.memory_space<vmem>>, %arg2: memref<256x4xf32, #tpu.memory_space<vmem>>, %arg3: memref<1x4xf32, #tpu.memory_space<vmem>>, %arg4: memref<64x4xf32, #tpu.memory_space<vmem>>, %arg5: memref<1x4xf32, #tpu.memory_space<vmem>>, %arg6: memref<64x4xf32, #tpu.memory_space<vmem>>, %arg7: memref<1x4xf32, #tpu.memory_space<vmem>>, %arg8: memref<64x4xf32, #tpu.memory_space<vmem>>, %arg9: memref<1x4xf32, #tpu.memory_space<vmem>>, %arg10: memref<192x64xf32, #tpu.memory_space<vmem>>, %arg11: memref<1x64xf32, #tpu.memory_space<vmem>>, %arg12: memref<64x4xf32, #tpu.memory_space<vmem>>, %arg13: memref<1x4xf32, #tpu.memory_space<vmem>>, %arg14: memref<2048x4xf32, #tpu.memory_space<vmem>>, %arg15: memref<2048x64xf32, #tpu.memory_space<vmem>>, %arg16: memref<1x64xf32, #tpu.memory_space<vmem>>, %arg17: memref<1x64xf32, #tpu.memory_space<vmem>>, %arg18: memref<1x4xf32, #tpu.memory_space<vmem>>, %arg19: memref<1x4xf32, #tpu.memory_space<vmem>>, %arg20: memref<1x4xf32, #tpu.memory_space<vmem>>, %arg21: memref<1x64xf32, #tpu.memory_space<vmem>>, %arg22: memref<1x4xf32, #tpu.memory_space<vmem>>) attributes {dimension_semantics = [], scalar_prefetch = 0 : i64, scratch_operands = 0 : i64, tpu.core_type = #tpu.core_type<tc>} {
    %get3A = arith.constant 0 : index
    %get3A_0 = arith.constant 0 : index
    %get3A_1 = vector.load %arg0[%get3A, %get3A_0] : memref<10240x64xf32, #tpu.memory_space<vmem>>, vector<10240x64xf32>
    %slice3A = vector.extract_strided_slice %get3A_1 {offsets = [0, 0], sizes = [1, 64], strides = [1, 1]} : vector<10240x64xf32> to vector<1x64xf32>
    %iota3A = tpu.iota {dimensions = array<i32: 0>} : vector<10240x1xi32>
    %ge3A = arith.constant 1 : i32
    %ge3A_2 = vector.broadcast %ge3A : i32 to vector<10240x1xi32>
    %ge3A_3 = arith.cmpi sge, %iota3A, %ge3A_2 : vector<10240x1xi32>
    %le3A = arith.constant 1999 : i32
    %le3A_4 = vector.broadcast %le3A : i32 to vector<10240x1xi32>
    %le3A_5 = arith.cmpi sle, %iota3A, %le3A_4 : vector<10240x1xi32>
    %and3A = arith.andi %ge3A_3, %le3A_5 : vector<10240x1xi1>
    %jit3A = arith.constant 5.00250142E-4 : f32
    %jit3A_6 = arith.constant 0.000000e+00 : f32
    %broadcast_in_dim3A = vector.broadcast %jit3A : f32 to vector<10240x1xf32>
    %broadcast_in_dim3A_7 = vector.broadcast %jit3A_6 : f32 to vector<10240x1xf32>
    %select_n3A = arith.select %and3A, %broadcast_in_dim3A, %broadcast_in_dim3A_7 : vector<10240x1xi1>, vector<10240x1xf32>
    %mul3A = vector.broadcast %select_n3A : vector<10240x1xf32> to vector<10240x64xf32>
    %mul3A_8 = arith.mulf %mul3A, %get3A_1 : vector<10240x64xf32>
    %reduce_sum3A = arith.constant dense<0.000000e+00> : vector<64xf32>
    %reduce_sum3A_9 = vector.multi_reduction <add>, %mul3A_8, %reduce_sum3A [0] : vector<10240x64xf32> to vector<64xf32>
    %broadcast_in_dim3A_10 = vector.shape_cast %reduce_sum3A_9 : vector<64xf32> to vector<1x64xf32>
    %get3A_11 = arith.constant 0 : index
    %get3A_12 = arith.constant 0 : index
    %get3A_13 = vector.load %arg1[%get3A_11, %get3A_12] : memref<2048x256xf32, #tpu.memory_space<vmem>>, vector<2048x256xf32>
    %get3A_14 = arith.constant 0 : index
    %get3A_15 = arith.constant 0 : index
    %get3A_16 = vector.load %arg2[%get3A_14, %get3A_15] : memref<256x4xf32, #tpu.memory_space<vmem>>, vector<256x4xf32>
    %dot_general3A = arith.constant dense<0.000000e+00> : vector<2048x4xf32>
    %dot_general3A_17 = tpu.matmul %get3A_13, %get3A_16, %dot_general3A {dimension_numbers = #tpu.dot_dimension_numbers<[1], [0], [0], [1], [0, 0, 1, 1], [], []>, transpose_lhs_hint = false} : vector<2048x256xf32>, vector<256x4xf32>, vector<2048x4xf32> -> vector<2048x4xf32>
    %get3A_18 = arith.constant 0 : index
    %get3A_19 = arith.constant 0 : index
    %get3A_20 = vector.load %arg3[%get3A_18, %get3A_19] : memref<1x4xf32, #tpu.memory_space<vmem>>, vector<1x4xf32>
    %add3A = vector.broadcast %get3A_20 : vector<1x4xf32> to vector<2048x4xf32>
    %add3A_21 = arith.addf %dot_general3A_17, %add3A : vector<2048x4xf32>
    %iota3A_22 = tpu.iota {dimensions = array<i32: 0>} : vector<2048x1xi32>
    %lt3A = arith.constant 1999 : i32
    %lt3A_23 = vector.broadcast %lt3A : i32 to vector<2048x1xi32>
    %lt3A_24 = arith.cmpi slt, %iota3A_22, %lt3A_23 : vector<2048x1xi32>
    %jit3A_25 = arith.constant -3.000000e+38 : f32
    %broadcast_in_dim3A_26 = vector.shape_cast %lt3A_24 : vector<2048x1xi1> to vector<2048x1xi1>
    %broadcast_in_dim3A_27 = vector.broadcast %broadcast_in_dim3A_26 : vector<2048x1xi1> to vector<2048x4xi1>
    %broadcast_in_dim3A_28 = vector.broadcast %jit3A_25 : f32 to vector<2048x4xf32>
    %select_n3A_29 = arith.select %broadcast_in_dim3A_27, %add3A_21, %broadcast_in_dim3A_28 : vector<2048x4xi1>, vector<2048x4xf32>
    %reduce_max3A = vector.shape_cast %select_n3A_29 : vector<2048x4xf32> to vector<1x2048x4xf32>
    %reduce_max3A_30 = arith.constant dense<0xFF800000> : vector<1xf32>
    %reduce_max3A_31 = vector.multi_reduction <maximumf>, %reduce_max3A, %reduce_max3A_30 [1, 2] : vector<1x2048x4xf32> to vector<1xf32>
    %reduce_max3A_32 = vector.shape_cast %reduce_max3A_31 : vector<1xf32> to vector<1x1x1xf32>
    %reduce_max3A_33 = vector.extract %reduce_max3A_32[0, 0, 0] : f32 from vector<1x1x1xf32>
    %div3A = vector.broadcast %reduce_max3A_33 : f32 to vector<2048x4xf32>
    %div3A_34 = arith.divf %add3A_21, %div3A : vector<2048x4xf32>
    %abs3A = math.absf %div3A_34 : vector<2048x4xf32>
    %reduce_sum3A_35 = arith.constant dense<0.000000e+00> : vector<2048xf32>
    %reduce_sum3A_36 = vector.multi_reduction <add>, %abs3A, %reduce_sum3A_35 [1] : vector<2048x4xf32> to vector<2048xf32>
    %broadcast_in_dim3A_37 = vector.shape_cast %reduce_sum3A_36 : vector<2048xf32> to vector<2048x1xf32>
    %div3A_38 = vector.broadcast %broadcast_in_dim3A_37 : vector<2048x1xf32> to vector<2048x4xf32>
    %div3A_39 = arith.divf %div3A_34, %div3A_38 : vector<2048x4xf32>
    %jit3A_40 = arith.constant 0.000000e+00 : f32
    %broadcast_in_dim3A_41 = vector.shape_cast %lt3A_24 : vector<2048x1xi1> to vector<2048x1xi1>
    %broadcast_in_dim3A_42 = vector.broadcast %broadcast_in_dim3A_41 : vector<2048x1xi1> to vector<2048x4xi1>
    %broadcast_in_dim3A_43 = vector.broadcast %jit3A_40 : f32 to vector<2048x4xf32>
    %select_n3A_44 = arith.select %broadcast_in_dim3A_42, %div3A_39, %broadcast_in_dim3A_43 : vector<2048x4xi1>, vector<2048x4xf32>
    %slice3A_45 = vector.extract_strided_slice %select_n3A_44 {offsets = [0, 0], sizes = [2048, 1], strides = [1, 1]} : vector<2048x4xf32> to vector<2048x1xf32>
    %slice3A_46 = vector.extract_strided_slice %get3A_13 {offsets = [0, 0], sizes = [2048, 64], strides = [1, 1]} : vector<2048x256xf32> to vector<2048x64xf32>
    %mul3A_47 = vector.broadcast %slice3A_45 : vector<2048x1xf32> to vector<2048x64xf32>
    %mul3A_48 = arith.mulf %mul3A_47, %slice3A_46 : vector<2048x64xf32>
    %slice3A_49 = vector.extract_strided_slice %select_n3A_44 {offsets = [0, 1], sizes = [2048, 1], strides = [1, 1]} : vector<2048x4xf32> to vector<2048x1xf32>
    %slice3A_50 = vector.extract_strided_slice %get3A_13 {offsets = [0, 64], sizes = [2048, 64], strides = [1, 1]} : vector<2048x256xf32> to vector<2048x64xf32>
    %mul3A_51 = vector.broadcast %slice3A_49 : vector<2048x1xf32> to vector<2048x64xf32>
    %mul3A_52 = arith.mulf %mul3A_51, %slice3A_50 : vector<2048x64xf32>
    %add3A_53 = arith.addf %mul3A_48, %mul3A_52 : vector<2048x64xf32>
    %slice3A_54 = vector.extract_strided_slice %select_n3A_44 {offsets = [0, 2], sizes = [2048, 1], strides = [1, 1]} : vector<2048x4xf32> to vector<2048x1xf32>
    %slice3A_55 = vector.extract_strided_slice %get3A_13 {offsets = [0, 128], sizes = [2048, 64], strides = [1, 1]} : vector<2048x256xf32> to vector<2048x64xf32>
    %mul3A_56 = vector.broadcast %slice3A_54 : vector<2048x1xf32> to vector<2048x64xf32>
    %mul3A_57 = arith.mulf %mul3A_56, %slice3A_55 : vector<2048x64xf32>
    %add3A_58 = arith.addf %add3A_53, %mul3A_57 : vector<2048x64xf32>
    %slice3A_59 = vector.extract_strided_slice %select_n3A_44 {offsets = [0, 3], sizes = [2048, 1], strides = [1, 1]} : vector<2048x4xf32> to vector<2048x1xf32>
    %slice3A_60 = vector.extract_strided_slice %get3A_13 {offsets = [0, 192], sizes = [2048, 64], strides = [1, 1]} : vector<2048x256xf32> to vector<2048x64xf32>
    %mul3A_61 = vector.broadcast %slice3A_59 : vector<2048x1xf32> to vector<2048x64xf32>
    %mul3A_62 = arith.mulf %mul3A_61, %slice3A_60 : vector<2048x64xf32>
    %add3A_63 = arith.addf %add3A_58, %mul3A_62 : vector<2048x64xf32>
    %reduce_sum3A_64 = arith.constant dense<0.000000e+00> : vector<64xf32>
    %reduce_sum3A_65 = vector.multi_reduction <add>, %add3A_63, %reduce_sum3A_64 [0] : vector<2048x64xf32> to vector<64xf32>
    %broadcast_in_dim3A_66 = vector.shape_cast %reduce_sum3A_65 : vector<64xf32> to vector<1x64xf32>
    %mul3A_67 = arith.constant 5.00250142E-4 : f32
    %mul3A_68 = vector.broadcast %mul3A_67 : f32 to vector<1x64xf32>
    %mul3A_69 = arith.mulf %broadcast_in_dim3A_66, %mul3A_68 : vector<1x64xf32>
    %get3A_70 = arith.constant 0 : index
    %get3A_71 = arith.constant 0 : index
    %get3A_72 = vector.load %arg4[%get3A_70, %get3A_71] : memref<64x4xf32, #tpu.memory_space<vmem>>, vector<64x4xf32>
    %dot_general3A_73 = arith.constant dense<0.000000e+00> : vector<1x4xf32>
    %dot_general3A_74 = tpu.matmul %slice3A, %get3A_72, %dot_general3A_73 {dimension_numbers = #tpu.dot_dimension_numbers<[1], [0], [0], [1], [0, 0, 1, 1], [], []>, transpose_lhs_hint = false} : vector<1x64xf32>, vector<64x4xf32>, vector<1x4xf32> -> vector<1x4xf32>
    %get3A_75 = arith.constant 0 : index
    %get3A_76 = arith.constant 0 : index
    %get3A_77 = vector.load %arg5[%get3A_75, %get3A_76] : memref<1x4xf32, #tpu.memory_space<vmem>>, vector<1x4xf32>
    %add3A_78 = arith.addf %dot_general3A_74, %get3A_77 : vector<1x4xf32>
    %get3A_79 = arith.constant 0 : index
    %get3A_80 = arith.constant 0 : index
    %get3A_81 = vector.load %arg6[%get3A_79, %get3A_80] : memref<64x4xf32, #tpu.memory_space<vmem>>, vector<64x4xf32>
    %dot_general3A_82 = arith.constant dense<0.000000e+00> : vector<1x4xf32>
    %dot_general3A_83 = tpu.matmul %broadcast_in_dim3A_10, %get3A_81, %dot_general3A_82 {dimension_numbers = #tpu.dot_dimension_numbers<[1], [0], [0], [1], [0, 0, 1, 1], [], []>, transpose_lhs_hint = false} : vector<1x64xf32>, vector<64x4xf32>, vector<1x4xf32> -> vector<1x4xf32>
    %get3A_84 = arith.constant 0 : index
    %get3A_85 = arith.constant 0 : index
    %get3A_86 = vector.load %arg7[%get3A_84, %get3A_85] : memref<1x4xf32, #tpu.memory_space<vmem>>, vector<1x4xf32>
    %add3A_87 = arith.addf %dot_general3A_83, %get3A_86 : vector<1x4xf32>
    %get3A_88 = arith.constant 0 : index
    %get3A_89 = arith.constant 0 : index
    %get3A_90 = vector.load %arg8[%get3A_88, %get3A_89] : memref<64x4xf32, #tpu.memory_space<vmem>>, vector<64x4xf32>
    %dot_general3A_91 = arith.constant dense<0.000000e+00> : vector<1x4xf32>
    %dot_general3A_92 = tpu.matmul %mul3A_69, %get3A_90, %dot_general3A_91 {dimension_numbers = #tpu.dot_dimension_numbers<[1], [0], [0], [1], [0, 0, 1, 1], [], []>, transpose_lhs_hint = false} : vector<1x64xf32>, vector<64x4xf32>, vector<1x4xf32> -> vector<1x4xf32>
    %get3A_93 = arith.constant 0 : index
    %get3A_94 = arith.constant 0 : index
    %get3A_95 = vector.load %arg9[%get3A_93, %get3A_94] : memref<1x4xf32, #tpu.memory_space<vmem>>, vector<1x4xf32>
    %add3A_96 = arith.addf %dot_general3A_92, %get3A_95 : vector<1x4xf32>
    %concatenate3A = tpu.concatenate %slice3A, %broadcast_in_dim3A_10, %mul3A_69 in 1 : vector<1x64xf32>, vector<1x64xf32>, vector<1x64xf32> -> vector<1x192xf32>
    %get3A_97 = arith.constant 0 : index
    %get3A_98 = arith.constant 0 : index
    %get3A_99 = vector.load %arg10[%get3A_97, %get3A_98] : memref<192x64xf32, #tpu.memory_space<vmem>>, vector<192x64xf32>
    %dot_general3A_100 = arith.constant dense<0.000000e+00> : vector<1x64xf32>
    %dot_general3A_101 = tpu.matmul %concatenate3A, %get3A_99, %dot_general3A_100 {dimension_numbers = #tpu.dot_dimension_numbers<[1], [0], [0], [1], [0, 0, 1, 1], [], []>, transpose_lhs_hint = false} : vector<1x192xf32>, vector<192x64xf32>, vector<1x64xf32> -> vector<1x64xf32>
    %get3A_102 = arith.constant 0 : index
    %get3A_103 = arith.constant 0 : index
    %get3A_104 = vector.load %arg11[%get3A_102, %get3A_103] : memref<1x64xf32, #tpu.memory_space<vmem>>, vector<1x64xf32>
    %add3A_105 = arith.addf %dot_general3A_101, %get3A_104 : vector<1x64xf32>
    %max3A = arith.constant 0.000000e+00 : f32
    %max3A_106 = vector.broadcast %max3A : f32 to vector<1x64xf32>
    %max3A_107 = arith.maximumf %add3A_105, %max3A_106 : vector<1x64xf32>
    %get3A_108 = arith.constant 0 : index
    %get3A_109 = arith.constant 0 : index
    %get3A_110 = vector.load %arg12[%get3A_108, %get3A_109] : memref<64x4xf32, #tpu.memory_space<vmem>>, vector<64x4xf32>
    %dot_general3A_111 = arith.constant dense<0.000000e+00> : vector<1x4xf32>
    %dot_general3A_112 = tpu.matmul %max3A_107, %get3A_110, %dot_general3A_111 {dimension_numbers = #tpu.dot_dimension_numbers<[1], [0], [0], [1], [0, 0, 1, 1], [], []>, transpose_lhs_hint = false} : vector<1x64xf32>, vector<64x4xf32>, vector<1x4xf32> -> vector<1x4xf32>
    %get3A_113 = arith.constant 0 : index
    %get3A_114 = arith.constant 0 : index
    %get3A_115 = vector.load %arg13[%get3A_113, %get3A_114] : memref<1x4xf32, #tpu.memory_space<vmem>>, vector<1x4xf32>
    %add3A_116 = arith.addf %dot_general3A_112, %get3A_115 : vector<1x4xf32>
    %swap3A = arith.constant 0 : index
    %swap3A_117 = arith.constant 0 : index
    %swap3A_118 = vector.load %arg14[%swap3A, %swap3A_117] : memref<2048x4xf32, #tpu.memory_space<vmem>>, vector<2048x4xf32>
    tpu.vector_store %arg14[%swap3A, %swap3A_117], %select_n3A_44 {strides = array<i32>} : memref<2048x4xf32, #tpu.memory_space<vmem>>, vector<2048x4xf32>,
    %swap3A_119 = arith.constant 0 : index
    %swap3A_120 = arith.constant 0 : index
    %swap3A_121 = vector.load %arg15[%swap3A_119, %swap3A_120] : memref<2048x64xf32, #tpu.memory_space<vmem>>, vector<2048x64xf32>
    tpu.vector_store %arg15[%swap3A_119, %swap3A_120], %add3A_63 {strides = array<i32>} : memref<2048x64xf32, #tpu.memory_space<vmem>>, vector<2048x64xf32>,
    %swap3A_122 = arith.constant 0 : index
    %swap3A_123 = arith.constant 0 : index
    %swap3A_124 = vector.load %arg16[%swap3A_122, %swap3A_123] : memref<1x64xf32, #tpu.memory_space<vmem>>, vector<1x64xf32>
    tpu.vector_store %arg16[%swap3A_122, %swap3A_123], %broadcast_in_dim3A_10 {strides = array<i32>} : memref<1x64xf32, #tpu.memory_space<vmem>>, vector<1x64xf32>,
    %swap3A_125 = arith.constant 0 : index
    %swap3A_126 = arith.constant 0 : index
    %swap3A_127 = vector.load %arg17[%swap3A_125, %swap3A_126] : memref<1x64xf32, #tpu.memory_space<vmem>>, vector<1x64xf32>
    tpu.vector_store %arg17[%swap3A_125, %swap3A_126], %mul3A_69 {strides = array<i32>} : memref<1x64xf32, #tpu.memory_space<vmem>>, vector<1x64xf32>,
    %swap3A_128 = arith.constant 0 : index
    %swap3A_129 = arith.constant 0 : index
    %swap3A_130 = vector.load %arg18[%swap3A_128, %swap3A_129] : memref<1x4xf32, #tpu.memory_space<vmem>>, vector<1x4xf32>
    tpu.vector_store %arg18[%swap3A_128, %swap3A_129], %add3A_78 {strides = array<i32>} : memref<1x4xf32, #tpu.memory_space<vmem>>, vector<1x4xf32>,
    %swap3A_131 = arith.constant 0 : index
    %swap3A_132 = arith.constant 0 : index
    %swap3A_133 = vector.load %arg19[%swap3A_131, %swap3A_132] : memref<1x4xf32, #tpu.memory_space<vmem>>, vector<1x4xf32>
    tpu.vector_store %arg19[%swap3A_131, %swap3A_132], %add3A_87 {strides = array<i32>} : memref<1x4xf32, #tpu.memory_space<vmem>>, vector<1x4xf32>,
    %swap3A_134 = arith.constant 0 : index
    %swap3A_135 = arith.constant 0 : index
    %swap3A_136 = vector.load %arg20[%swap3A_134, %swap3A_135] : memref<1x4xf32, #tpu.memory_space<vmem>>, vector<1x4xf32>
    tpu.vector_store %arg20[%swap3A_134, %swap3A_135], %add3A_96 {strides = array<i32>} : memref<1x4xf32, #tpu.memory_space<vmem>>, vector<1x4xf32>,
    %swap3A_137 = arith.constant 0 : index
    %swap3A_138 = arith.constant 0 : index
    %swap3A_139 = vector.load %arg21[%swap3A_137, %swap3A_138] : memref<1x64xf32, #tpu.memory_space<vmem>>, vector<1x64xf32>
    tpu.vector_store %arg21[%swap3A_137, %swap3A_138], %add3A_105 {strides = array<i32>} : memref<1x64xf32, #tpu.memory_space<vmem>>, vector<1x64xf32>,
    %swap3A_140 = arith.constant 0 : index
    %swap3A_141 = arith.constant 0 : index
    %swap3A_142 = vector.load %arg22[%swap3A_140, %swap3A_141] : memref<1x4xf32, #tpu.memory_space<vmem>>, vector<1x4xf32>
    tpu.vector_store %arg22[%swap3A_140, %swap3A_141], %add3A_116 {strides = array<i32>} : memref<1x4xf32, #tpu.memory_space<vmem>>, vector<1x4xf32>,
    return
  }
}

</mosaic_0001>

<sc_bundles>
// kernel: kernel.11.cloned.1.call-start
scs
__scs_entry_jumppad:
0x0: {  	(pc) =	sbr.rel $0x88, $3  }
0x1: {  	(tag) =	ssettag $0x0;
	lr =	simm.s32 $0x1  }
0x2: {  	[smem:$0x3F7E] =	sst lr;
	_ =	strace $0xD0000000  }
0x3: {  	_ = 	snop  }
0x4: {  	_ = 	snop  }
0x5: {  	_ = 	snop  }
0x6: {  	_ = 	snop  }
0x7: {  	_ = 	snop  }
__scs_overlays_trampoline_lowered:
0x8: {  	[smem:$0x3F8D] =	sst s0  }
0x9: {  	[smem:$0x3F8E] =	sst s1  }
0xa: {  	[smem:$0x3F8F] =	sst s2  }
0xb: {  	[smem:$0x3F90] =	sst s3  }
0xc: {  	[smem:$0x3F91] =	sst s4  }
0xd: {  	[smem:$0x3F92] =	sst s5  }
0xe: {  	[smem:$0x3F93] =	sst s6  }
0xf: {  	[smem:$0x3F94] =	sst s7  }
0x10: {  	[smem:$0x3F95] =	sst s8  }
0x11: {  	[smem:$0x3F96] =	sst s9;
	s0 =	simm.s32 @!p0 $0x0  }
0x12: {  	s1 =	sld [smem:$0x3F7C];
	s0 =	simm.s32 @p0 $0x1  }
0x13: {  	[smem:$0x3F97] =	sst s0;
	s0 =	simm.s32 @!p1 $0x0  }
0x14: {  	s2 =	sld [smem:$0x3F7B];
	s0 =	simm.s32 @p1 $0x1  }
0x15: {  	[smem:$0x3F98] =	sst s0;
	s0 =	simm.s32 @!p2 $0x0  }
0x16: {  	s3 =	sld [smem:$0x3FDB];
	s0 =	simm.s32 @p2 $0x1  }
0x17: {  	s4 =	simm.s32 $0x1BF5;
	[smem:$0x3F9A] =	sst s0  }
0x18: {  	s0 =	sld [smem:$0x3F7D];
	_ =	swait.ge [sflag:s4], $0x0  }
0x19: {  	s7 =	sld [smem:$0x3F7E]  }
0x1a: {  	s8 =	sadd.s32 $0xFFFFE003, lr  }
0x1b: {  	s9 =	sadd.s32 $0xFFFFFEF7, lr;
	s5 =	simm.s32 $0xFFFFFFFF;
	p2 =	slt.u32 s8, $0xFFFFF086  }
0x1c: {  	p1 =	slt.u32 s9, $0xF7A;
	s5 =	simm.s32 @!p2 $0x0  }
0x1d: {  	s5 =	simm.s32 @p1 $0x1;
	p0 =	seq.s32 s7, s2  }
0x1e: {  	s7 =	smul.u32 @!p0 $0xF7A, s2;
	p2 =	seq.s32 @!p0 s5, $0x0  }
0x1f: {  	s9 =	smul.u32 $0xF7A, s1;
	s8 =	simm.s32 @!p0 $0x1BF5;
	p2 =	por !p2, p0  }
0x20: {  	[sflag:s8] =	ssyncset.s32 @!p0 $0xFFFFF086;
	s6 =	sadd.s32 @!p0 s3, s7;
	s7 =	simm.s32 @!p0 $0x108  }
0x21: {  	s3 =	sadd.s32 s3, s9;
	s6 =	sadd.s32 @!p0 $0x88, s6;
	s7 =	simm.s32 @p2 $0x1082  }
0x22: {  	[simem:s7], [sflag:s8] =	dma.local @!p0 [hbm:s6], $0xF7A  }
0x23: {  	s9 =	sor.u32 $0xD0000000, s2;
	s6 =	simm.s32 $0x108;
	_ =	swait.ge @!p0 [sflag:s8], $0x0  }
0x24: {  	s3 =	sadd.s32 $0x88, s3;
	s6 =	simm.s32 @!p1 $0x1082;
	[sflag:s4] =	ssyncset.s32 $0xFFFFF086  }
0x25: {  	[simem:s6], [sflag:s4] =	dma.local [hbm:s3], $0xF7A  }
0x26: {  	[smem:$0x3F7E] =	sst s1;
	(tag) =	ssettag s2;
	_ =	strace s9  }
0x27: {  	s1 =	sld [smem:$0x3F8E]  }
0x28: {  	s2 =	sld [smem:$0x3F8F]  }
0x29: {  	s4 =	sld [smem:$0x3F91]  }
0x2a: {  	p0 =	seq.s32 s5, $0x0;
	s5 =	sld [smem:$0x3F92]  }
0x2b: {  	s6 =	sld [smem:$0x3F93]  }
0x2c: {  	s7 =	sld [smem:$0x3F94]  }
0x2d: {  	s3 =	simm.s32 $0x108;
	s8 =	sld [smem:$0x3F95]  }
0x2e: {  	s3 =	simm.s32 @!p0 $0x1082;
	s9 =	sld [smem:$0x3F96]  }
0x2f: {  	lr =	sadd.s32 s0, s3;
	s0 =	sld [smem:$0x3F8D]  }
0x30: {  	s3 =	sld [smem:$0x3F90]  }
0x31: {  	[smem:$0x3F99] =	sst s10  }
0x32: {  	s10 =	sld [smem:$0x3F97];
	_ =	sdelay $0x3  }
0x33: {  	p0 =	seq.s32 s10, $0x1;
	s10 =	sld [smem:$0x3F99];
	_ =	sdelay $0x3  }
0x34: {  	[smem:$0x3F99] =	sst s10  }
0x35: {  	s10 =	sld [smem:$0x3F98];
	_ =	sdelay $0x3  }
0x36: {  	p1 =	seq.s32 s10, $0x1;
	s10 =	sld [smem:$0x3F99];
	_ =	sdelay $0x3  }
0x37: {  	[smem:$0x3F99] =	sst s10  }
0x38: {  	s10 =	sld [smem:$0x3F9A]  }
0x39: {  	_ = 	snop;
	(pc) =	sbr.ind lr, $3  }
0x3a: {  	_ = 	snop  }
0x3b: {  	_ = 	snop  }
0x3c: {  	p2 =	seq.s32 s10, $0x1;
	s10 =	sld [smem:$0x3F99]  }
0x3d: {  	_ =	shalt  }
0x3e: {  	_ =	shalt  }
0x3f: {  	_ =	shalt  }
0x40: {  	_ =	shalt  }
0x41: {  	_ =	shalt  }
0x42: {  	_ =	shalt  }
0x43: {  	_ =	shalt  }
0x44: {  	_ =	shalt  }
0x45: {  	_ =	shalt  }
0x46: {  	_ =	shalt  }
0x47: {  	_ =	shalt  }
0x48: {  	_ =	shalt  }
0x49: {  	_ =	shalt  }
0x4a: {  	_ =	shalt  }
0x4b: {  	_ =	shalt  }
0x4c: {  	_ =	shalt  }
0x4d: {  	_ =	shalt  }
0x4e: {  	_ =	shalt  }
0x4f: {  	_ =	shalt  }
0x50: {  	_ =	shalt  }
0x51: {  	_ =	shalt  }
0x52: {  	_ =	shalt  }
0x53: {  	_ =	shalt  }
0x54: {  	_ =	shalt  }
0x55: {  	_ =	shalt  }
0x56: {  	_ =	shalt  }
0x57: {  	_ =	shalt  }
0x58: {  	_ =	shalt  }
0x59: {  	_ =	shalt  }
0x5a: {  	_ =	shalt  }
0x5b: {  	_ =	shalt  }
0x5c: {  	_ =	shalt  }
0x5d: {  	_ =	shalt  }
0x5e: {  	_ =	shalt  }
0x5f: {  	_ =	shalt  }
0x60: {  	_ =	shalt  }
0x61: {  	_ =	shalt  }
0x62: {  	_ =	shalt  }
0x63: {  	_ =	shalt  }
0x64: {  	_ =	shalt  }
0x65: {  	_ =	shalt  }
0x66: {  	_ =	shalt  }
0x67: {  	_ =	shalt  }
0x68: {  	_ =	shalt  }
0x69: {  	_ =	shalt  }
0x6a: {  	_ =	shalt  }
0x6b: {  	_ =	shalt  }
0x6c: {  	_ =	shalt  }
0x6d: {  	_ =	shalt  }
0x6e: {  	_ =	shalt  }
0x6f: {  	_ =	shalt  }
0x70: {  	_ =	shalt  }
0x71: {  	_ =	shalt  }
0x72: {  	_ =	shalt  }
0x73: {  	_ =	shalt  }
0x74: {  	_ =	shalt  }
0x75: {  	_ =	shalt  }
0x76: {  	_ =	shalt  }
0x77: {  	_ =	shalt  }
0x78: {  	_ =	shalt  }
0x79: {  	_ =	shalt  }
0x7a: {  	_ =	shalt  }
0x7b: {  	_ =	shalt  }
0x7c: {  	_ =	shalt  }
0x7d: {  	_ =	shalt  }
0x7e: {  	_ =	shalt  }
0x7f: {  	_ =	shalt  }
0x80: {  	_ =	shalt  }
0x81: {  	_ =	shalt  }
0x82: {  	_ =	shalt  }
0x83: {  	_ =	shalt  }
0x84: {  	_ =	shalt  }
0x85: {  	_ =	shalt  }
0x86: {  	_ =	shalt  }
0x87: {  	_ =	shalt  }
.Lfunc_end0:
.L_simem_size_0:
called_computation_lowered:
.L_overlay_start_0:
0x88: {  	s2 =	sld [smem:$0x3FD9]  }
0x89: {  	s3 =	sld [smem:$0x3FFE];
	_ =	sdelay $0x1  }
0x8a: {  	s1 =	srdreg.scid  }
0x8b: {  	s0 =	sand.u32 $0x1, s1  }
0x8c: {  	s16 =	sshll.u32 s0, $0xA;
	s2 =	sadd.s32 s3, s2  }
0x8d: {  	s2 =	sadd.s32 s2, s16  }
0x8e: {  	[smem:$0x3FA5] =	sst s2  }
0x8f: {  	_ = 	snop  }
0x90: {  	(tm) =	ssettm $0x1  }
0x91: {  	s17 =	sld [smem:$0x3FFB];
	_ =	sdelay $0x3  }
0x92: {  	_ =	strace s17  }
0x93: {  	s2 =	sld [smem:$0x3FFC];
	_ =	sdelay $0x3  }
0x94: {  	_ =	strace s2  }
0x95: {  	s2 =	sld [smem:$0x3FFD];
	_ =	sdelay $0x3  }
0x96: {  	_ =	strace s2  }
0x97: {  	_ =	strace $0x8FFFFFFF  }
0x98: {  	s18 =	sld [smem:$0x3FDB];
	_ =	sdelay $0x1  }
0x99: {  	s19 =	simm.s32 $_scs_section_size  }
0x9a: {  	s4 =	simm.s32 $_size__tile_overlayer_lowered;
	s5 =	simm.s32 $_tile_overlayer_lowered  }
0x9b: {  	s22 =	simm.s32 $0x1BFF;
	s21 =	sshll.u32 s5, $0x1;
	s2 =	sadd.s32 s19, s18  }
0x9c: {  	s6 =	simm.s32 $0x0;
	s20 =	sshll.u32 s4, $0x1;
	s4 =	sadd.s32 s21, s2  }
0x9d: {  	[timem:s6], [sflag:s22] =	dma.local [hbm:s4], s20  }
0x9e: {  	_ =	swait.ge [sflag:s22], s20  }
0x9f: {  	s3 =	ssub.s32 $0x0, s20;
	[sflag:s22] =	ssyncset.done $0x0  }
0xa0: {  	[sflag:s22] =	ssyncadd.s32 s3;
	_ =	sdelay $0x1  }
0xa1: {  	s23 =	simm.s32 $0x1B8B  }
0xa2: {  	_ =	swait.ge [sflag:s23], $0x1  }
0xa3: {  	[sflag:s23] =	ssyncset.done $0x0  }
0xa4: {  	s25 =	simm.s32 $0x1B8E;
	s24 =	sld [smem:$0x3FFE];
	[sflag:s23] =	ssyncadd.s32 $0xFFFFFFFF  }
0xa5: {  	s26 =	simm.s32 $execute0_lowered;
	[smem:$0x3FD2] =	sst s25  }
0xa6: {  	s4 =	sshll.u32 s26, $0x1;
	_ =	strace $0x80000046;
	[dreg:$0x1] =	wrdreg $0xFFFFFFFF  }
0xa7: {  	s28 =	simm.s32 $_size_execute0_lowered;
	s2 =	sadd.s32 s2, s4;
	[dreg:$0x0] =	wrdreg $0x0  }
0xa8: {  	s4 =	sshll.u32 s28, $0x1;
	[dreg:$0x2] =	wrdreg s2  }
0xa9: {  	[dreg:$0x3] =	wrdreg s4  }
0xaa: {  	[dreg:$0x4] =	wrdreg $0xC0  }
0xab: {  	_ =	task [dreg:s6], $0x5FFFF  }
0xac: {  	[dreg:$0x1] =	wrdreg $0xFFFFFFFF  }
0xad: {  	[dreg:$0x0] =	wrdreg $0x60  }
0xae: {  	[dreg:$0x2] =	wrdreg s24  }
0xaf: {  	[dreg:$0x3] =	wrdreg $0x64000  }
0xb0: {  	[dreg:$0x4] =	wrdreg $0x9  }
0xb1: {  	_ =	task.clear_ibuf [dreg:s6], $0x5FFFF;
	_ =	strace $0x90000046  }
0xb2: {  	s29 =	simm.s32 $0x9;
	_ =	strace $0x80000048  }
0xb3: {  	_ =	swait.ge [sflag:s29], $0x1  }
0xb4: {  	[sflag:s29] =	ssyncadd.s32 $0xFFFFFFFF  }
0xb5: {  	_ =	strace $0x90000048  }
0xb6: {  	_ =	sfence  }
0xb7: {  	s30 =	sld [smem:$0x0];
	_ =	sdelay $0x2  }
0xb8: {  	s31 =	sshll.u32 s1, $0xD;
	s1 =	sshrl.u32 s1, $0x2  }
0xb9: {  	s3 =	sand.u32 $0x4000, s31;
	s1 =	sadd.s32 s1, s30  }
0xba: {  	s0 =	sor.u32 s3, s0;
	s1 =	sshll.u32 s1, $0x11  }
0xbb: {  	s0 =	sor.u32 s1, s0  }
0xbc: {  	s0 =	sadd.s32 $0x8F2B, s0  }
0xbd: {  	[sflag:s0] =	ssyncadd.remote.s32 $0x1  }
0xbe: {  	_ =	sfence.sel $0xFFFF  }
0xbf: {  	[dreg:$0x0] =	wrdreg $0xFFFFFFFF;
	(pc) =	sbr.abs _section_cstart, $3  }
0xc0: {  	[dreg:$0x1] =	wrdreg $0xFFFFFFFF  }
0xc1: {  	_ =	task.clear_ibuf [dreg:s6], $0x2FFFF;
	_ =	strace $0x9FFFFFFF  }
0xc2: {  	(tm) =	ssettm $0x7FFFFFFF  }
0xc3: {  	_ =	shalt  }
tec
execute0_lowered:
.L_overlay_start_1:
0x0: {  	(tag) =	ssettag $0x1  }
0x1: {  	s0 =	srdreg.scid;
	s1 =	rddreg [dreg:$0x0]  }
0x2: {  	s8 =	stileid.u32;
	s2 =	rddreg [dreg:$0x1];
	s29 =	simm.s32 $0x5400  }
0x3: {  	s30 =	simm.s32 $0x1;
	s31 =	simm.s32 $0x80;
	s7 =	smul.u32 $0x50000, s8  }
0x4: {  	s0 =	sand.u32 $0x1, s0;
	s3 =	sshll.u32 s8, $0x1;
	s26 =	smul.u32 $0x2800, s8  }
0x5: {  	s4 =	sor.u32 s0, s3;
	s3 =	simm.s32 $0x0;
	s6 =	smul.u32 $0x28000, s0  }
0x6: {  	s0 =	ssub.s32 $0x2, s0;
	s5 =	smul.u32 $0x280, s4;
	[smem:$0x7FF] =	sst s3  }
0x7: {  	s25 =	smul.u32 $0xFFFFFFD8, s4;
	s23 =	sshrl.u32 s0, $0x1;
	s24 =	sshrl.u32 s7, $0x2  }
0x8: {  	_ =	strace $0x80000047;
	s0 =	ssub.s32 s0, s23;
	s4 =	sadd.s32 s24, s2  }
0x9: {  	s5 =	sadd.s32 s5, s1;
	s1 =	sadd.s32 s6, s1;
	p0 =	slt.s32 s25, $0xFFFFFB46  }
0xa: {  	s6 =	smax.u32 s0, $0x1;
	s7 =	sadd.s32 $0x1000, s4;
	s8 =	sadd.s32 $0x2000, s4  }
0xb: {  	s9 =	sadd.s32 $0x3000, s4;
	s10 =	sadd.s32 $0x4000, s4;
	s11 =	sadd.s32 $0x5000, s4  }
0xc: {  	s12 =	sadd.s32 $0x6000, s4;
	s13 =	sadd.s32 $0x7000, s4;
	s14 =	sadd.s32 $0x8000, s4  }
0xd: {  	s15 =	sadd.s32 $0x9000, s4;
	s16 =	sadd.s32 $0xA000, s4;
	s17 =	sadd.s32 $0xB000, s4  }
0xe: {  	s18 =	sadd.s32 $0xC000, s4;
	s19 =	sadd.s32 $0xD000, s4;
	s20 =	sadd.s32 $0xE000, s4  }
0xf: {  	s21 =	sadd.s32 $0xF000, s4;
	s22 =	sadd.s32 $0x10000, s4;
	s24 =	sadd.s32 $0x11000, s4  }
0x10: {  	s28 =	sadd.s32 $0x13000, s4;
	s5 =	sadd.s32 $0xD000, s5;
	s1 =	sadd.s32 $0x12000, s1  }
0x11: {  	s25 =	simm.s32 @!p0 $0xFFFFFB46;
	[dreg:$0x3] =	wrdreg s5;
	s23 =	sadd.s32 s26, s1  }
0x12: {  	v0 =	vimm.f32 $0.0e+00;
	v1 =	vimm.f32 $1.000000000e+00;
	s25 =	sadd.s32 $0x4E1, s25;
	s26 =	sadd.s32 $0x12000, s4;
	s1 =	simm.s32 $0x1400  }
.LBB2_1:
0x13: {  	s0 =	simm.s32 $0x0;
	s5 =	simm.s32 $0x200  }
.LBB2_2:
0x14: {  	p0 =	sne.s32 s5, $0x3E00;
	[tilespmem:s0+$0x5470] =	vst v0  }
0x15: {  	[tilespmem:s0+$0x5400] =	vst v0  }
0x16: {  	[tilespmem:s0+$0x5410] =	vst v0  }
.Ltmp0:
0x17: {  	[tilespmem:s0+$0x5420] =	vst v0;
	(pc) =	sbr.rel @p0 .LBB2_2-.Ltmp0, $4  }
0x18: {  	[tilespmem:s0+$0x5430] =	vst v0  }
0x19: {  	[tilespmem:s0+$0x5440] =	vst v0  }
0x1a: {  	[tilespmem:s0+$0x5450] =	vst v0  }
0x1b: {  	[tilespmem:s0+$0x5460] =	vst v0;
	s0 =	sshra.s32 s5, $0x2;
	s5 =	sadd.s32 $0x200, s5  }
0x1c: {  	[tilespmem:s0+$0x5470] =	vst v0  }
0x1d: {  	[tilespmem:s0+$0x5400] =	vst v0  }
0x1e: {  	[tilespmem:s0+$0x5410] =	vst v0  }
0x1f: {  	[tilespmem:s0+$0x5420] =	vst v0  }
0x20: {  	[tilespmem:s0+$0x5430] =	vst v0  }
0x21: {  	[tilespmem:s0+$0x5440] =	vst v0  }
0x22: {  	[tilespmem:s0+$0x5450] =	vst v0  }
0x23: {  	[tilespmem:s0+$0x5460] =	vst v0  }
0x24: {  	[spmem:s4] =	stream.linear.scatter [tilespmem:s29], [sflag:$0x1], $0x1000, $0x38;
	[tilespmem:$0x1A400] =	vst v63  }
0x25: {  	_ =	swait.ge [sflag:s30], $0x1000  }
0x26: {  	[sflag:s30] =	ssyncset.done $0x0  }
0x27: {  	[sflag:s30] =	ssyncadd.s32 $0xFFFFF000  }
0x28: {  	[spmem:s7] =	stream.linear.scatter [tilespmem:s29], [sflag:$0x1], $0x1000, $0x38;
	[tilespmem:$0x1A400] =	vst v63  }
0x29: {  	_ =	swait.ge [sflag:s30], $0x1000  }
0x2a: {  	[sflag:s30] =	ssyncset.done $0x0  }
0x2b: {  	[sflag:s30] =	ssyncadd.s32 $0xFFFFF000  }
0x2c: {  	[spmem:s8] =	stream.linear.scatter [tilespmem:s29], [sflag:$0x1], $0x1000, $0x38;
	[tilespmem:$0x1A400] =	vst v63  }
0x2d: {  	_ =	swait.ge [sflag:s30], $0x1000  }
0x2e: {  	[sflag:s30] =	ssyncset.done $0x0  }
0x2f: {  	[sflag:s30] =	ssyncadd.s32 $0xFFFFF000  }
0x30: {  	[spmem:s9] =	stream.linear.scatter [tilespmem:s29], [sflag:$0x1], $0x1000, $0x38;
	[tilespmem:$0x1A400] =	vst v63  }
0x31: {  	_ =	swait.ge [sflag:s30], $0x1000  }
0x32: {  	[sflag:s30] =	ssyncset.done $0x0  }
0x33: {  	[sflag:s30] =	ssyncadd.s32 $0xFFFFF000  }
0x34: {  	[spmem:s10] =	stream.linear.scatter [tilespmem:s29], [sflag:$0x1], $0x1000, $0x38;
	[tilespmem:$0x1A400] =	vst v63  }
0x35: {  	_ =	swait.ge [sflag:s30], $0x1000  }
0x36: {  	[sflag:s30] =	ssyncset.done $0x0  }
0x37: {  	[sflag:s30] =	ssyncadd.s32 $0xFFFFF000  }
0x38: {  	[spmem:s11] =	stream.linear.scatter [tilespmem:s29], [sflag:$0x1], $0x1000, $0x38;
	[tilespmem:$0x1A400] =	vst v63  }
0x39: {  	_ =	swait.ge [sflag:s30], $0x1000  }
0x3a: {  	[sflag:s30] =	ssyncset.done $0x0  }
0x3b: {  	[sflag:s30] =	ssyncadd.s32 $0xFFFFF000  }
0x3c: {  	[spmem:s12] =	stream.linear.scatter [tilespmem:s29], [sflag:$0x1], $0x1000, $0x38;
	[tilespmem:$0x1A400] =	vst v63  }
0x3d: {  	_ =	swait.ge [sflag:s30], $0x1000  }
0x3e: {  	[sflag:s30] =	ssyncset.done $0x0  }
0x3f: {  	[sflag:s30] =	ssyncadd.s32 $0xFFFFF000  }
0x40: {  	[spmem:s13] =	stream.linear.scatter [tilespmem:s29], [sflag:$0x1], $0x1000, $0x38;
	[tilespmem:$0x1A400] =	vst v63  }
0x41: {  	_ =	swait.ge [sflag:s30], $0x1000  }
0x42: {  	[sflag:s30] =	ssyncset.done $0x0  }
0x43: {  	[sflag:s30] =	ssyncadd.s32 $0xFFFFF000  }
0x44: {  	[spmem:s14] =	stream.linear.scatter [tilespmem:s29], [sflag:$0x1], $0x1000, $0x38;
	[tilespmem:$0x1A400] =	vst v63  }
0x45: {  	_ =	swait.ge [sflag:s30], $0x1000  }
0x46: {  	[sflag:s30] =	ssyncset.done $0x0  }
0x47: {  	[sflag:s30] =	ssyncadd.s32 $0xFFFFF000  }
0x48: {  	[spmem:s15] =	stream.linear.scatter [tilespmem:s29], [sflag:$0x1], $0x1000, $0x38;
	[tilespmem:$0x1A400] =	vst v63  }
0x49: {  	_ =	swait.ge [sflag:s30], $0x1000  }
0x4a: {  	[sflag:s30] =	ssyncset.done $0x0  }
0x4b: {  	[sflag:s30] =	ssyncadd.s32 $0xFFFFF000  }
0x4c: {  	[spmem:s16] =	stream.linear.scatter [tilespmem:s29], [sflag:$0x1], $0x1000, $0x38;
	[tilespmem:$0x1A400] =	vst v63  }
0x4d: {  	_ =	swait.ge [sflag:s30], $0x1000  }
0x4e: {  	[sflag:s30] =	ssyncset.done $0x0  }
0x4f: {  	[sflag:s30] =	ssyncadd.s32 $0xFFFFF000  }
0x50: {  	[spmem:s17] =	stream.linear.scatter [tilespmem:s29], [sflag:$0x1], $0x1000, $0x38;
	[tilespmem:$0x1A400] =	vst v63  }
0x51: {  	_ =	swait.ge [sflag:s30], $0x1000  }
0x52: {  	[sflag:s30] =	ssyncset.done $0x0  }
0x53: {  	[sflag:s30] =	ssyncadd.s32 $0xFFFFF000  }
0x54: {  	[spmem:s18] =	stream.linear.scatter [tilespmem:s29], [sflag:$0x1], $0x1000, $0x38;
	[tilespmem:$0x1A400] =	vst v63  }
0x55: {  	_ =	swait.ge [sflag:s30], $0x1000  }
0x56: {  	[sflag:s30] =	ssyncset.done $0x0  }
0x57: {  	[sflag:s30] =	ssyncadd.s32 $0xFFFFF000  }
0x58: {  	[spmem:s19] =	stream.linear.scatter [tilespmem:s29], [sflag:$0x1], $0x1000, $0x38;
	[tilespmem:$0x1A400] =	vst v63  }
0x59: {  	_ =	swait.ge [sflag:s30], $0x1000  }
0x5a: {  	[sflag:s30] =	ssyncset.done $0x0  }
0x5b: {  	[sflag:s30] =	ssyncadd.s32 $0xFFFFF000  }
0x5c: {  	[spmem:s20] =	stream.linear.scatter [tilespmem:s29], [sflag:$0x1], $0x1000, $0x38;
	[tilespmem:$0x1A400] =	vst v63  }
0x5d: {  	_ =	swait.ge [sflag:s30], $0x1000  }
0x5e: {  	[sflag:s30] =	ssyncset.done $0x0  }
0x5f: {  	[sflag:s30] =	ssyncadd.s32 $0xFFFFF000  }
0x60: {  	[spmem:s21] =	stream.linear.scatter [tilespmem:s29], [sflag:$0x1], $0x1000, $0x38;
	[tilespmem:$0x1A400] =	vst v63  }
0x61: {  	_ =	swait.ge [sflag:s30], $0x1000  }
0x62: {  	[sflag:s30] =	ssyncset.done $0x0  }
0x63: {  	[sflag:s30] =	ssyncadd.s32 $0xFFFFF000  }
0x64: {  	[spmem:s22] =	stream.linear.scatter [tilespmem:s29], [sflag:$0x1], $0x1000, $0x38;
	[tilespmem:$0x1A400] =	vst v63  }
0x65: {  	_ =	swait.ge [sflag:s30], $0x1000  }
0x66: {  	[sflag:s30] =	ssyncset.done $0x0  }
0x67: {  	[sflag:s30] =	ssyncadd.s32 $0xFFFFF000  }
0x68: {  	[spmem:s24] =	stream.linear.scatter [tilespmem:s29], [sflag:$0x1], $0x1000, $0x38;
	[tilespmem:$0x1A400] =	vst v63  }
0x69: {  	_ =	swait.ge [sflag:s30], $0x1000  }
0x6a: {  	[sflag:s30] =	ssyncset.done $0x0  }
0x6b: {  	[sflag:s30] =	ssyncadd.s32 $0xFFFFF000  }
0x6c: {  	[spmem:s26] =	stream.linear.scatter [tilespmem:s29], [sflag:$0x1], $0x1000, $0x38;
	[tilespmem:$0x1A400] =	vst v63  }
0x6d: {  	_ =	swait.ge [sflag:s30], $0x1000  }
0x6e: {  	[sflag:s30] =	ssyncset.done $0x0  }
0x6f: {  	[sflag:s30] =	ssyncadd.s32 $0xFFFFF000  }
0x70: {  	[spmem:s28] =	stream.linear.scatter [tilespmem:s29], [sflag:$0x1], $0x1000, $0x38;
	[tilespmem:$0x1A400] =	vst v63  }
0x71: {  	_ =	swait.ge [sflag:s30], $0x1000  }
0x72: {  	[sflag:s30] =	ssyncset.done $0x0  }
0x73: {  	s0 =	simm.s32 $0x0;
	s5 =	simm.s32 $0x200;
	[sflag:s30] =	ssyncadd.s32 $0xFFFFF000  }
.LBB2_4:
0x74: {  	p0 =	sne.s32 s5, $0xFE00;
	[tilespmem:s0+$0x1470] =	vst v1  }
0x75: {  	[tilespmem:s0+$0x1400] =	vst v1  }
0x76: {  	[tilespmem:s0+$0x1410] =	vst v1  }
.Ltmp1:
0x77: {  	[tilespmem:s0+$0x1420] =	vst v1;
	(pc) =	sbr.rel @p0 .LBB2_4-.Ltmp1, $4  }
0x78: {  	[tilespmem:s0+$0x1430] =	vst v1  }
0x79: {  	[tilespmem:s0+$0x1440] =	vst v1  }
0x7a: {  	[tilespmem:s0+$0x1450] =	vst v1  }
0x7b: {  	[tilespmem:s0+$0x1460] =	vst v1;
	s0 =	sshra.s32 s5, $0x2;
	s5 =	sadd.s32 $0x200, s5  }
0x7c: {  	[tilespmem:s0+$0x1470] =	vst v1  }
0x7d: {  	[tilespmem:s0+$0x1400] =	vst v1  }
0x7e: {  	[tilespmem:s0+$0x1410] =	vst v1  }
0x7f: {  	[tilespmem:s0+$0x1420] =	vst v1  }
0x80: {  	[tilespmem:s0+$0x1430] =	vst v1  }
0x81: {  	[tilespmem:s0+$0x1440] =	vst v1  }
0x82: {  	[tilespmem:s0+$0x1450] =	vst v1  }
0x83: {  	[tilespmem:s0+$0x1460] =	vst v1;
	s0 =	simm.s32 $0x0;
	s5 =	rddreg [dreg:$0x3]  }
0x84: {  	[tilespmem:s0], [sflag:$0x1] =	stream.linear.gather [hbm4b:s5+s0], $0x1400, $0x38;
	[tilespmem:$0x1A400] =	vst v63  }
0x85: {  	_ =	swait.ge [sflag:s30], $0x1400  }
0x86: {  	p0 =	sgt.u32 s25, $0x0;
	[sflag:s30] =	ssyncset.done $0x0  }
.Ltmp2:
0x87: {  	[sflag:s30] =	ssyncadd.s32 $0xFFFFEC00;
	(pc) =	sbr.rel @!p0 .LBB2_7-.Ltmp2, $4  }
0x88: {  	[bflag:$0x0] =	sbarrier.arrive $0xFFFF  }
0x89: {  	[spmem:s2] =	stream.indirect.scatter.add.f32 [tilespmem:s1], [sflag:$0x1], $0x80, s0, s31, $0xb8;
	[tilespmem:$0x1A400] =	vst v63  }
0x8a: {  	_ =	swait.ge [sflag:s30], $0x4000  }
0x8b: {  	s5 =	simm.s32 $0x0;
	[sflag:s30] =	ssyncset.done $0x0  }
.LBB2_6:
0x8c: {  	s5 =	sadd.s32 $0x1, s5  }
0x8d: {  	[sflag:s30] =	ssyncadd.s32 $0xFFFFC000;
	s0 =	sadd.s32 $0x80, s0;
	p0 =	slt.u32 s5, s25  }
.Ltmp3:
0x8e: {  	(pc) =	sbr.rel @p0 .LBB2_6-.Ltmp3, $4  }
0x8f: {  	_ = 	snop  }
0x90: {  	[spmem:s2] =	stream.indirect.scatter.add.f32 [tilespmem:s1], [sflag:$0x1], $0x80, s0, s31, $0xb8;
	[tilespmem:$0x1A400] =	vst v63  }
0x91: {  	_ =	swait.ge [sflag:s30], $0x4000  }
0x92: {  	[sflag:s30] =	ssyncset.done $0x0  }
.LBB2_7:
0x93: {  	[sflag:s30] =	ssyncadd.s32 $0xFFFFC000;
	s0 =	stileid.u32;
	s3 =	sadd.s32 $0x1, s3  }
0x94: {  	s5 =	sshrl.u32 s4, $0x3;
	s0 =	sshll.u32 s0, $0x6;
	p0 =	sne.s32 s3, s6  }
.Ltmp4:
0x95: {  	[bflag:$0x0] =	sbarrier.arrive $0xFFFF;
	s0 =	sor.u32 $0x1C01, s0;
	(pc) =	sbr.rel @p0 .LBB2_1-.Ltmp4, $4  }
0x96: {  	[hbm:s23], [sflag:s0] =	dma.local [spmem:s5], $0x2800  }
0x97: {  	_ =	swait.ge [sflag:s30], $0x2800  }
0x98: {  	[sflag:s30] =	ssyncset.done $0x0  }
0x99: {  	[sflag:s30] =	ssyncadd.s32 $0xFFFFD800  }
0x9a: {  	_ =	sfence.sel $0x180000  }
0x9b: {  	[bflag:$0x0] =	sbarrier.arrive $0xFFFF  }
0x9c: {  	_ =	strace $0x90000047  }
0x9d: {  	s0 =	stileid.u32;
	[bflag:$0x2] =	sbarrier.arrive $0xFFFF  }
0x9e: {  	p0 =	sne.s32 s0, $0x0;
	s0 =	rddreg [dreg:$0x2]  }
0x9f: {  	s0 =	sadd.s32 @!p0 $0x100000, s0  }
0xa0: {  	[sflag:s0] =	ssyncadd.tile.s32 @!p0 $0x1;
	_ =	shalt  }
.Lfunc_end2:
_tile_overlayer_lowered:
.L_overlay_start_2:
0xa1: {  	(tag) =	ssettag $0x2  }
0xa2: {  	s0 =	rddreg [dreg:$0x0];
	s2 =	stileid.u32  }
0xa3: {  	s1 =	rddreg [dreg:$0x1];
	p0 =	sne.s32 s2, $0x0  }
0xa4: {  	s3 =	rddreg [dreg:$0x2];
	[bflag:$0x3] =	sbarrier.arrive $0xFFFF;
	s2 =	simm.s32 @!p0 $0x1C01  }
0xa5: {  	[timem:s3], [sflag:s2] =	dma.local @!p0 [hbm:s0], s1  }
0xa6: {  	s0 =	simm.s32 @!p0 $0x1  }
0xa7: {  	_ =	swait.ge @!p0 [sflag:s0], s1  }
0xa8: {  	s1 =	ssub.s32 @!p0 $0x0, s1;
	[sflag:s0] =	ssyncset.done @!p0 $0x0  }
0xa9: {  	[sflag:s0] =	ssyncadd.s32 @!p0 s1  }
0xaa: {  	[bflag:$0x3] =	sbarrier.arrive $0xFFFF  }
0xab: {  	_ =	shalt  }

// kernel: kernel.14.cloned.1.call-start
scs
__scs_entry_jumppad:
0x0: {  	(pc) =	sbr.rel $0x88, $3  }
0x1: {  	(tag) =	ssettag $0x0;
	lr =	simm.s32 $0x1  }
0x2: {  	[smem:$0x3F7E] =	sst lr;
	_ =	strace $0xD0000000  }
0x3: {  	_ = 	snop  }
0x4: {  	_ = 	snop  }
0x5: {  	_ = 	snop  }
0x6: {  	_ = 	snop  }
0x7: {  	_ = 	snop  }
__scs_overlays_trampoline_lowered:
0x8: {  	[smem:$0x3F8D] =	sst s0  }
0x9: {  	[smem:$0x3F8E] =	sst s1  }
0xa: {  	[smem:$0x3F8F] =	sst s2  }
0xb: {  	[smem:$0x3F90] =	sst s3  }
0xc: {  	[smem:$0x3F91] =	sst s4  }
0xd: {  	[smem:$0x3F92] =	sst s5  }
0xe: {  	[smem:$0x3F93] =	sst s6  }
0xf: {  	[smem:$0x3F94] =	sst s7  }
0x10: {  	[smem:$0x3F95] =	sst s8  }
0x11: {  	[smem:$0x3F96] =	sst s9;
	s0 =	simm.s32 @!p0 $0x0  }
0x12: {  	s1 =	sld [smem:$0x3F7C];
	s0 =	simm.s32 @p0 $0x1  }
0x13: {  	[smem:$0x3F97] =	sst s0;
	s0 =	simm.s32 @!p1 $0x0  }
0x14: {  	s2 =	sld [smem:$0x3F7B];
	s0 =	simm.s32 @p1 $0x1  }
0x15: {  	[smem:$0x3F98] =	sst s0;
	s0 =	simm.s32 @!p2 $0x0  }
0x16: {  	s3 =	sld [smem:$0x3FDB];
	s0 =	simm.s32 @p2 $0x1  }
0x17: {  	s4 =	simm.s32 $0x1BF5;
	[smem:$0x3F9A] =	sst s0  }
0x18: {  	s0 =	sld [smem:$0x3F7D];
	_ =	swait.ge [sflag:s4], $0x0  }
0x19: {  	s7 =	sld [smem:$0x3F7E]  }
0x1a: {  	s8 =	sadd.s32 $0xFFFFE003, lr  }
0x1b: {  	s9 =	sadd.s32 $0xFFFFFEF7, lr;
	s5 =	simm.s32 $0xFFFFFFFF;
	p2 =	slt.u32 s8, $0xFFFFF086  }
0x1c: {  	p1 =	slt.u32 s9, $0xF7A;
	s5 =	simm.s32 @!p2 $0x0  }
0x1d: {  	s5 =	simm.s32 @p1 $0x1;
	p0 =	seq.s32 s7, s2  }
0x1e: {  	s7 =	smul.u32 @!p0 $0xF7A, s2;
	p2 =	seq.s32 @!p0 s5, $0x0  }
0x1f: {  	s9 =	smul.u32 $0xF7A, s1;
	s8 =	simm.s32 @!p0 $0x1BF5;
	p2 =	por !p2, p0  }
0x20: {  	[sflag:s8] =	ssyncset.s32 @!p0 $0xFFFFF086;
	s6 =	sadd.s32 @!p0 s3, s7;
	s7 =	simm.s32 @!p0 $0x108  }
0x21: {  	s3 =	sadd.s32 s3, s9;
	s6 =	sadd.s32 @!p0 $0x88, s6;
	s7 =	simm.s32 @p2 $0x1082  }
0x22: {  	[simem:s7], [sflag:s8] =	dma.local @!p0 [hbm:s6], $0xF7A  }
0x23: {  	s9 =	sor.u32 $0xD0000000, s2;
	s6 =	simm.s32 $0x108;
	_ =	swait.ge @!p0 [sflag:s8], $0x0  }
0x24: {  	s3 =	sadd.s32 $0x88, s3;
	s6 =	simm.s32 @!p1 $0x1082;
	[sflag:s4] =	ssyncset.s32 $0xFFFFF086  }
0x25: {  	[simem:s6], [sflag:s4] =	dma.local [hbm:s3], $0xF7A  }
0x26: {  	[smem:$0x3F7E] =	sst s1;
	(tag) =	ssettag s2;
	_ =	strace s9  }
0x27: {  	s1 =	sld [smem:$0x3F8E]  }
0x28: {  	s2 =	sld [smem:$0x3F8F]  }
0x29: {  	s4 =	sld [smem:$0x3F91]  }
0x2a: {  	p0 =	seq.s32 s5, $0x0;
	s5 =	sld [smem:$0x3F92]  }
0x2b: {  	s6 =	sld [smem:$0x3F93]  }
0x2c: {  	s7 =	sld [smem:$0x3F94]  }
0x2d: {  	s3 =	simm.s32 $0x108;
	s8 =	sld [smem:$0x3F95]  }
0x2e: {  	s3 =	simm.s32 @!p0 $0x1082;
	s9 =	sld [smem:$0x3F96]  }
0x2f: {  	lr =	sadd.s32 s0, s3;
	s0 =	sld [smem:$0x3F8D]  }
0x30: {  	s3 =	sld [smem:$0x3F90]  }
0x31: {  	[smem:$0x3F99] =	sst s10  }
0x32: {  	s10 =	sld [smem:$0x3F97];
	_ =	sdelay $0x3  }
0x33: {  	p0 =	seq.s32 s10, $0x1;
	s10 =	sld [smem:$0x3F99];
	_ =	sdelay $0x3  }
0x34: {  	[smem:$0x3F99] =	sst s10  }
0x35: {  	s10 =	sld [smem:$0x3F98];
	_ =	sdelay $0x3  }
0x36: {  	p1 =	seq.s32 s10, $0x1;
	s10 =	sld [smem:$0x3F99];
	_ =	sdelay $0x3  }
0x37: {  	[smem:$0x3F99] =	sst s10  }
0x38: {  	s10 =	sld [smem:$0x3F9A]  }
0x39: {  	_ = 	snop;
	(pc) =	sbr.ind lr, $3  }
0x3a: {  	_ = 	snop  }
0x3b: {  	_ = 	snop  }
0x3c: {  	p2 =	seq.s32 s10, $0x1;
	s10 =	sld [smem:$0x3F99]  }
0x3d: {  	_ =	shalt  }
0x3e: {  	_ =	shalt  }
0x3f: {  	_ =	shalt  }
0x40: {  	_ =	shalt  }
0x41: {  	_ =	shalt  }
0x42: {  	_ =	shalt  }
0x43: {  	_ =	shalt  }
0x44: {  	_ =	shalt  }
0x45: {  	_ =	shalt  }
0x46: {  	_ =	shalt  }
0x47: {  	_ =	shalt  }
0x48: {  	_ =	shalt  }
0x49: {  	_ =	shalt  }
0x4a: {  	_ =	shalt  }
0x4b: {  	_ =	shalt  }
0x4c: {  	_ =	shalt  }
0x4d: {  	_ =	shalt  }
0x4e: {  	_ =	shalt  }
0x4f: {  	_ =	shalt  }
0x50: {  	_ =	shalt  }
0x51: {  	_ =	shalt  }
0x52: {  	_ =	shalt  }
0x53: {  	_ =	shalt  }
0x54: {  	_ =	shalt  }
0x55: {  	_ =	shalt  }
0x56: {  	_ =	shalt  }
0x57: {  	_ =	shalt  }
0x58: {  	_ =	shalt  }
0x59: {  	_ =	shalt  }
0x5a: {  	_ =	shalt  }
0x5b: {  	_ =	shalt  }
0x5c: {  	_ =	shalt  }
0x5d: {  	_ =	shalt  }
0x5e: {  	_ =	shalt  }
0x5f: {  	_ =	shalt  }
0x60: {  	_ =	shalt  }
0x61: {  	_ =	shalt  }
0x62: {  	_ =	shalt  }
0x63: {  	_ =	shalt  }
0x64: {  	_ =	shalt  }
0x65: {  	_ =	shalt  }
0x66: {  	_ =	shalt  }
0x67: {  	_ =	shalt  }
0x68: {  	_ =	shalt  }
0x69: {  	_ =	shalt  }
0x6a: {  	_ =	shalt  }
0x6b: {  	_ =	shalt  }
0x6c: {  	_ =	shalt  }
0x6d: {  	_ =	shalt  }
0x6e: {  	_ =	shalt  }
0x6f: {  	_ =	shalt  }
0x70: {  	_ =	shalt  }
0x71: {  	_ =	shalt  }
0x72: {  	_ =	shalt  }
0x73: {  	_ =	shalt  }
0x74: {  	_ =	shalt  }
0x75: {  	_ =	shalt  }
0x76: {  	_ =	shalt  }
0x77: {  	_ =	shalt  }
0x78: {  	_ =	shalt  }
0x79: {  	_ =	shalt  }
0x7a: {  	_ =	shalt  }
0x7b: {  	_ =	shalt  }
0x7c: {  	_ =	shalt  }
0x7d: {  	_ =	shalt  }
0x7e: {  	_ =	shalt  }
0x7f: {  	_ =	shalt  }
0x80: {  	_ =	shalt  }
0x81: {  	_ =	shalt  }
0x82: {  	_ =	shalt  }
0x83: {  	_ =	shalt  }
0x84: {  	_ =	shalt  }
0x85: {  	_ =	shalt  }
0x86: {  	_ =	shalt  }
0x87: {  	_ =	shalt  }
.Lfunc_end0:
.L_simem_size_0:
called_computation.1_lowered:
.L_overlay_start_0:
0x88: {  	s2 =	sld [smem:$0x3FD9]  }
0x89: {  	s3 =	sld [smem:$0x3FFE];
	_ =	sdelay $0x1  }
0x8a: {  	s1 =	srdreg.scid  }
0x8b: {  	s0 =	sand.u32 $0x1, s1  }
0x8c: {  	s16 =	sshll.u32 s0, $0xA;
	s2 =	sadd.s32 s3, s2  }
0x8d: {  	s2 =	sadd.s32 s2, s16  }
0x8e: {  	[smem:$0x3FA5] =	sst s2  }
0x8f: {  	_ = 	snop  }
0x90: {  	(tm) =	ssettm $0x1  }
0x91: {  	s17 =	sld [smem:$0x3FFB];
	_ =	sdelay $0x3  }
0x92: {  	_ =	strace s17  }
0x93: {  	s2 =	sld [smem:$0x3FFC];
	_ =	sdelay $0x3  }
0x94: {  	_ =	strace s2  }
0x95: {  	s2 =	sld [smem:$0x3FFD];
	_ =	sdelay $0x3  }
0x96: {  	_ =	strace s2  }
0x97: {  	_ =	strace $0x8FFFFFFF  }
0x98: {  	s18 =	sld [smem:$0x3FDB];
	_ =	sdelay $0x1  }
0x99: {  	s19 =	simm.s32 $_scs_section_size  }
0x9a: {  	s4 =	simm.s32 $_size__tile_overlayer_lowered;
	s5 =	simm.s32 $_tile_overlayer_lowered  }
0x9b: {  	s22 =	simm.s32 $0x1BFF;
	s21 =	sshll.u32 s5, $0x1;
	s2 =	sadd.s32 s19, s18  }
0x9c: {  	s6 =	simm.s32 $0x0;
	s20 =	sshll.u32 s4, $0x1;
	s4 =	sadd.s32 s21, s2  }
0x9d: {  	[timem:s6], [sflag:s22] =	dma.local [hbm:s4], s20  }
0x9e: {  	_ =	swait.ge [sflag:s22], s20  }
0x9f: {  	s3 =	ssub.s32 $0x0, s20;
	[sflag:s22] =	ssyncset.done $0x0  }
0xa0: {  	[sflag:s22] =	ssyncadd.s32 s3;
	_ =	sdelay $0x1  }
0xa1: {  	s23 =	simm.s32 $0x1B8B  }
0xa2: {  	_ =	swait.ge [sflag:s23], $0x1  }
0xa3: {  	[sflag:s23] =	ssyncset.done $0x0  }
0xa4: {  	s25 =	simm.s32 $0x1B8E;
	s24 =	sld [smem:$0x3FFE];
	[sflag:s23] =	ssyncadd.s32 $0xFFFFFFFF  }
0xa5: {  	s26 =	simm.s32 $execute0_lowered;
	[smem:$0x3FD2] =	sst s25  }
0xa6: {  	s4 =	sshll.u32 s26, $0x1;
	_ =	strace $0x80000049;
	[dreg:$0x1] =	wrdreg $0xFFFFFFFF  }
0xa7: {  	s28 =	simm.s32 $_size_execute0_lowered;
	s2 =	sadd.s32 s2, s4;
	[dreg:$0x0] =	wrdreg $0x0  }
0xa8: {  	s4 =	sshll.u32 s28, $0x1;
	[dreg:$0x2] =	wrdreg s2  }
0xa9: {  	[dreg:$0x3] =	wrdreg s4  }
0xaa: {  	[dreg:$0x4] =	wrdreg $0xC0  }
0xab: {  	_ =	task [dreg:s6], $0x5FFFF  }
0xac: {  	[dreg:$0x1] =	wrdreg $0xFFFFFFFF  }
0xad: {  	[dreg:$0x0] =	wrdreg $0x60  }
0xae: {  	[dreg:$0x2] =	wrdreg s24  }
0xaf: {  	[dreg:$0x3] =	wrdreg $0xB8000  }
0xb0: {  	[dreg:$0x4] =	wrdreg $0x9  }
0xb1: {  	_ =	task.clear_ibuf [dreg:s6], $0x5FFFF;
	_ =	strace $0x90000049  }
0xb2: {  	s29 =	simm.s32 $0x9;
	_ =	strace $0x8000004B  }
0xb3: {  	_ =	swait.ge [sflag:s29], $0x1  }
0xb4: {  	[sflag:s29] =	ssyncadd.s32 $0xFFFFFFFF  }
0xb5: {  	_ =	strace $0x9000004B  }
0xb6: {  	_ =	sfence  }
0xb7: {  	s30 =	sld [smem:$0x0];
	_ =	sdelay $0x2  }
0xb8: {  	s31 =	sshll.u32 s1, $0xD;
	s1 =	sshrl.u32 s1, $0x2  }
0xb9: {  	s3 =	sand.u32 $0x4000, s31;
	s1 =	sadd.s32 s1, s30  }
0xba: {  	s0 =	sor.u32 s3, s0;
	s1 =	sshll.u32 s1, $0x11  }
0xbb: {  	s0 =	sor.u32 s1, s0  }
0xbc: {  	s0 =	sadd.s32 $0x8F2B, s0  }
0xbd: {  	[sflag:s0] =	ssyncadd.remote.s32 $0x1  }
0xbe: {  	_ =	sfence.sel $0xFFFF  }
0xbf: {  	[dreg:$0x0] =	wrdreg $0xFFFFFFFF;
	(pc) =	sbr.abs _section_cstart, $3  }
0xc0: {  	[dreg:$0x1] =	wrdreg $0xFFFFFFFF  }
0xc1: {  	_ =	task.clear_ibuf [dreg:s6], $0x2FFFF;
	_ =	strace $0x9FFFFFFF  }
0xc2: {  	(tm) =	ssettm $0x7FFFFFFF  }
0xc3: {  	_ =	shalt  }
tec
execute0_lowered:
.L_overlay_start_1:
0x0: {  	(tag) =	ssettag $0x1  }
0x1: {  	s0 =	srdreg.scid;
	s12 =	stileid.u32  }
0x2: {  	s5 =	rddreg [dreg:$0x0];
	s8 =	smul.u32 $0x50000, s12  }
0x3: {  	s2 =	rddreg [dreg:$0x1];
	s11 =	smul.u32 $0xFFFFFFB0, s12  }
0x4: {  	s3 =	simm.s32 $0x0;
	s0 =	sand.u32 $0x1, s0;
	s16 =	smul.u32 $0x2800, s12  }
0x5: {  	s1 =	sshll.u32 s12, $0x1;
	[smem:$0x7FF] =	sst s3;
	s7 =	smul.u32 $0x28000, s0  }
0x6: {  	s1 =	sor.u32 s0, s1;
	s9 =	ssub.s32 $0x2, s0;
	s0 =	smul.u32 $0xFFFFFFD8, s0  }
0x7: {  	s4 =	sadd.s32 $0x3A000, s5;
	s12 =	simm.s32 $0x0;
	s6 =	smul.u32 $0x280, s1  }
0x8: {  	_ =	strace $0x8000004A;
	s1 =	smul.u32 $0xFFFFFFD8, s1;
	s10 =	sshrl.u32 s9, $0x1  }
0x9: {  	s13 =	sshrl.u32 s8, $0x2;
	s7 =	sadd.s32 s7, s5;
	s9 =	ssub.s32 s9, s10  }
0xa: {  	s0 =	sadd.s32 s0, s11;
	s10 =	simm.s32 $0x1;
	s11 =	simm.s32 $0x2  }
0xb: {  	s6 =	sadd.s32 s6, s5;
	s5 =	sadd.s32 s13, s2;
	s17 =	smax.u32 s9, $0x1  }
0xc: {  	p0 =	slt.s32 s1, $0xFFFFFB46;
	s14 =	sadd.s32 $0x8000, s6;
	[dreg:$0x6] =	wrdreg s17  }
0xd: {  	s15 =	sadd.s32 $0x62000, s7;
	s6 =	sadd.s32 $0xD000, s6;
	[dreg:$0x3] =	wrdreg s14  }
0xe: {  	s7 =	simm.s32 $0x80;
	s18 =	sadd.s32 $0x1000, s5;
	[dreg:$0x4] =	wrdreg s6  }
0xf: {  	s9 =	simm.s32 $0x6800;
	s19 =	sadd.s32 $0x2000, s5;
	[dreg:$0x7] =	wrdreg s18  }
0x10: {  	s1 =	simm.s32 @!p0 $0xFFFFFB46;
	s20 =	sadd.s32 $0x3000, s5;
	[dreg:$0x8] =	wrdreg s19  }
0x11: {  	p0 =	slt.s32 s0, $0xFFFFFB46;
	s21 =	sadd.s32 $0x4000, s5;
	[dreg:$0x9] =	wrdreg s20  }
0x12: {  	s22 =	sadd.s32 $0x5000, s5;
	s23 =	sadd.s32 $0x6000, s5;
	[dreg:$0xa] =	wrdreg s21  }
0x13: {  	s24 =	sadd.s32 $0x7000, s5;
	s25 =	sadd.s32 $0x8000, s5;
	[dreg:$0xb] =	wrdreg s22  }
0x14: {  	s26 =	sadd.s32 $0x9000, s5;
	s28 =	sadd.s32 $0x10000, s5;
	[dreg:$0xc] =	wrdreg s23  }
0x15: {  	s29 =	sadd.s32 $0x11000, s5;
	s30 =	sadd.s32 $0x12000, s5;
	[dreg:$0xd] =	wrdreg s24  }
0x16: {  	s31 =	sadd.s32 $0x13000, s5;
	s8 =	sadd.s32 $0x4E2, s1;
	[dreg:$0xe] =	wrdreg s25  }
0x17: {  	s0 =	simm.s32 @!p0 $0xFFFFFB46;
	[dreg:$0xf] =	wrdreg s26;
	s20 =	sadd.s32 $0xA000, s5  }
0x18: {  	s21 =	sadd.s32 $0xB000, s5;
	s22 =	sadd.s32 $0xC000, s5;
	s23 =	sadd.s32 $0xD000, s5  }
0x19: {  	s24 =	sadd.s32 s16, s15;
	s25 =	sadd.s32 $0xE000, s5;
	s0 =	sadd.s32 $0x4E2, s0  }
0x1a: {  	s26 =	sadd.s32 $0xF000, s5;
	s1 =	simm.s32 $0xA800;
	s0 =	sshrl.u32 s0, $0x1  }
0x1b: {  	v0 =	vimm.f32 $0.0e+00;
	s6 =	simm.s32 $0x2800;
	[dreg:$0x5] =	wrdreg s0;
	s0 =	simm.s32 $0x3  }
.LBB2_1:
0x1c: {  	s13 =	simm.s32 $0x0;
	s14 =	simm.s32 $0x200  }
.LBB2_2:
0x1d: {  	p0 =	sne.s32 s14, $0x3E00;
	[tilespmem:s13+$0xA870] =	vst v0  }
0x1e: {  	[tilespmem:s13+$0xA800] =	vst v0  }
0x1f: {  	[tilespmem:s13+$0xA810] =	vst v0  }
.Ltmp0:
0x20: {  	[tilespmem:s13+$0xA820] =	vst v0;
	(pc) =	sbr.rel @p0 .LBB2_2-.Ltmp0, $4  }
0x21: {  	[tilespmem:s13+$0xA830] =	vst v0  }
0x22: {  	[tilespmem:s13+$0xA840] =	vst v0  }
0x23: {  	[tilespmem:s13+$0xA850] =	vst v0  }
0x24: {  	[tilespmem:s13+$0xA860] =	vst v0;
	s13 =	sshra.s32 s14, $0x2;
	s14 =	sadd.s32 $0x200, s14  }
0x25: {  	[tilespmem:s13+$0xA870] =	vst v0  }
0x26: {  	[tilespmem:s13+$0xA800] =	vst v0  }
0x27: {  	[tilespmem:s13+$0xA810] =	vst v0  }
0x28: {  	[tilespmem:s13+$0xA820] =	vst v0  }
0x29: {  	[tilespmem:s13+$0xA830] =	vst v0  }
0x2a: {  	[tilespmem:s13+$0xA840] =	vst v0  }
0x2b: {  	[tilespmem:s13+$0xA850] =	vst v0  }
0x2c: {  	[tilespmem:s13+$0xA860] =	vst v0  }
0x2d: {  	[spmem:s5] =	stream.linear.scatter [tilespmem:s1], [sflag:$0x3], $0x1000, $0x38;
	[tilespmem:$0x1F800] =	vst v63  }
0x2e: {  	_ =	swait.ge [sflag:s0], $0x1000  }
0x2f: {  	[sflag:s0] =	ssyncset.done $0x0  }
0x30: {  	s19 =	rddreg [dreg:$0x7];
	[sflag:s0] =	ssyncadd.s32 $0xFFFFF000  }
0x31: {  	[spmem:s19] =	stream.linear.scatter [tilespmem:s1], [sflag:$0x3], $0x1000, $0x38;
	[tilespmem:$0x1F800] =	vst v63  }
0x32: {  	_ =	swait.ge [sflag:s0], $0x1000  }
0x33: {  	[sflag:s0] =	ssyncset.done $0x0  }
0x34: {  	s14 =	rddreg [dreg:$0x8];
	[sflag:s0] =	ssyncadd.s32 $0xFFFFF000  }
0x35: {  	[spmem:s14] =	stream.linear.scatter [tilespmem:s1], [sflag:$0x3], $0x1000, $0x38;
	[tilespmem:$0x1F800] =	vst v63  }
0x36: {  	_ =	swait.ge [sflag:s0], $0x1000  }
0x37: {  	[sflag:s0] =	ssyncset.done $0x0  }
0x38: {  	s15 =	rddreg [dreg:$0x9];
	[sflag:s0] =	ssyncadd.s32 $0xFFFFF000  }
0x39: {  	[spmem:s15] =	stream.linear.scatter [tilespmem:s1], [sflag:$0x3], $0x1000, $0x38;
	[tilespmem:$0x1F800] =	vst v63  }
0x3a: {  	_ =	swait.ge [sflag:s0], $0x1000  }
0x3b: {  	[sflag:s0] =	ssyncset.done $0x0  }
0x3c: {  	s16 =	rddreg [dreg:$0xa];
	[sflag:s0] =	ssyncadd.s32 $0xFFFFF000  }
0x3d: {  	[spmem:s16] =	stream.linear.scatter [tilespmem:s1], [sflag:$0x3], $0x1000, $0x38;
	[tilespmem:$0x1F800] =	vst v63  }
0x3e: {  	_ =	swait.ge [sflag:s0], $0x1000  }
0x3f: {  	[sflag:s0] =	ssyncset.done $0x0  }
0x40: {  	s17 =	rddreg [dreg:$0xb];
	[sflag:s0] =	ssyncadd.s32 $0xFFFFF000  }
0x41: {  	[spmem:s17] =	stream.linear.scatter [tilespmem:s1], [sflag:$0x3], $0x1000, $0x38;
	[tilespmem:$0x1F800] =	vst v63  }
0x42: {  	_ =	swait.ge [sflag:s0], $0x1000  }
0x43: {  	[sflag:s0] =	ssyncset.done $0x0  }
0x44: {  	s18 =	rddreg [dreg:$0xc];
	[sflag:s0] =	ssyncadd.s32 $0xFFFFF000  }
0x45: {  	[spmem:s18] =	stream.linear.scatter [tilespmem:s1], [sflag:$0x3], $0x1000, $0x38;
	[tilespmem:$0x1F800] =	vst v63  }
0x46: {  	_ =	swait.ge [sflag:s0], $0x1000  }
0x47: {  	[sflag:s0] =	ssyncset.done $0x0  }
0x48: {  	s19 =	rddreg [dreg:$0xd];
	[sflag:s0] =	ssyncadd.s32 $0xFFFFF000  }
0x49: {  	[spmem:s19] =	stream.linear.scatter [tilespmem:s1], [sflag:$0x3], $0x1000, $0x38;
	[tilespmem:$0x1F800] =	vst v63  }
0x4a: {  	_ =	swait.ge [sflag:s0], $0x1000  }
0x4b: {  	[sflag:s0] =	ssyncset.done $0x0  }
0x4c: {  	s14 =	rddreg [dreg:$0xe];
	[sflag:s0] =	ssyncadd.s32 $0xFFFFF000  }
0x4d: {  	[spmem:s14] =	stream.linear.scatter [tilespmem:s1], [sflag:$0x3], $0x1000, $0x38;
	[tilespmem:$0x1F800] =	vst v63  }
0x4e: {  	_ =	swait.ge [sflag:s0], $0x1000  }
0x4f: {  	[sflag:s0] =	ssyncset.done $0x0  }
0x50: {  	s15 =	rddreg [dreg:$0xf];
	[sflag:s0] =	ssyncadd.s32 $0xFFFFF000  }
0x51: {  	[spmem:s15] =	stream.linear.scatter [tilespmem:s1], [sflag:$0x3], $0x1000, $0x38;
	[tilespmem:$0x1F800] =	vst v63  }
0x52: {  	_ =	swait.ge [sflag:s0], $0x1000  }
0x53: {  	[sflag:s0] =	ssyncset.done $0x0  }
0x54: {  	[sflag:s0] =	ssyncadd.s32 $0xFFFFF000  }
0x55: {  	[spmem:s20] =	stream.linear.scatter [tilespmem:s1], [sflag:$0x3], $0x1000, $0x38;
	[tilespmem:$0x1F800] =	vst v63  }
0x56: {  	_ =	swait.ge [sflag:s0], $0x1000  }
0x57: {  	[sflag:s0] =	ssyncset.done $0x0  }
0x58: {  	[sflag:s0] =	ssyncadd.s32 $0xFFFFF000  }
0x59: {  	[spmem:s21] =	stream.linear.scatter [tilespmem:s1], [sflag:$0x3], $0x1000, $0x38;
	[tilespmem:$0x1F800] =	vst v63  }
0x5a: {  	_ =	swait.ge [sflag:s0], $0x1000  }
0x5b: {  	[sflag:s0] =	ssyncset.done $0x0  }
0x5c: {  	[sflag:s0] =	ssyncadd.s32 $0xFFFFF000  }
0x5d: {  	[spmem:s22] =	stream.linear.scatter [tilespmem:s1], [sflag:$0x3], $0x1000, $0x38;
	[tilespmem:$0x1F800] =	vst v63  }
0x5e: {  	_ =	swait.ge [sflag:s0], $0x1000  }
0x5f: {  	[sflag:s0] =	ssyncset.done $0x0  }
0x60: {  	[sflag:s0] =	ssyncadd.s32 $0xFFFFF000  }
0x61: {  	[spmem:s23] =	stream.linear.scatter [tilespmem:s1], [sflag:$0x3], $0x1000, $0x38;
	[tilespmem:$0x1F800] =	vst v63  }
0x62: {  	_ =	swait.ge [sflag:s0], $0x1000  }
0x63: {  	[sflag:s0] =	ssyncset.done $0x0  }
0x64: {  	[sflag:s0] =	ssyncadd.s32 $0xFFFFF000  }
0x65: {  	[spmem:s25] =	stream.linear.scatter [tilespmem:s1], [sflag:$0x3], $0x1000, $0x38;
	[tilespmem:$0x1F800] =	vst v63  }
0x66: {  	_ =	swait.ge [sflag:s0], $0x1000  }
0x67: {  	[sflag:s0] =	ssyncset.done $0x0  }
0x68: {  	[sflag:s0] =	ssyncadd.s32 $0xFFFFF000  }
0x69: {  	[spmem:s26] =	stream.linear.scatter [tilespmem:s1], [sflag:$0x3], $0x1000, $0x38;
	[tilespmem:$0x1F800] =	vst v63  }
0x6a: {  	_ =	swait.ge [sflag:s0], $0x1000  }
0x6b: {  	[sflag:s0] =	ssyncset.done $0x0  }
0x6c: {  	[sflag:s0] =	ssyncadd.s32 $0xFFFFF000  }
0x6d: {  	[spmem:s28] =	stream.linear.scatter [tilespmem:s1], [sflag:$0x3], $0x1000, $0x38;
	[tilespmem:$0x1F800] =	vst v63  }
0x6e: {  	_ =	swait.ge [sflag:s0], $0x1000  }
0x6f: {  	[sflag:s0] =	ssyncset.done $0x0  }
0x70: {  	[sflag:s0] =	ssyncadd.s32 $0xFFFFF000  }
0x71: {  	[spmem:s29] =	stream.linear.scatter [tilespmem:s1], [sflag:$0x3], $0x1000, $0x38;
	[tilespmem:$0x1F800] =	vst v63  }
0x72: {  	_ =	swait.ge [sflag:s0], $0x1000  }
0x73: {  	[sflag:s0] =	ssyncset.done $0x0  }
0x74: {  	[sflag:s0] =	ssyncadd.s32 $0xFFFFF000  }
0x75: {  	[spmem:s30] =	stream.linear.scatter [tilespmem:s1], [sflag:$0x3], $0x1000, $0x38;
	[tilespmem:$0x1F800] =	vst v63  }
0x76: {  	_ =	swait.ge [sflag:s0], $0x1000  }
0x77: {  	[sflag:s0] =	ssyncset.done $0x0  }
0x78: {  	[sflag:s0] =	ssyncadd.s32 $0xFFFFF000  }
0x79: {  	[spmem:s31] =	stream.linear.scatter [tilespmem:s1], [sflag:$0x3], $0x1000, $0x38;
	[tilespmem:$0x1F800] =	vst v63  }
0x7a: {  	_ =	swait.ge [sflag:s0], $0x1000  }
0x7b: {  	[sflag:s0] =	ssyncset.done $0x0  }
0x7c: {  	s16 =	rddreg [dreg:$0x3];
	[sflag:s0] =	ssyncadd.s32 $0xFFFFF000  }
0x7d: {  	[tilespmem:s3], [sflag:$0x3] =	stream.linear.gather [hbm4b:s16+s3], $0x1400, $0x38;
	[tilespmem:$0x1F800] =	vst v63  }
0x7e: {  	_ =	swait.ge [sflag:s0], $0x1400  }
0x7f: {  	[sflag:s0] =	ssyncset.done $0x0  }
0x80: {  	s13 =	simm.s32 $0x1400;
	s14 =	rddreg [dreg:$0x4];
	[sflag:s0] =	ssyncadd.s32 $0xFFFFEC00  }
0x81: {  	[tilespmem:s13], [sflag:$0x3] =	stream.linear.gather [hbm4b:s14+s3], $0x1400, $0x38;
	[tilespmem:$0x1F800] =	vst v63  }
0x82: {  	_ =	swait.ge [sflag:s0], $0x1400  }
0x83: {  	[sflag:s0] =	ssyncset.done $0x0  }
0x84: {  	[sflag:s0] =	ssyncadd.s32 $0xFFFFEC00  }
0x85: {  	s17 =	simm.s32 $0x80;
	[bflag:$0x0] =	sbarrier.arrive $0xFFFF  }
0x86: {  	[tilespmem:s6], [sflag:$0x1] =	stream.indirect.gather [hbm4b:s4+s17], $0x80, s3, s17, $0xb8;
	[tilespmem:$0x1F800] =	vst v63  }
0x87: {  	_ = 	snop  }
0x88: {  	[tilespmem:s9], [sflag:$0x2] =	stream.indirect.gather [hbm4b:s4+s7], $0x80, s17, s7, $0xb8;
	[tilespmem:$0x1F800] =	vst v63  }
0x89: {  	_ =	swait.ge [sflag:s10], $0x4000  }
0x8a: {  	[sflag:s10] =	ssyncset.done $0x0  }
0x8b: {  	[sflag:s10] =	ssyncadd.s32 $0xFFFFC000  }
0x8c: {  	[spmem:s2] =	stream.indirect.scatter.add.f32 [tilespmem:s6], [sflag:$0x3], $0x80, s13, s7, $0xb8;
	[tilespmem:$0x1F800] =	vst v63  }
0x8d: {  	p0 =	sle.s32 s8, $0x2;
	_ =	swait.ge [sflag:s0], $0x4000  }
0x8e: {  	s15 =	simm.s32 @!p0 $0x80;
	[sflag:s0] =	ssyncset.done $0x0  }
0x8f: {  	s16 =	simm.s32 @!p0 $0x2800;
	s14 =	simm.s32 @!p0 $0x100;
	[sflag:s0] =	ssyncadd.s32 $0xFFFFC000  }
0x90: {  	[tilespmem:s16], [sflag:$0x1] =	stream.indirect.gather @!p0 [hbm4b:s4+s15], $0x80, s14, s15, $0xb8;
	[tilespmem:$0x1F800] =	vst v63  }
0x91: {  	_ =	swait.ge [sflag:s11], $0x4000  }
0x92: {  	s18 =	rddreg [dreg:$0x5]  }
0x93: {  	s14 =	sadd.s32 $0xFFFFFFFF, s18  }
0x94: {  	p0 =	sne.s32 s14, $0x0  }
.Ltmp1:
0x95: {  	_ = 	snop;
	(pc) =	sbr.rel @!p0 .LBB2_5-.Ltmp1, $4  }
0x96: {  	[sflag:s11] =	ssyncset.done $0x0  }
0x97: {  	s19 =	simm.s32 $0x1480;
	[sflag:s11] =	ssyncadd.s32 $0xFFFFC000  }
0x98: {  	[spmem:s2] =	stream.indirect.scatter.add.f32 [tilespmem:s9], [sflag:$0x3], $0x80, s19, s7, $0xb8;
	[tilespmem:$0x1F800] =	vst v63  }
0x99: {  	s15 =	simm.s32 $0x180;
	s16 =	simm.s32 $0x4;
	_ =	swait.ge [sflag:s0], $0x4000  }
.LBB2_4:
0x9a: {  	s14 =	sadd.s32 $0xFFFFFFFF, s14;
	[sflag:s0] =	ssyncset.done $0x0;
	s13 =	sadd.s32 $0x100, s13  }
0x9b: {  	p0 =	sne.s32 s14, $0x0;
	[sflag:s0] =	ssyncadd.s32 $0xFFFFC000  }
0x9c: {  	[tilespmem:s9], [sflag:$0x2] =	stream.indirect.gather [hbm4b:s4+s7], $0x80, s15, s7, $0xb8;
	[tilespmem:$0x1F800] =	vst v63  }
0x9d: {  	_ =	swait.ge [sflag:s10], $0x4000  }
0x9e: {  	[sflag:s10] =	ssyncset.done $0x0  }
0x9f: {  	[sflag:s10] =	ssyncadd.s32 $0xFFFFC000  }
0xa0: {  	[spmem:s2] =	stream.indirect.scatter.add.f32 [tilespmem:s6], [sflag:$0x3], $0x80, s13, s7, $0xb8;
	[tilespmem:$0x1F800] =	vst v63  }
0xa1: {  	p1 =	sge.s32 s16, s8;
	_ =	swait.ge [sflag:s0], $0x4000  }
0xa2: {  	s17 =	sadd.s32 @!p1 $0x80, s15;
	s18 =	simm.s32 @!p1 $0x80;
	[sflag:s0] =	ssyncset.done $0x0  }
0xa3: {  	s19 =	simm.s32 @!p1 $0x2800;
	[sflag:s0] =	ssyncadd.s32 $0xFFFFC000  }
0xa4: {  	[tilespmem:s19], [sflag:$0x1] =	stream.indirect.gather @!p1 [hbm4b:s4+s18], $0x80, s17, s18, $0xb8;
	[tilespmem:$0x1F800] =	vst v63  }
.Ltmp2:
0xa5: {  	_ =	swait.ge [sflag:s11], $0x4000;
	(pc) =	sbr.rel @p0 .LBB2_4-.Ltmp2, $4  }
0xa6: {  	s17 =	sadd.s32 $0x80, s13;
	[sflag:s11] =	ssyncset.done $0x0  }
0xa7: {  	[sflag:s11] =	ssyncadd.s32 $0xFFFFC000  }
0xa8: {  	[spmem:s2] =	stream.indirect.scatter.add.f32 [tilespmem:s9], [sflag:$0x3], $0x80, s17, s7, $0xb8;
	[tilespmem:$0x1F800] =	vst v63  }
0xa9: {  	s16 =	sadd.s32 $0x2, s16;
	s15 =	sadd.s32 $0x100, s15;
	_ =	swait.ge [sflag:s0], $0x4000  }
.LBB2_5:
0xaa: {  	[sflag:s0] =	ssyncset.done $0x0;
	s13 =	stileid.u32  }
0xab: {  	[sflag:s0] =	ssyncadd.s32 $0xFFFFC000;
	s13 =	sshll.u32 s13, $0x6  }
0xac: {  	s14 =	sshrl.u32 s5, $0x3;
	[bflag:$0x0] =	sbarrier.arrive $0xFFFF;
	s13 =	sor.u32 $0x1C03, s13  }
0xad: {  	[hbm:s24], [sflag:s13] =	dma.local [spmem:s14], $0x2800  }
0xae: {  	_ =	swait.ge [sflag:s0], $0x2800  }
0xaf: {  	s12 =	sadd.s32 $0x1, s12;
	s19 =	rddreg [dreg:$0x6]  }
0xb0: {  	p0 =	sne.s32 s12, s19  }
.Ltmp3:
0xb1: {  	_ = 	snop;
	(pc) =	sbr.rel @p0 .LBB2_1-.Ltmp3, $3  }
0xb2: {  	_ =	sdelay $0x1  }
0xb3: {  	[sflag:s0] =	ssyncset.done $0x0  }
0xb4: {  	[sflag:s0] =	ssyncadd.s32 $0xFFFFD800  }
0xb5: {  	_ =	sfence.sel $0x180000  }
0xb6: {  	[bflag:$0x0] =	sbarrier.arrive $0xFFFF  }
0xb7: {  	_ =	strace $0x9000004A  }
0xb8: {  	s0 =	stileid.u32;
	[bflag:$0x2] =	sbarrier.arrive $0xFFFF  }
0xb9: {  	p0 =	sne.s32 s0, $0x0;
	s0 =	rddreg [dreg:$0x2]  }
0xba: {  	s0 =	sadd.s32 @!p0 $0x100000, s0  }
0xbb: {  	[sflag:s0] =	ssyncadd.tile.s32 @!p0 $0x1;
	_ =	shalt  }
.Lfunc_end2:
_tile_overlayer_lowered:
.L_overlay_start_2:
0xbc: {  	(tag) =	ssettag $0x2  }
0xbd: {  	s0 =	rddreg [dreg:$0x0];
	s2 =	stileid.u32  }
0xbe: {  	s1 =	rddreg [dreg:$0x1];
	p0 =	sne.s32 s2, $0x0  }
0xbf: {  	s3 =	rddreg [dreg:$0x2];
	[bflag:$0x3] =	sbarrier.arrive $0xFFFF;
	s2 =	simm.s32 @!p0 $0x1C03  }
0xc0: {  	[timem:s3], [sflag:s2] =	dma.local @!p0 [hbm:s0], s1  }
0xc1: {  	s0 =	simm.s32 @!p0 $0x3  }
0xc2: {  	_ =	swait.ge @!p0 [sflag:s0], s1  }
0xc3: {  	s1 =	ssub.s32 @!p0 $0x0, s1;
	[sflag:s0] =	ssyncset.done @!p0 $0x0  }
0xc4: {  	[sflag:s0] =	ssyncadd.s32 @!p0 s1  }
0xc5: {  	[bflag:$0x3] =	sbarrier.arrive $0xFFFF  }
0xc6: {  	_ =	shalt  }

// kernel: kernel.17.cloned.1.call-start
scs
__scs_entry_jumppad:
0x0: {  	(pc) =	sbr.rel $0x88, $3  }
0x1: {  	(tag) =	ssettag $0x0;
	lr =	simm.s32 $0x1  }
0x2: {  	[smem:$0x3F7E] =	sst lr;
	_ =	strace $0xD0000000  }
0x3: {  	_ = 	snop  }
0x4: {  	_ = 	snop  }
0x5: {  	_ = 	snop  }
0x6: {  	_ = 	snop  }
0x7: {  	_ = 	snop  }
__scs_overlays_trampoline_lowered:
0x8: {  	[smem:$0x3F8D] =	sst s0  }
0x9: {  	[smem:$0x3F8E] =	sst s1  }
0xa: {  	[smem:$0x3F8F] =	sst s2  }
0xb: {  	[smem:$0x3F90] =	sst s3  }
0xc: {  	[smem:$0x3F91] =	sst s4  }
0xd: {  	[smem:$0x3F92] =	sst s5  }
0xe: {  	[smem:$0x3F93] =	sst s6  }
0xf: {  	[smem:$0x3F94] =	sst s7  }
0x10: {  	[smem:$0x3F95] =	sst s8  }
0x11: {  	[smem:$0x3F96] =	sst s9;
	s0 =	simm.s32 @!p0 $0x0  }
0x12: {  	s1 =	sld [smem:$0x3F7C];
	s0 =	simm.s32 @p0 $0x1  }
0x13: {  	[smem:$0x3F97] =	sst s0;
	s0 =	simm.s32 @!p1 $0x0  }
0x14: {  	s2 =	sld [smem:$0x3F7B];
	s0 =	simm.s32 @p1 $0x1  }
0x15: {  	[smem:$0x3F98] =	sst s0;
	s0 =	simm.s32 @!p2 $0x0  }
0x16: {  	s3 =	sld [smem:$0x3FDB];
	s0 =	simm.s32 @p2 $0x1  }
0x17: {  	s4 =	simm.s32 $0x1BF5;
	[smem:$0x3F9A] =	sst s0  }
0x18: {  	s0 =	sld [smem:$0x3F7D];
	_ =	swait.ge [sflag:s4], $0x0  }
0x19: {  	s7 =	sld [smem:$0x3F7E]  }
0x1a: {  	s8 =	sadd.s32 $0xFFFFE003, lr  }
0x1b: {  	s9 =	sadd.s32 $0xFFFFFEF7, lr;
	s5 =	simm.s32 $0xFFFFFFFF;
	p2 =	slt.u32 s8, $0xFFFFF086  }
0x1c: {  	p1 =	slt.u32 s9, $0xF7A;
	s5 =	simm.s32 @!p2 $0x0  }
0x1d: {  	s5 =	simm.s32 @p1 $0x1;
	p0 =	seq.s32 s7, s2  }
0x1e: {  	s7 =	smul.u32 @!p0 $0xF7A, s2;
	p2 =	seq.s32 @!p0 s5, $0x0  }
0x1f: {  	s9 =	smul.u32 $0xF7A, s1;
	s8 =	simm.s32 @!p0 $0x1BF5;
	p2 =	por !p2, p0  }
0x20: {  	[sflag:s8] =	ssyncset.s32 @!p0 $0xFFFFF086;
	s6 =	sadd.s32 @!p0 s3, s7;
	s7 =	simm.s32 @!p0 $0x108  }
0x21: {  	s3 =	sadd.s32 s3, s9;
	s6 =	sadd.s32 @!p0 $0x88, s6;
	s7 =	simm.s32 @p2 $0x1082  }
0x22: {  	[simem:s7], [sflag:s8] =	dma.local @!p0 [hbm:s6], $0xF7A  }
0x23: {  	s9 =	sor.u32 $0xD0000000, s2;
	s6 =	simm.s32 $0x108;
	_ =	swait.ge @!p0 [sflag:s8], $0x0  }
0x24: {  	s3 =	sadd.s32 $0x88, s3;
	s6 =	simm.s32 @!p1 $0x1082;
	[sflag:s4] =	ssyncset.s32 $0xFFFFF086  }
0x25: {  	[simem:s6], [sflag:s4] =	dma.local [hbm:s3], $0xF7A  }
0x26: {  	[smem:$0x3F7E] =	sst s1;
	(tag) =	ssettag s2;
	_ =	strace s9  }
0x27: {  	s1 =	sld [smem:$0x3F8E]  }
0x28: {  	s2 =	sld [smem:$0x3F8F]  }
0x29: {  	s4 =	sld [smem:$0x3F91]  }
0x2a: {  	p0 =	seq.s32 s5, $0x0;
	s5 =	sld [smem:$0x3F92]  }
0x2b: {  	s6 =	sld [smem:$0x3F93]  }
0x2c: {  	s7 =	sld [smem:$0x3F94]  }
0x2d: {  	s3 =	simm.s32 $0x108;
	s8 =	sld [smem:$0x3F95]  }
0x2e: {  	s3 =	simm.s32 @!p0 $0x1082;
	s9 =	sld [smem:$0x3F96]  }
0x2f: {  	lr =	sadd.s32 s0, s3;
	s0 =	sld [smem:$0x3F8D]  }
0x30: {  	s3 =	sld [smem:$0x3F90]  }
0x31: {  	[smem:$0x3F99] =	sst s10  }
0x32: {  	s10 =	sld [smem:$0x3F97];
	_ =	sdelay $0x3  }
0x33: {  	p0 =	seq.s32 s10, $0x1;
	s10 =	sld [smem:$0x3F99];
	_ =	sdelay $0x3  }
0x34: {  	[smem:$0x3F99] =	sst s10  }
0x35: {  	s10 =	sld [smem:$0x3F98];
	_ =	sdelay $0x3  }
0x36: {  	p1 =	seq.s32 s10, $0x1;
	s10 =	sld [smem:$0x3F99];
	_ =	sdelay $0x3  }
0x37: {  	[smem:$0x3F99] =	sst s10  }
0x38: {  	s10 =	sld [smem:$0x3F9A]  }
0x39: {  	_ = 	snop;
	(pc) =	sbr.ind lr, $3  }
0x3a: {  	_ = 	snop  }
0x3b: {  	_ = 	snop  }
0x3c: {  	p2 =	seq.s32 s10, $0x1;
	s10 =	sld [smem:$0x3F99]  }
0x3d: {  	_ =	shalt  }
0x3e: {  	_ =	shalt  }
0x3f: {  	_ =	shalt  }
0x40: {  	_ =	shalt  }
0x41: {  	_ =	shalt  }
0x42: {  	_ =	shalt  }
0x43: {  	_ =	shalt  }
0x44: {  	_ =	shalt  }
0x45: {  	_ =	shalt  }
0x46: {  	_ =	shalt  }
0x47: {  	_ =	shalt  }
0x48: {  	_ =	shalt  }
0x49: {  	_ =	shalt  }
0x4a: {  	_ =	shalt  }
0x4b: {  	_ =	shalt  }
0x4c: {  	_ =	shalt  }
0x4d: {  	_ =	shalt  }
0x4e: {  	_ =	shalt  }
0x4f: {  	_ =	shalt  }
0x50: {  	_ =	shalt  }
0x51: {  	_ =	shalt  }
0x52: {  	_ =	shalt  }
0x53: {  	_ =	shalt  }
0x54: {  	_ =	shalt  }
0x55: {  	_ =	shalt  }
0x56: {  	_ =	shalt  }
0x57: {  	_ =	shalt  }
0x58: {  	_ =	shalt  }
0x59: {  	_ =	shalt  }
0x5a: {  	_ =	shalt  }
0x5b: {  	_ =	shalt  }
0x5c: {  	_ =	shalt  }
0x5d: {  	_ =	shalt  }
0x5e: {  	_ =	shalt  }
0x5f: {  	_ =	shalt  }
0x60: {  	_ =	shalt  }
0x61: {  	_ =	shalt  }
0x62: {  	_ =	shalt  }
0x63: {  	_ =	shalt  }
0x64: {  	_ =	shalt  }
0x65: {  	_ =	shalt  }
0x66: {  	_ =	shalt  }
0x67: {  	_ =	shalt  }
0x68: {  	_ =	shalt  }
0x69: {  	_ =	shalt  }
0x6a: {  	_ =	shalt  }
0x6b: {  	_ =	shalt  }
0x6c: {  	_ =	shalt  }
0x6d: {  	_ =	shalt  }
0x6e: {  	_ =	shalt  }
0x6f: {  	_ =	shalt  }
0x70: {  	_ =	shalt  }
0x71: {  	_ =	shalt  }
0x72: {  	_ =	shalt  }
0x73: {  	_ =	shalt  }
0x74: {  	_ =	shalt  }
0x75: {  	_ =	shalt  }
0x76: {  	_ =	shalt  }
0x77: {  	_ =	shalt  }
0x78: {  	_ =	shalt  }
0x79: {  	_ =	shalt  }
0x7a: {  	_ =	shalt  }
0x7b: {  	_ =	shalt  }
0x7c: {  	_ =	shalt  }
0x7d: {  	_ =	shalt  }
0x7e: {  	_ =	shalt  }
0x7f: {  	_ =	shalt  }
0x80: {  	_ =	shalt  }
0x81: {  	_ =	shalt  }
0x82: {  	_ =	shalt  }
0x83: {  	_ =	shalt  }
0x84: {  	_ =	shalt  }
0x85: {  	_ =	shalt  }
0x86: {  	_ =	shalt  }
0x87: {  	_ =	shalt  }
.Lfunc_end0:
.L_simem_size_0:
called_computation.2_lowered:
.L_overlay_start_0:
0x88: {  	s2 =	sld [smem:$0x3FD9]  }
0x89: {  	s3 =	sld [smem:$0x3FFE];
	_ =	sdelay $0x1  }
0x8a: {  	s1 =	srdreg.scid  }
0x8b: {  	s0 =	sand.u32 $0x1, s1  }
0x8c: {  	s16 =	sshll.u32 s0, $0xA;
	s2 =	sadd.s32 s3, s2  }
0x8d: {  	s2 =	sadd.s32 s2, s16  }
0x8e: {  	[smem:$0x3FA5] =	sst s2  }
0x8f: {  	_ = 	snop  }
0x90: {  	(tm) =	ssettm $0x1  }
0x91: {  	s17 =	sld [smem:$0x3FFB];
	_ =	sdelay $0x3  }
0x92: {  	_ =	strace s17  }
0x93: {  	s2 =	sld [smem:$0x3FFC];
	_ =	sdelay $0x3  }
0x94: {  	_ =	strace s2  }
0x95: {  	s2 =	sld [smem:$0x3FFD];
	_ =	sdelay $0x3  }
0x96: {  	_ =	strace s2  }
0x97: {  	_ =	strace $0x8FFFFFFF  }
0x98: {  	s18 =	sld [smem:$0x3FDB];
	_ =	sdelay $0x1  }
0x99: {  	s19 =	simm.s32 $_scs_section_size  }
0x9a: {  	s4 =	simm.s32 $_size__tile_overlayer_lowered;
	s5 =	simm.s32 $_tile_overlayer_lowered  }
0x9b: {  	s22 =	simm.s32 $0x1BFF;
	s21 =	sshll.u32 s5, $0x1;
	s2 =	sadd.s32 s19, s18  }
0x9c: {  	s6 =	simm.s32 $0x0;
	s20 =	sshll.u32 s4, $0x1;
	s4 =	sadd.s32 s21, s2  }
0x9d: {  	[timem:s6], [sflag:s22] =	dma.local [hbm:s4], s20  }
0x9e: {  	_ =	swait.ge [sflag:s22], s20  }
0x9f: {  	s3 =	ssub.s32 $0x0, s20;
	[sflag:s22] =	ssyncset.done $0x0  }
0xa0: {  	[sflag:s22] =	ssyncadd.s32 s3;
	_ =	sdelay $0x1  }
0xa1: {  	s23 =	simm.s32 $0x1B8B  }
0xa2: {  	_ =	swait.ge [sflag:s23], $0x1  }
0xa3: {  	[sflag:s23] =	ssyncset.done $0x0  }
0xa4: {  	s25 =	simm.s32 $0x1B8E;
	s24 =	sld [smem:$0x3FFE];
	[sflag:s23] =	ssyncadd.s32 $0xFFFFFFFF  }
0xa5: {  	s26 =	simm.s32 $execute0_lowered;
	[smem:$0x3FD2] =	sst s25  }
0xa6: {  	s4 =	sshll.u32 s26, $0x1;
	_ =	strace $0x8000004C;
	[dreg:$0x1] =	wrdreg $0xFFFFFFFF  }
0xa7: {  	s28 =	simm.s32 $_size_execute0_lowered;
	s2 =	sadd.s32 s2, s4;
	[dreg:$0x0] =	wrdreg $0x0  }
0xa8: {  	s4 =	sshll.u32 s28, $0x1;
	[dreg:$0x2] =	wrdreg s2  }
0xa9: {  	[dreg:$0x3] =	wrdreg s4  }
0xaa: {  	[dreg:$0x4] =	wrdreg $0xC0  }
0xab: {  	_ =	task [dreg:s6], $0x5FFFF  }
0xac: {  	[dreg:$0x1] =	wrdreg $0xFFFFFFFF  }
0xad: {  	[dreg:$0x0] =	wrdreg $0x60  }
0xae: {  	[dreg:$0x2] =	wrdreg s24  }
0xaf: {  	[dreg:$0x3] =	wrdreg $0xB8000  }
0xb0: {  	[dreg:$0x4] =	wrdreg $0x9  }
0xb1: {  	_ =	task.clear_ibuf [dreg:s6], $0x5FFFF;
	_ =	strace $0x9000004C  }
0xb2: {  	s29 =	simm.s32 $0x9;
	_ =	strace $0x8000004E  }
0xb3: {  	_ =	swait.ge [sflag:s29], $0x1  }
0xb4: {  	[sflag:s29] =	ssyncadd.s32 $0xFFFFFFFF  }
0xb5: {  	_ =	strace $0x9000004E  }
0xb6: {  	_ =	sfence  }
0xb7: {  	s30 =	sld [smem:$0x0];
	_ =	sdelay $0x2  }
0xb8: {  	s31 =	sshll.u32 s1, $0xD;
	s1 =	sshrl.u32 s1, $0x2  }
0xb9: {  	s3 =	sand.u32 $0x4000, s31;
	s1 =	sadd.s32 s1, s30  }
0xba: {  	s0 =	sor.u32 s3, s0;
	s1 =	sshll.u32 s1, $0x11  }
0xbb: {  	s0 =	sor.u32 s1, s0  }
0xbc: {  	s0 =	sadd.s32 $0x8F2B, s0  }
0xbd: {  	[sflag:s0] =	ssyncadd.remote.s32 $0x1  }
0xbe: {  	_ =	sfence.sel $0xFFFF  }
0xbf: {  	[dreg:$0x0] =	wrdreg $0xFFFFFFFF;
	(pc) =	sbr.abs _section_cstart, $3  }
0xc0: {  	[dreg:$0x1] =	wrdreg $0xFFFFFFFF  }
0xc1: {  	_ =	task.clear_ibuf [dreg:s6], $0x2FFFF;
	_ =	strace $0x9FFFFFFF  }
0xc2: {  	(tm) =	ssettm $0x7FFFFFFF  }
0xc3: {  	_ =	shalt  }
tec
execute0_lowered:
.L_overlay_start_1:
0x0: {  	(tag) =	ssettag $0x1  }
0x1: {  	s0 =	srdreg.scid;
	s12 =	stileid.u32  }
0x2: {  	s5 =	rddreg [dreg:$0x0];
	s8 =	smul.u32 $0x50000, s12  }
0x3: {  	s2 =	rddreg [dreg:$0x1];
	s11 =	smul.u32 $0xFFFFFFB0, s12  }
0x4: {  	s3 =	simm.s32 $0x0;
	s0 =	sand.u32 $0x1, s0;
	s16 =	smul.u32 $0x2800, s12  }
0x5: {  	s1 =	sshll.u32 s12, $0x1;
	[smem:$0x7FF] =	sst s3;
	s7 =	smul.u32 $0x28000, s0  }
0x6: {  	s1 =	sor.u32 s0, s1;
	s9 =	ssub.s32 $0x2, s0;
	s0 =	smul.u32 $0xFFFFFFD8, s0  }
0x7: {  	s4 =	sadd.s32 $0x3A000, s5;
	s12 =	simm.s32 $0x0;
	s6 =	smul.u32 $0x280, s1  }
0x8: {  	_ =	strace $0x8000004D;
	s1 =	smul.u32 $0xFFFFFFD8, s1;
	s10 =	sshrl.u32 s9, $0x1  }
0x9: {  	s13 =	sshrl.u32 s8, $0x2;
	s7 =	sadd.s32 s7, s5;
	s9 =	ssub.s32 s9, s10  }
0xa: {  	s0 =	sadd.s32 s0, s11;
	s10 =	simm.s32 $0x1;
	s11 =	simm.s32 $0x2  }
0xb: {  	s6 =	sadd.s32 s6, s5;
	s5 =	sadd.s32 s13, s2;
	s17 =	smax.u32 s9, $0x1  }
0xc: {  	p0 =	slt.s32 s1, $0xFFFFFB46;
	s14 =	sadd.s32 $0x8000, s6;
	[dreg:$0x6] =	wrdreg s17  }
0xd: {  	s15 =	sadd.s32 $0xB2000, s7;
	s6 =	sadd.s32 $0xD000, s6;
	[dreg:$0x3] =	wrdreg s14  }
0xe: {  	s7 =	simm.s32 $0x80;
	s18 =	sadd.s32 $0x1000, s5;
	[dreg:$0x4] =	wrdreg s6  }
0xf: {  	s9 =	simm.s32 $0x6800;
	s19 =	sadd.s32 $0x2000, s5;
	[dreg:$0x7] =	wrdreg s18  }
0x10: {  	s1 =	simm.s32 @!p0 $0xFFFFFB46;
	s20 =	sadd.s32 $0x3000, s5;
	[dreg:$0x8] =	wrdreg s19  }
0x11: {  	p0 =	slt.s32 s0, $0xFFFFFB46;
	s21 =	sadd.s32 $0x4000, s5;
	[dreg:$0x9] =	wrdreg s20  }
0x12: {  	s22 =	sadd.s32 $0x5000, s5;
	s23 =	sadd.s32 $0x6000, s5;
	[dreg:$0xa] =	wrdreg s21  }
0x13: {  	s24 =	sadd.s32 $0x7000, s5;
	s25 =	sadd.s32 $0x8000, s5;
	[dreg:$0xb] =	wrdreg s22  }
0x14: {  	s26 =	sadd.s32 $0x9000, s5;
	s28 =	sadd.s32 $0x10000, s5;
	[dreg:$0xc] =	wrdreg s23  }
0x15: {  	s29 =	sadd.s32 $0x11000, s5;
	s30 =	sadd.s32 $0x12000, s5;
	[dreg:$0xd] =	wrdreg s24  }
0x16: {  	s31 =	sadd.s32 $0x13000, s5;
	s8 =	sadd.s32 $0x4E2, s1;
	[dreg:$0xe] =	wrdreg s25  }
0x17: {  	s0 =	simm.s32 @!p0 $0xFFFFFB46;
	[dreg:$0xf] =	wrdreg s26;
	s20 =	sadd.s32 $0xA000, s5  }
0x18: {  	s21 =	sadd.s32 $0xB000, s5;
	s22 =	sadd.s32 $0xC000, s5;
	s23 =	sadd.s32 $0xD000, s5  }
0x19: {  	s24 =	sadd.s32 s16, s15;
	s25 =	sadd.s32 $0xE000, s5;
	s0 =	sadd.s32 $0x4E2, s0  }
0x1a: {  	s26 =	sadd.s32 $0xF000, s5;
	s1 =	simm.s32 $0xA800;
	s0 =	sshrl.u32 s0, $0x1  }
0x1b: {  	v0 =	vimm.f32 $0.0e+00;
	s6 =	simm.s32 $0x2800;
	[dreg:$0x5] =	wrdreg s0;
	s0 =	simm.s32 $0x3  }
.LBB2_1:
0x1c: {  	s13 =	simm.s32 $0x0;
	s14 =	simm.s32 $0x200  }
.LBB2_2:
0x1d: {  	p0 =	sne.s32 s14, $0x3E00;
	[tilespmem:s13+$0xA870] =	vst v0  }
0x1e: {  	[tilespmem:s13+$0xA800] =	vst v0  }
0x1f: {  	[tilespmem:s13+$0xA810] =	vst v0  }
.Ltmp0:
0x20: {  	[tilespmem:s13+$0xA820] =	vst v0;
	(pc) =	sbr.rel @p0 .LBB2_2-.Ltmp0, $4  }
0x21: {  	[tilespmem:s13+$0xA830] =	vst v0  }
0x22: {  	[tilespmem:s13+$0xA840] =	vst v0  }
0x23: {  	[tilespmem:s13+$0xA850] =	vst v0  }
0x24: {  	[tilespmem:s13+$0xA860] =	vst v0;
	s13 =	sshra.s32 s14, $0x2;
	s14 =	sadd.s32 $0x200, s14  }
0x25: {  	[tilespmem:s13+$0xA870] =	vst v0  }
0x26: {  	[tilespmem:s13+$0xA800] =	vst v0  }
0x27: {  	[tilespmem:s13+$0xA810] =	vst v0  }
0x28: {  	[tilespmem:s13+$0xA820] =	vst v0  }
0x29: {  	[tilespmem:s13+$0xA830] =	vst v0  }
0x2a: {  	[tilespmem:s13+$0xA840] =	vst v0  }
0x2b: {  	[tilespmem:s13+$0xA850] =	vst v0  }
0x2c: {  	[tilespmem:s13+$0xA860] =	vst v0  }
0x2d: {  	[spmem:s5] =	stream.linear.scatter [tilespmem:s1], [sflag:$0x3], $0x1000, $0x38;
	[tilespmem:$0x1F800] =	vst v63  }
0x2e: {  	_ =	swait.ge [sflag:s0], $0x1000  }
0x2f: {  	[sflag:s0] =	ssyncset.done $0x0  }
0x30: {  	s19 =	rddreg [dreg:$0x7];
	[sflag:s0] =	ssyncadd.s32 $0xFFFFF000  }
0x31: {  	[spmem:s19] =	stream.linear.scatter [tilespmem:s1], [sflag:$0x3], $0x1000, $0x38;
	[tilespmem:$0x1F800] =	vst v63  }
0x32: {  	_ =	swait.ge [sflag:s0], $0x1000  }
0x33: {  	[sflag:s0] =	ssyncset.done $0x0  }
0x34: {  	s14 =	rddreg [dreg:$0x8];
	[sflag:s0] =	ssyncadd.s32 $0xFFFFF000  }
0x35: {  	[spmem:s14] =	stream.linear.scatter [tilespmem:s1], [sflag:$0x3], $0x1000, $0x38;
	[tilespmem:$0x1F800] =	vst v63  }
0x36: {  	_ =	swait.ge [sflag:s0], $0x1000  }
0x37: {  	[sflag:s0] =	ssyncset.done $0x0  }
0x38: {  	s15 =	rddreg [dreg:$0x9];
	[sflag:s0] =	ssyncadd.s32 $0xFFFFF000  }
0x39: {  	[spmem:s15] =	stream.linear.scatter [tilespmem:s1], [sflag:$0x3], $0x1000, $0x38;
	[tilespmem:$0x1F800] =	vst v63  }
0x3a: {  	_ =	swait.ge [sflag:s0], $0x1000  }
0x3b: {  	[sflag:s0] =	ssyncset.done $0x0  }
0x3c: {  	s16 =	rddreg [dreg:$0xa];
	[sflag:s0] =	ssyncadd.s32 $0xFFFFF000  }
0x3d: {  	[spmem:s16] =	stream.linear.scatter [tilespmem:s1], [sflag:$0x3], $0x1000, $0x38;
	[tilespmem:$0x1F800] =	vst v63  }
0x3e: {  	_ =	swait.ge [sflag:s0], $0x1000  }
0x3f: {  	[sflag:s0] =	ssyncset.done $0x0  }
0x40: {  	s17 =	rddreg [dreg:$0xb];
	[sflag:s0] =	ssyncadd.s32 $0xFFFFF000  }
0x41: {  	[spmem:s17] =	stream.linear.scatter [tilespmem:s1], [sflag:$0x3], $0x1000, $0x38;
	[tilespmem:$0x1F800] =	vst v63  }
0x42: {  	_ =	swait.ge [sflag:s0], $0x1000  }
0x43: {  	[sflag:s0] =	ssyncset.done $0x0  }
0x44: {  	s18 =	rddreg [dreg:$0xc];
	[sflag:s0] =	ssyncadd.s32 $0xFFFFF000  }
0x45: {  	[spmem:s18] =	stream.linear.scatter [tilespmem:s1], [sflag:$0x3], $0x1000, $0x38;
	[tilespmem:$0x1F800] =	vst v63  }
0x46: {  	_ =	swait.ge [sflag:s0], $0x1000  }
0x47: {  	[sflag:s0] =	ssyncset.done $0x0  }
0x48: {  	s19 =	rddreg [dreg:$0xd];
	[sflag:s0] =	ssyncadd.s32 $0xFFFFF000  }
0x49: {  	[spmem:s19] =	stream.linear.scatter [tilespmem:s1], [sflag:$0x3], $0x1000, $0x38;
	[tilespmem:$0x1F800] =	vst v63  }
0x4a: {  	_ =	swait.ge [sflag:s0], $0x1000  }
0x4b: {  	[sflag:s0] =	ssyncset.done $0x0  }
0x4c: {  	s14 =	rddreg [dreg:$0xe];
	[sflag:s0] =	ssyncadd.s32 $0xFFFFF000  }
0x4d: {  	[spmem:s14] =	stream.linear.scatter [tilespmem:s1], [sflag:$0x3], $0x1000, $0x38;
	[tilespmem:$0x1F800] =	vst v63  }
0x4e: {  	_ =	swait.ge [sflag:s0], $0x1000  }
0x4f: {  	[sflag:s0] =	ssyncset.done $0x0  }
0x50: {  	s15 =	rddreg [dreg:$0xf];
	[sflag:s0] =	ssyncadd.s32 $0xFFFFF000  }
0x51: {  	[spmem:s15] =	stream.linear.scatter [tilespmem:s1], [sflag:$0x3], $0x1000, $0x38;
	[tilespmem:$0x1F800] =	vst v63  }
0x52: {  	_ =	swait.ge [sflag:s0], $0x1000  }
0x53: {  	[sflag:s0] =	ssyncset.done $0x0  }
0x54: {  	[sflag:s0] =	ssyncadd.s32 $0xFFFFF000  }
0x55: {  	[spmem:s20] =	stream.linear.scatter [tilespmem:s1], [sflag:$0x3], $0x1000, $0x38;
	[tilespmem:$0x1F800] =	vst v63  }
0x56: {  	_ =	swait.ge [sflag:s0], $0x1000  }
0x57: {  	[sflag:s0] =	ssyncset.done $0x0  }
0x58: {  	[sflag:s0] =	ssyncadd.s32 $0xFFFFF000  }
0x59: {  	[spmem:s21] =	stream.linear.scatter [tilespmem:s1], [sflag:$0x3], $0x1000, $0x38;
	[tilespmem:$0x1F800] =	vst v63  }
0x5a: {  	_ =	swait.ge [sflag:s0], $0x1000  }
0x5b: {  	[sflag:s0] =	ssyncset.done $0x0  }
0x5c: {  	[sflag:s0] =	ssyncadd.s32 $0xFFFFF000  }
0x5d: {  	[spmem:s22] =	stream.linear.scatter [tilespmem:s1], [sflag:$0x3], $0x1000, $0x38;
	[tilespmem:$0x1F800] =	vst v63  }
0x5e: {  	_ =	swait.ge [sflag:s0], $0x1000  }
0x5f: {  	[sflag:s0] =	ssyncset.done $0x0  }
0x60: {  	[sflag:s0] =	ssyncadd.s32 $0xFFFFF000  }
0x61: {  	[spmem:s23] =	stream.linear.scatter [tilespmem:s1], [sflag:$0x3], $0x1000, $0x38;
	[tilespmem:$0x1F800] =	vst v63  }
0x62: {  	_ =	swait.ge [sflag:s0], $0x1000  }
0x63: {  	[sflag:s0] =	ssyncset.done $0x0  }
0x64: {  	[sflag:s0] =	ssyncadd.s32 $0xFFFFF000  }
0x65: {  	[spmem:s25] =	stream.linear.scatter [tilespmem:s1], [sflag:$0x3], $0x1000, $0x38;
	[tilespmem:$0x1F800] =	vst v63  }
0x66: {  	_ =	swait.ge [sflag:s0], $0x1000  }
0x67: {  	[sflag:s0] =	ssyncset.done $0x0  }
0x68: {  	[sflag:s0] =	ssyncadd.s32 $0xFFFFF000  }
0x69: {  	[spmem:s26] =	stream.linear.scatter [tilespmem:s1], [sflag:$0x3], $0x1000, $0x38;
	[tilespmem:$0x1F800] =	vst v63  }
0x6a: {  	_ =	swait.ge [sflag:s0], $0x1000  }
0x6b: {  	[sflag:s0] =	ssyncset.done $0x0  }
0x6c: {  	[sflag:s0] =	ssyncadd.s32 $0xFFFFF000  }
0x6d: {  	[spmem:s28] =	stream.linear.scatter [tilespmem:s1], [sflag:$0x3], $0x1000, $0x38;
	[tilespmem:$0x1F800] =	vst v63  }
0x6e: {  	_ =	swait.ge [sflag:s0], $0x1000  }
0x6f: {  	[sflag:s0] =	ssyncset.done $0x0  }
0x70: {  	[sflag:s0] =	ssyncadd.s32 $0xFFFFF000  }
0x71: {  	[spmem:s29] =	stream.linear.scatter [tilespmem:s1], [sflag:$0x3], $0x1000, $0x38;
	[tilespmem:$0x1F800] =	vst v63  }
0x72: {  	_ =	swait.ge [sflag:s0], $0x1000  }
0x73: {  	[sflag:s0] =	ssyncset.done $0x0  }
0x74: {  	[sflag:s0] =	ssyncadd.s32 $0xFFFFF000  }
0x75: {  	[spmem:s30] =	stream.linear.scatter [tilespmem:s1], [sflag:$0x3], $0x1000, $0x38;
	[tilespmem:$0x1F800] =	vst v63  }
0x76: {  	_ =	swait.ge [sflag:s0], $0x1000  }
0x77: {  	[sflag:s0] =	ssyncset.done $0x0  }
0x78: {  	[sflag:s0] =	ssyncadd.s32 $0xFFFFF000  }
0x79: {  	[spmem:s31] =	stream.linear.scatter [tilespmem:s1], [sflag:$0x3], $0x1000, $0x38;
	[tilespmem:$0x1F800] =	vst v63  }
0x7a: {  	_ =	swait.ge [sflag:s0], $0x1000  }
0x7b: {  	[sflag:s0] =	ssyncset.done $0x0  }
0x7c: {  	s16 =	rddreg [dreg:$0x3];
	[sflag:s0] =	ssyncadd.s32 $0xFFFFF000  }
0x7d: {  	[tilespmem:s3], [sflag:$0x3] =	stream.linear.gather [hbm4b:s16+s3], $0x1400, $0x38;
	[tilespmem:$0x1F800] =	vst v63  }
0x7e: {  	_ =	swait.ge [sflag:s0], $0x1400  }
0x7f: {  	[sflag:s0] =	ssyncset.done $0x0  }
0x80: {  	s13 =	simm.s32 $0x1400;
	s14 =	rddreg [dreg:$0x4];
	[sflag:s0] =	ssyncadd.s32 $0xFFFFEC00  }
0x81: {  	[tilespmem:s13], [sflag:$0x3] =	stream.linear.gather [hbm4b:s14+s3], $0x1400, $0x38;
	[tilespmem:$0x1F800] =	vst v63  }
0x82: {  	_ =	swait.ge [sflag:s0], $0x1400  }
0x83: {  	[sflag:s0] =	ssyncset.done $0x0  }
0x84: {  	[sflag:s0] =	ssyncadd.s32 $0xFFFFEC00  }
0x85: {  	s17 =	simm.s32 $0x80;
	[bflag:$0x0] =	sbarrier.arrive $0xFFFF  }
0x86: {  	[tilespmem:s6], [sflag:$0x1] =	stream.indirect.gather [hbm4b:s4+s17], $0x80, s3, s17, $0xb8;
	[tilespmem:$0x1F800] =	vst v63  }
0x87: {  	_ = 	snop  }
0x88: {  	[tilespmem:s9], [sflag:$0x2] =	stream.indirect.gather [hbm4b:s4+s7], $0x80, s17, s7, $0xb8;
	[tilespmem:$0x1F800] =	vst v63  }
0x89: {  	_ =	swait.ge [sflag:s10], $0x4000  }
0x8a: {  	[sflag:s10] =	ssyncset.done $0x0  }
0x8b: {  	[sflag:s10] =	ssyncadd.s32 $0xFFFFC000  }
0x8c: {  	[spmem:s2] =	stream.indirect.scatter.add.f32 [tilespmem:s6], [sflag:$0x3], $0x80, s13, s7, $0xb8;
	[tilespmem:$0x1F800] =	vst v63  }
0x8d: {  	p0 =	sle.s32 s8, $0x2;
	_ =	swait.ge [sflag:s0], $0x4000  }
0x8e: {  	s15 =	simm.s32 @!p0 $0x80;
	[sflag:s0] =	ssyncset.done $0x0  }
0x8f: {  	s16 =	simm.s32 @!p0 $0x2800;
	s14 =	simm.s32 @!p0 $0x100;
	[sflag:s0] =	ssyncadd.s32 $0xFFFFC000  }
0x90: {  	[tilespmem:s16], [sflag:$0x1] =	stream.indirect.gather @!p0 [hbm4b:s4+s15], $0x80, s14, s15, $0xb8;
	[tilespmem:$0x1F800] =	vst v63  }
0x91: {  	_ =	swait.ge [sflag:s11], $0x4000  }
0x92: {  	s18 =	rddreg [dreg:$0x5]  }
0x93: {  	s14 =	sadd.s32 $0xFFFFFFFF, s18  }
0x94: {  	p0 =	sne.s32 s14, $0x0  }
.Ltmp1:
0x95: {  	_ = 	snop;
	(pc) =	sbr.rel @!p0 .LBB2_5-.Ltmp1, $4  }
0x96: {  	[sflag:s11] =	ssyncset.done $0x0  }
0x97: {  	s19 =	simm.s32 $0x1480;
	[sflag:s11] =	ssyncadd.s32 $0xFFFFC000  }
0x98: {  	[spmem:s2] =	stream.indirect.scatter.add.f32 [tilespmem:s9], [sflag:$0x3], $0x80, s19, s7, $0xb8;
	[tilespmem:$0x1F800] =	vst v63  }
0x99: {  	s15 =	simm.s32 $0x180;
	s16 =	simm.s32 $0x4;
	_ =	swait.ge [sflag:s0], $0x4000  }
.LBB2_4:
0x9a: {  	s14 =	sadd.s32 $0xFFFFFFFF, s14;
	[sflag:s0] =	ssyncset.done $0x0;
	s13 =	sadd.s32 $0x100, s13  }
0x9b: {  	p0 =	sne.s32 s14, $0x0;
	[sflag:s0] =	ssyncadd.s32 $0xFFFFC000  }
0x9c: {  	[tilespmem:s9], [sflag:$0x2] =	stream.indirect.gather [hbm4b:s4+s7], $0x80, s15, s7, $0xb8;
	[tilespmem:$0x1F800] =	vst v63  }
0x9d: {  	_ =	swait.ge [sflag:s10], $0x4000  }
0x9e: {  	[sflag:s10] =	ssyncset.done $0x0  }
0x9f: {  	[sflag:s10] =	ssyncadd.s32 $0xFFFFC000  }
0xa0: {  	[spmem:s2] =	stream.indirect.scatter.add.f32 [tilespmem:s6], [sflag:$0x3], $0x80, s13, s7, $0xb8;
	[tilespmem:$0x1F800] =	vst v63  }
0xa1: {  	p1 =	sge.s32 s16, s8;
	_ =	swait.ge [sflag:s0], $0x4000  }
0xa2: {  	s17 =	sadd.s32 @!p1 $0x80, s15;
	s18 =	simm.s32 @!p1 $0x80;
	[sflag:s0] =	ssyncset.done $0x0  }
0xa3: {  	s19 =	simm.s32 @!p1 $0x2800;
	[sflag:s0] =	ssyncadd.s32 $0xFFFFC000  }
0xa4: {  	[tilespmem:s19], [sflag:$0x1] =	stream.indirect.gather @!p1 [hbm4b:s4+s18], $0x80, s17, s18, $0xb8;
	[tilespmem:$0x1F800] =	vst v63  }
.Ltmp2:
0xa5: {  	_ =	swait.ge [sflag:s11], $0x4000;
	(pc) =	sbr.rel @p0 .LBB2_4-.Ltmp2, $4  }
0xa6: {  	s17 =	sadd.s32 $0x80, s13;
	[sflag:s11] =	ssyncset.done $0x0  }
0xa7: {  	[sflag:s11] =	ssyncadd.s32 $0xFFFFC000  }
0xa8: {  	[spmem:s2] =	stream.indirect.scatter.add.f32 [tilespmem:s9], [sflag:$0x3], $0x80, s17, s7, $0xb8;
	[tilespmem:$0x1F800] =	vst v63  }
0xa9: {  	s16 =	sadd.s32 $0x2, s16;
	s15 =	sadd.s32 $0x100, s15;
	_ =	swait.ge [sflag:s0], $0x4000  }
.LBB2_5:
0xaa: {  	[sflag:s0] =	ssyncset.done $0x0;
	s13 =	stileid.u32  }
0xab: {  	[sflag:s0] =	ssyncadd.s32 $0xFFFFC000;
	s13 =	sshll.u32 s13, $0x6  }
0xac: {  	s14 =	sshrl.u32 s5, $0x3;
	[bflag:$0x0] =	sbarrier.arrive $0xFFFF;
	s13 =	sor.u32 $0x1C03, s13  }
0xad: {  	[hbm:s24], [sflag:s13] =	dma.local [spmem:s14], $0x2800  }
0xae: {  	_ =	swait.ge [sflag:s0], $0x2800  }
0xaf: {  	s12 =	sadd.s32 $0x1, s12;
	s19 =	rddreg [dreg:$0x6]  }
0xb0: {  	p0 =	sne.s32 s12, s19  }
.Ltmp3:
0xb1: {  	_ = 	snop;
	(pc) =	sbr.rel @p0 .LBB2_1-.Ltmp3, $3  }
0xb2: {  	_ =	sdelay $0x1  }
0xb3: {  	[sflag:s0] =	ssyncset.done $0x0  }
0xb4: {  	[sflag:s0] =	ssyncadd.s32 $0xFFFFD800  }
0xb5: {  	_ =	sfence.sel $0x180000  }
0xb6: {  	[bflag:$0x0] =	sbarrier.arrive $0xFFFF  }
0xb7: {  	_ =	strace $0x9000004D  }
0xb8: {  	s0 =	stileid.u32;
	[bflag:$0x2] =	sbarrier.arrive $0xFFFF  }
0xb9: {  	p0 =	sne.s32 s0, $0x0;
	s0 =	rddreg [dreg:$0x2]  }
0xba: {  	s0 =	sadd.s32 @!p0 $0x100000, s0  }
0xbb: {  	[sflag:s0] =	ssyncadd.tile.s32 @!p0 $0x1;
	_ =	shalt  }
.Lfunc_end2:
_tile_overlayer_lowered:
.L_overlay_start_2:
0xbc: {  	(tag) =	ssettag $0x2  }
0xbd: {  	s0 =	rddreg [dreg:$0x0];
	s2 =	stileid.u32  }
0xbe: {  	s1 =	rddreg [dreg:$0x1];
	p0 =	sne.s32 s2, $0x0  }
0xbf: {  	s3 =	rddreg [dreg:$0x2];
	[bflag:$0x3] =	sbarrier.arrive $0xFFFF;
	s2 =	simm.s32 @!p0 $0x1C03  }
0xc0: {  	[timem:s3], [sflag:s2] =	dma.local @!p0 [hbm:s0], s1  }
0xc1: {  	s0 =	simm.s32 @!p0 $0x3  }
0xc2: {  	_ =	swait.ge @!p0 [sflag:s0], s1  }
0xc3: {  	s1 =	ssub.s32 @!p0 $0x0, s1;
	[sflag:s0] =	ssyncset.done @!p0 $0x0  }
0xc4: {  	[sflag:s0] =	ssyncadd.s32 @!p0 s1  }
0xc5: {  	[bflag:$0x3] =	sbarrier.arrive $0xFFFF  }
0xc6: {  	_ =	shalt  }

</sc_bundles>
